<compile_context>
chip_gen: v7x
topology: tpu7x:2x2x1
jax: 0.10.2.dev20260603
libtpu: 0.0.44.dev20260713+nightly
codegen_flags: <defaults>
</compile_context>

<pallas_src>
import jax
import jax.numpy as jnp
from jax import lax
from jax.experimental import pallas as pl
from jax.experimental.pallas import tpu as pltpu
from jax.experimental.pallas import tpu_sc as plsc

N = 10000
E = 320000
D = 128

NC = 2
NS = 16
NW = NC * NS
CH = 80
NCH = E // (NW * CH)
NP = 10240
RPT = NP // NS

_mesh = plsc.VectorSubcoreMesh(core_axis_name="c", subcore_axis_name="s")



def _deg_body(dst1, degp, didx, ones_v, si, ss, deg_sh):
    c = lax.axis_index("c")
    s = lax.axis_index("s")
    wid = s * NC + c

    def zfill(i, _):
        for j in range(D // 16):
            ones_v[i, pl.ds(j * 16, 16)] = jnp.zeros((16,), jnp.float32)
        return _

    lax.fori_loop(0, CH, zfill, None)

    def zslab(i, _):
        pltpu.sync_copy(ones_v, deg_sh.at[pl.ds(s * RPT + i * CH, CH)])
        return _

    lax.fori_loop(0, RPT // CH, zslab, None)

    def fill(i, _):
        for j in range(D // 16):
            ones_v[i, pl.ds(j * 16, 16)] = jnp.ones((16,), jnp.float32)
        return _

    lax.fori_loop(0, CH, fill, None)
    plsc.subcore_barrier()

    def idx_desc(q, ci):
        base = (ci * NW + wid) * CH
        return pltpu.make_async_copy(dst1.at[pl.ds(base, CH)], didx[q], si[q])

    def sct_desc(r):
        return pltpu.make_async_copy(ones_v, deg_sh.at[didx[r]], ss[r])

    idx_desc(0, 0).start()
    idx_desc(1, 1).start()

    def step(ci, r):
        idx_desc(r, ci).wait()

        @pl.when(ci >= 6)
        def _():
            sct_desc((r - 6) % DRING).wait()

        @pl.when(ci < NCH - 2)
        def _():
            idx_desc((r + 2) % DRING, ci + 2).start()

        sct_desc(r).start(add=True)

    def chunk(ci, _):
        for k in range(DRING):
            @pl.when(ci % DRING == k)
            def _():
                step(ci, k)
        return _

    lax.fori_loop(0, NCH, chunk, None)
    for j in range(NCH - 6, NCH):
        sct_desc(j % DRING).wait()

    plsc.subcore_barrier()
    pltpu.sync_copy(deg_sh.at[pl.ds(s * RPT, RPT)],
                    degp.at[c, pl.ds(s * RPT, RPT)])


DRING = 8

_DEG_SCRATCH = [
    [pltpu.VMEM((CH,), jnp.int32) for _ in range(DRING)],
    pltpu.VMEM((CH, D), jnp.float32),
    [pltpu.SemaphoreType.DMA for _ in range(DRING)],
    [pltpu.SemaphoreType.DMA for _ in range(DRING)],
    pltpu.VMEM_SHARED((NP, D), jnp.float32),
]

_deg_kernel = pl.kernel(
    _deg_body,
    out_type=jax.ShapeDtypeStruct((NC, NP, D), jnp.float32),
    mesh=_mesh,
    scratch_types=_DEG_SCRATCH,
)



_BLK = 1000


def _scale_body(feat_ref, degp_ref, out_ref):
    deg = degp_ref[0, :, 0:1] + degp_ref[1, :, 0:1]
    d = jnp.maximum(deg, 1.0)
    out_ref[...] = feat_ref[...] * lax.rsqrt(d)


_scale_call = pl.pallas_call(
    _scale_body,
    grid=(N // _BLK,),
    in_specs=[
        pl.BlockSpec((_BLK, D), lambda i: (i, 0)),
        pl.BlockSpec((NC, _BLK, D), lambda i: (0, i, 0)),
    ],
    out_specs=pl.BlockSpec((_BLK, D), lambda i: (i, 0)),
    out_shape=jax.ShapeDtypeStruct((N, D), jnp.float32),
)



def _agg_body(scaled, src1, dst1, part, sidx, didx, rows, si, sg, ss,
              agg_sh):
    c = lax.axis_index("c")
    s = lax.axis_index("s")
    wid = s * NC + c

    def zfill(i, _):
        for j in range(D // 16):
            rows[0][i, pl.ds(j * 16, 16)] = jnp.zeros((16,), jnp.float32)
        return _

    lax.fori_loop(0, CHA, zfill, None)

    def zslab(i, _):
        pltpu.sync_copy(rows[0], agg_sh.at[pl.ds(s * RPT + i * CHA, CHA)])
        return _

    lax.fori_loop(0, RPT // CHA, zslab, None)
    plsc.subcore_barrier()

    def idx_desc(r, ci):
        base = (ci * NW + wid) * CHA
        return (
            pltpu.make_async_copy(src1.at[pl.ds(base, CHA)], sidx[r], si[r]),
            pltpu.make_async_copy(dst1.at[pl.ds(base, CHA)], didx[r], si[r]),
        )

    def gat_desc(r):
        return pltpu.make_async_copy(scaled.at[sidx[r]], rows[r], sg[r])

    def sct_desc(r):
        return pltpu.make_async_copy(rows[r], agg_sh.at[didx[r]], ss[r])

    def idx_start(r, ci):
        d1, d2 = idx_desc(r, ci)
        d1.start()
        d2.start()

    def idx_wait(r, ci):
        d1, d2 = idx_desc(r, ci)
        d1.wait()
        d2.wait()

    idx_start(0, 0)
    idx_start(1, 1)

    def step(ci, r):
        idx_wait(r, ci)

        @pl.when(ci >= 6)
        def _():
            sct_desc((r - 6) % RING).wait()

        @pl.when(ci < NCHA - 2)
        def _():
            idx_start((r + 2) % RING, ci + 2)

        gat_desc(r).start()

        @pl.when(ci >= GL)
        def _():
            rr = (r - GL) % RING
            gat_desc(rr).wait()
            sct_desc(rr).start(add=True)

    def chunk(ci, _):
        for k in range(RING):
            @pl.when(ci % RING == k)
            def _():
                step(ci, k)
        return _

    lax.fori_loop(0, NCHA, chunk, None)
    for j in range(NCHA - GL, NCHA):
        gat_desc(j % RING).wait()
        sct_desc(j % RING).start(add=True)
    for j in range(NCHA - 6, NCHA):
        sct_desc(j % RING).wait()

    plsc.subcore_barrier()
    pltpu.sync_copy(agg_sh.at[pl.ds(s * RPT, RPT)],
                    part.at[c, pl.ds(s * RPT, RPT)])


CHA = 40
NCHA = E // (NW * CHA)
RING = 8
GL = 3

_AGG_SCRATCH = [
    [pltpu.VMEM((CHA,), jnp.int32) for _ in range(RING)],
    [pltpu.VMEM((CHA,), jnp.int32) for _ in range(RING)],
    [pltpu.VMEM((CHA, D), jnp.float32) for _ in range(RING)],
    [pltpu.SemaphoreType.DMA for _ in range(RING)],
    [pltpu.SemaphoreType.DMA for _ in range(RING)],
    [pltpu.SemaphoreType.DMA for _ in range(RING)],
    pltpu.VMEM_SHARED((NP, D), jnp.float32),
]

_agg_kernel = pl.kernel(
    _agg_body,
    out_type=jax.ShapeDtypeStruct((NC, NP, D), jnp.float32),
    mesh=_mesh,
    scratch_types=_AGG_SCRATCH,
)




def _mm_body(part_ref, w_ref, out_ref):
    a = part_ref[0] + part_ref[1]
    out_ref[...] = lax.dot_general(a, w_ref[...], (((1,), (1,)), ((), ())),
                                   preferred_element_type=jnp.float32)


_mm_call = pl.pallas_call(
    _mm_body,
    grid=(N // _BLK,),
    in_specs=[
        pl.BlockSpec((NC, _BLK, D), lambda i: (0, i, 0)),
        pl.BlockSpec((D, D), lambda i: (0, 0)),
    ],
    out_specs=pl.BlockSpec((_BLK, D), lambda i: (i, 0)),
    out_shape=jax.ShapeDtypeStruct((N, D), jnp.float32),
)


def kernel(features, edge_index, W):
    src1 = edge_index[0]
    dst1 = edge_index[1]
    degp = _deg_kernel(dst1)
    scaled = _scale_call(features, degp)
    part = _agg_kernel(scaled, src1, dst1)
    return _mm_call(part, W)

# --- scband reference (transcript-rebuilt; emitter-appended) ---
"""Pipeline reference for scband-gcnlayer-34016140984773 (READ-ONLY COPY).

The authoritative reference and input builder live on the scoring server;
editing this copy changes nothing except your own understanding.
"""

import jax, jax.numpy as jnp
import numpy as np

N = 10000
E = 320000
D_IN = 128
D_OUT = 128


def setup_inputs(seed: int = 0) -> dict:
    key = jax.random.key(seed)
    k1, k2, k3 = jax.random.split(key, 3)
    features = jax.random.normal(k1, (N, D_IN), dtype=jnp.float32)
    edge_index = jax.random.randint(k2, (2, E), 0, N, dtype=jnp.int32)
    # xavier_normal for linear weight [out_dim, in_dim], gain=1 (activation=None)
    std = float(np.sqrt(2.0 / (D_IN + D_OUT)))
    W = jax.random.normal(k3, (D_OUT, D_IN), dtype=jnp.float32) * std
    return {"features": features, "edge_index": edge_index, "W": W}


def reference(features, edge_index, W):
    # DGL GCNLayer forward with graph_norm=True, bias=False, activation=None,
    # batch_norm=False, pair_norm=False, residual=False, dropout=0 (identity)
    src = edge_index[0]
    dst = edge_index[1]
    # graph_norm: in-degree based pre-normalization of node features
    deg = jnp.zeros((N,), dtype=jnp.float32).at[dst].add(1.0)
    deg = jnp.clip(deg, 1.0, None)
    norm = jnp.power(deg, -0.5)
    feats = features * norm[:, None]
    # update_all(copy_src('h','m'), sum('m','h')): gather src feats, scatter-add to dst
    msgs = jnp.take(feats, src, axis=0)
    agg = jax.ops.segment_sum(msgs, dst, num_segments=N)
    # apply_nodes: linear (no bias)
    h = agg @ W.T
    return h

if __name__ == "__main__":
    import jax
    _d = setup_inputs()
    print(jax.jit(kernel)(*tuple(_d.values())))

</pallas_src>

<mosaic_0001>
#map = affine_map<(d0, d1) -> (0)>
#map1 = affine_map<(d0, d1) -> (0, 0, 0)>
module attributes {stable_mosaic.version = 14 : i64} {
  func.func @_deg_body(%arg0: i32, %arg1: i32, %arg2: memref<320000xi32, #tpu.memory_space<hbm>>, %arg3: memref<2x10240x128xf32, #tpu.memory_space<hbm>>, %arg4: memref<80xi32, #tpu.memory_space<vmem>>, %arg5: memref<80xi32, #tpu.memory_space<vmem>>, %arg6: memref<80xi32, #tpu.memory_space<vmem>>, %arg7: memref<80xi32, #tpu.memory_space<vmem>>, %arg8: memref<80xi32, #tpu.memory_space<vmem>>, %arg9: memref<80xi32, #tpu.memory_space<vmem>>, %arg10: memref<80xi32, #tpu.memory_space<vmem>>, %arg11: memref<80xi32, #tpu.memory_space<vmem>>, %arg12: memref<80x128xf32, #tpu.memory_space<vmem>>, %arg13: memref<!tpu.dma_semaphore, #tpu.memory_space<semaphore_mem>>, %arg14: memref<!tpu.dma_semaphore, #tpu.memory_space<semaphore_mem>>, %arg15: memref<!tpu.dma_semaphore, #tpu.memory_space<semaphore_mem>>, %arg16: memref<!tpu.dma_semaphore, #tpu.memory_space<semaphore_mem>>, %arg17: memref<!tpu.dma_semaphore, #tpu.memory_space<semaphore_mem>>, %arg18: memref<!tpu.dma_semaphore, #tpu.memory_space<semaphore_mem>>, %arg19: memref<!tpu.dma_semaphore, #tpu.memory_space<semaphore_mem>>, %arg20: memref<!tpu.dma_semaphore, #tpu.memory_space<semaphore_mem>>, %arg21: memref<!tpu.dma_semaphore, #tpu.memory_space<semaphore_mem>>, %arg22: memref<!tpu.dma_semaphore, #tpu.memory_space<semaphore_mem>>, %arg23: memref<!tpu.dma_semaphore, #tpu.memory_space<semaphore_mem>>, %arg24: memref<!tpu.dma_semaphore, #tpu.memory_space<semaphore_mem>>, %arg25: memref<!tpu.dma_semaphore, #tpu.memory_space<semaphore_mem>>, %arg26: memref<!tpu.dma_semaphore, #tpu.memory_space<semaphore_mem>>, %arg27: memref<!tpu.dma_semaphore, #tpu.memory_space<semaphore_mem>>, %arg28: memref<!tpu.dma_semaphore, #tpu.memory_space<semaphore_mem>>, %arg29: memref<10240x128xf32, #tpu.memory_space<vmem_shared>>) attributes {dimension_semantics = [#tpu.dimension_semantics<core_parallel>, #tpu.dimension_semantics<subcore_parallel>], iteration_bounds = array<i64: 2, 16>, scalar_prefetch = 0 : i64, scratch_operands = 26 : i64, tpu.core_type = #tpu.core_type<sc_vector_subcore>, window_params = [{transform_indices = #map}, {transform_indices = #map1}]} {
    %mul3A = arith.constant 2 : i32
    %mul3A_0 = arith.muli %arg1, %mul3A : i32
    %add3A = arith.addi %mul3A_0, %arg0 : i32
    %scan3A = arith.constant 0 : i32
    %scan3A_1 = arith.constant 80 : i32
    %scan3A_2 = arith.addi %scan3A, %scan3A_1 : i32
    %scan3A_3 = arith.constant 1 : i32
    scf.for %scan3A_53 = %scan3A to %scan3A_2 step %scan3A_3  : i32 {
      %broadcast_in_dim3A = arith.constant 0.000000e+00 : f32
      %broadcast_in_dim3A_54 = vector.broadcast %broadcast_in_dim3A : f32 to vector<16xf32>
      %swap3A = arith.index_cast %scan3A_53 : i32 to index
      %swap3A_55 = arith.constant 0 : index
      %swap3A_56 = tpu.vector_load %arg12[%swap3A, %swap3A_55] {strides = array<i32>} : memref<80x128xf32, #tpu.memory_space<vmem>>, vector<1x16xf32>,
      %swap3A_57 = vector.shape_cast %swap3A_56 : vector<1x16xf32> to vector<16xf32>
      %swap3A_58 = vector.shape_cast %broadcast_in_dim3A_54 : vector<16xf32> to vector<1x16xf32>
      tpu.vector_store %arg12[%swap3A, %swap3A_55], %swap3A_58 {strides = array<i32>} : memref<80x128xf32, #tpu.memory_space<vmem>>, vector<1x16xf32>,
      %broadcast_in_dim3A_59 = arith.constant 0.000000e+00 : f32
      %broadcast_in_dim3A_60 = vector.broadcast %broadcast_in_dim3A_59 : f32 to vector<16xf32>
      %swap3A_61 = arith.index_cast %scan3A_53 : i32 to index
      %swap3A_62 = arith.constant 16 : index
      %swap3A_63 = tpu.vector_load %arg12[%swap3A_61, %swap3A_62] {strides = array<i32>} : memref<80x128xf32, #tpu.memory_space<vmem>>, vector<1x16xf32>,
      %swap3A_64 = vector.shape_cast %swap3A_63 : vector<1x16xf32> to vector<16xf32>
      %swap3A_65 = vector.shape_cast %broadcast_in_dim3A_60 : vector<16xf32> to vector<1x16xf32>
      tpu.vector_store %arg12[%swap3A_61, %swap3A_62], %swap3A_65 {strides = array<i32>} : memref<80x128xf32, #tpu.memory_space<vmem>>, vector<1x16xf32>,
      %broadcast_in_dim3A_66 = arith.constant 0.000000e+00 : f32
      %broadcast_in_dim3A_67 = vector.broadcast %broadcast_in_dim3A_66 : f32 to vector<16xf32>
      %swap3A_68 = arith.index_cast %scan3A_53 : i32 to index
      %swap3A_69 = arith.constant 32 : index
      %swap3A_70 = tpu.vector_load %arg12[%swap3A_68, %swap3A_69] {strides = array<i32>} : memref<80x128xf32, #tpu.memory_space<vmem>>, vector<1x16xf32>,
      %swap3A_71 = vector.shape_cast %swap3A_70 : vector<1x16xf32> to vector<16xf32>
      %swap3A_72 = vector.shape_cast %broadcast_in_dim3A_67 : vector<16xf32> to vector<1x16xf32>
      tpu.vector_store %arg12[%swap3A_68, %swap3A_69], %swap3A_72 {strides = array<i32>} : memref<80x128xf32, #tpu.memory_space<vmem>>, vector<1x16xf32>,
      %broadcast_in_dim3A_73 = arith.constant 0.000000e+00 : f32
      %broadcast_in_dim3A_74 = vector.broadcast %broadcast_in_dim3A_73 : f32 to vector<16xf32>
      %swap3A_75 = arith.index_cast %scan3A_53 : i32 to index
      %swap3A_76 = arith.constant 48 : index
      %swap3A_77 = tpu.vector_load %arg12[%swap3A_75, %swap3A_76] {strides = array<i32>} : memref<80x128xf32, #tpu.memory_space<vmem>>, vector<1x16xf32>,
      %swap3A_78 = vector.shape_cast %swap3A_77 : vector<1x16xf32> to vector<16xf32>
      %swap3A_79 = vector.shape_cast %broadcast_in_dim3A_74 : vector<16xf32> to vector<1x16xf32>
      tpu.vector_store %arg12[%swap3A_75, %swap3A_76], %swap3A_79 {strides = array<i32>} : memref<80x128xf32, #tpu.memory_space<vmem>>, vector<1x16xf32>,
      %broadcast_in_dim3A_80 = arith.constant 0.000000e+00 : f32
      %broadcast_in_dim3A_81 = vector.broadcast %broadcast_in_dim3A_80 : f32 to vector<16xf32>
      %swap3A_82 = arith.index_cast %scan3A_53 : i32 to index
      %swap3A_83 = arith.constant 64 : index
      %swap3A_84 = tpu.vector_load %arg12[%swap3A_82, %swap3A_83] {strides = array<i32>} : memref<80x128xf32, #tpu.memory_space<vmem>>, vector<1x16xf32>,
      %swap3A_85 = vector.shape_cast %swap3A_84 : vector<1x16xf32> to vector<16xf32>
      %swap3A_86 = vector.shape_cast %broadcast_in_dim3A_81 : vector<16xf32> to vector<1x16xf32>
      tpu.vector_store %arg12[%swap3A_82, %swap3A_83], %swap3A_86 {strides = array<i32>} : memref<80x128xf32, #tpu.memory_space<vmem>>, vector<1x16xf32>,
      %broadcast_in_dim3A_87 = arith.constant 0.000000e+00 : f32
      %broadcast_in_dim3A_88 = vector.broadcast %broadcast_in_dim3A_87 : f32 to vector<16xf32>
      %swap3A_89 = arith.index_cast %scan3A_53 : i32 to index
      %swap3A_90 = arith.constant 80 : index
      %swap3A_91 = tpu.vector_load %arg12[%swap3A_89, %swap3A_90] {strides = array<i32>} : memref<80x128xf32, #tpu.memory_space<vmem>>, vector<1x16xf32>,
      %swap3A_92 = vector.shape_cast %swap3A_91 : vector<1x16xf32> to vector<16xf32>
      %swap3A_93 = vector.shape_cast %broadcast_in_dim3A_88 : vector<16xf32> to vector<1x16xf32>
      tpu.vector_store %arg12[%swap3A_89, %swap3A_90], %swap3A_93 {strides = array<i32>} : memref<80x128xf32, #tpu.memory_space<vmem>>, vector<1x16xf32>,
      %broadcast_in_dim3A_94 = arith.constant 0.000000e+00 : f32
      %broadcast_in_dim3A_95 = vector.broadcast %broadcast_in_dim3A_94 : f32 to vector<16xf32>
      %swap3A_96 = arith.index_cast %scan3A_53 : i32 to index
      %swap3A_97 = arith.constant 96 : index
      %swap3A_98 = tpu.vector_load %arg12[%swap3A_96, %swap3A_97] {strides = array<i32>} : memref<80x128xf32, #tpu.memory_space<vmem>>, vector<1x16xf32>,
      %swap3A_99 = vector.shape_cast %swap3A_98 : vector<1x16xf32> to vector<16xf32>
      %swap3A_100 = vector.shape_cast %broadcast_in_dim3A_95 : vector<16xf32> to vector<1x16xf32>
      tpu.vector_store %arg12[%swap3A_96, %swap3A_97], %swap3A_100 {strides = array<i32>} : memref<80x128xf32, #tpu.memory_space<vmem>>, vector<1x16xf32>,
      %broadcast_in_dim3A_101 = arith.constant 0.000000e+00 : f32
      %broadcast_in_dim3A_102 = vector.broadcast %broadcast_in_dim3A_101 : f32 to vector<16xf32>
      %swap3A_103 = arith.index_cast %scan3A_53 : i32 to index
      %swap3A_104 = arith.constant 112 : index
      %swap3A_105 = tpu.vector_load %arg12[%swap3A_103, %swap3A_104] {strides = array<i32>} : memref<80x128xf32, #tpu.memory_space<vmem>>, vector<1x16xf32>,
      %swap3A_106 = vector.shape_cast %swap3A_105 : vector<1x16xf32> to vector<16xf32>
      %swap3A_107 = vector.shape_cast %broadcast_in_dim3A_102 : vector<16xf32> to vector<1x16xf32>
      tpu.vector_store %arg12[%swap3A_103, %swap3A_104], %swap3A_107 {strides = array<i32>} : memref<80x128xf32, #tpu.memory_space<vmem>>, vector<1x16xf32>,
    }
    %scan3A_4 = arith.constant 80 : i32
    %scan3A_5 = arith.constant 0 : i32
    %scan3A_6 = arith.constant 8 : i32
    %scan3A_7 = arith.addi %scan3A_5, %scan3A_6 : i32
    %scan3A_8 = arith.constant 1 : i32
    scf.for %scan3A_53 = %scan3A_5 to %scan3A_7 step %scan3A_8  : i32 {
      %mul3A_54 = arith.constant 640 : i32
      %mul3A_55 = arith.muli %arg1, %mul3A_54 : i32
      %mul3A_56 = arith.constant 80 : i32
      %mul3A_57 = arith.muli %scan3A_53, %mul3A_56 : i32
      %add3A_58 = arith.addi %mul3A_55, %mul3A_57 : i32
      "tpu.region"() ({
        %run_scoped3A = tpu.sem_alloc : memref<!tpu.dma_semaphore, #tpu.memory_space<semaphore_mem>>
        %dma_start3A_59 = arith.constant 0 : i32
        %dma_start3A_60 = tpu.memref_slice %arg29[%add3A_58, %dma_start3A_59] : memref<10240x128xf32, #tpu.memory_space<vmem_shared>> -> memref<80x128xf32, #tpu.memory_space<vmem_shared>>
        %dma_start3A_61 = arith.constant 0 : i32
        %dma_start3A_62 = tpu.memref_slice %arg29[%add3A_58, %dma_start3A_61] : memref<10240x128xf32, #tpu.memory_space<vmem_shared>> -> memref<80x128xf32, #tpu.memory_space<vmem_shared>>
        tpu.enqueue_dma source(%arg12 : memref<80x128xf32, #tpu.memory_space<vmem>>) target(%dma_start3A_62 : memref<80x128xf32, #tpu.memory_space<vmem_shared>>) target_semaphore(%run_scoped3A : memref<!tpu.dma_semaphore, #tpu.memory_space<semaphore_mem>>)
        %dma_wait3A_63 = arith.constant 0 : i32
        %dma_wait3A_64 = tpu.memref_slice %arg29[%add3A_58, %dma_wait3A_63] : memref<10240x128xf32, #tpu.memory_space<vmem_shared>> -> memref<80x128xf32, #tpu.memory_space<vmem_shared>>
        %dma_wait3A_65 = arith.constant 0 : i32
        %dma_wait3A_66 = tpu.memref_slice %arg29[%add3A_58, %dma_wait3A_65] : memref<10240x128xf32, #tpu.memory_space<vmem_shared>> -> memref<80x128xf32, #tpu.memory_space<vmem_shared>>
        tpu.wait_dma2 semaphore(%run_scoped3A : memref<!tpu.dma_semaphore, #tpu.memory_space<semaphore_mem>>) src(%arg12 : memref<80x128xf32, #tpu.memory_space<vmem>>) dst(%dma_wait3A_66 : memref<80x128xf32, #tpu.memory_space<vmem_shared>>)
        tpu.yield
      }) : () -> ()
    }
    %scan3A_9 = arith.constant 8 : i32
    %scan3A_10 = arith.constant 0 : i32
    %scan3A_11 = arith.constant 80 : i32
    %scan3A_12 = arith.addi %scan3A_10, %scan3A_11 : i32
    %scan3A_13 = arith.constant 1 : i32
    scf.for %scan3A_53 = %scan3A_10 to %scan3A_12 step %scan3A_13  : i32 {
      %broadcast_in_dim3A = arith.constant 1.000000e+00 : f32
      %broadcast_in_dim3A_54 = vector.broadcast %broadcast_in_dim3A : f32 to vector<16xf32>
      %swap3A = arith.index_cast %scan3A_53 : i32 to index
      %swap3A_55 = arith.constant 0 : index
      %swap3A_56 = tpu.vector_load %arg12[%swap3A, %swap3A_55] {strides = array<i32>} : memref<80x128xf32, #tpu.memory_space<vmem>>, vector<1x16xf32>,
      %swap3A_57 = vector.shape_cast %swap3A_56 : vector<1x16xf32> to vector<16xf32>
      %swap3A_58 = vector.shape_cast %broadcast_in_dim3A_54 : vector<16xf32> to vector<1x16xf32>
      tpu.vector_store %arg12[%swap3A, %swap3A_55], %swap3A_58 {strides = array<i32>} : memref<80x128xf32, #tpu.memory_space<vmem>>, vector<1x16xf32>,
      %broadcast_in_dim3A_59 = arith.constant 1.000000e+00 : f32
      %broadcast_in_dim3A_60 = vector.broadcast %broadcast_in_dim3A_59 : f32 to vector<16xf32>
      %swap3A_61 = arith.index_cast %scan3A_53 : i32 to index
      %swap3A_62 = arith.constant 16 : index
      %swap3A_63 = tpu.vector_load %arg12[%swap3A_61, %swap3A_62] {strides = array<i32>} : memref<80x128xf32, #tpu.memory_space<vmem>>, vector<1x16xf32>,
      %swap3A_64 = vector.shape_cast %swap3A_63 : vector<1x16xf32> to vector<16xf32>
      %swap3A_65 = vector.shape_cast %broadcast_in_dim3A_60 : vector<16xf32> to vector<1x16xf32>
      tpu.vector_store %arg12[%swap3A_61, %swap3A_62], %swap3A_65 {strides = array<i32>} : memref<80x128xf32, #tpu.memory_space<vmem>>, vector<1x16xf32>,
      %broadcast_in_dim3A_66 = arith.constant 1.000000e+00 : f32
      %broadcast_in_dim3A_67 = vector.broadcast %broadcast_in_dim3A_66 : f32 to vector<16xf32>
      %swap3A_68 = arith.index_cast %scan3A_53 : i32 to index
      %swap3A_69 = arith.constant 32 : index
      %swap3A_70 = tpu.vector_load %arg12[%swap3A_68, %swap3A_69] {strides = array<i32>} : memref<80x128xf32, #tpu.memory_space<vmem>>, vector<1x16xf32>,
      %swap3A_71 = vector.shape_cast %swap3A_70 : vector<1x16xf32> to vector<16xf32>
      %swap3A_72 = vector.shape_cast %broadcast_in_dim3A_67 : vector<16xf32> to vector<1x16xf32>
      tpu.vector_store %arg12[%swap3A_68, %swap3A_69], %swap3A_72 {strides = array<i32>} : memref<80x128xf32, #tpu.memory_space<vmem>>, vector<1x16xf32>,
      %broadcast_in_dim3A_73 = arith.constant 1.000000e+00 : f32
      %broadcast_in_dim3A_74 = vector.broadcast %broadcast_in_dim3A_73 : f32 to vector<16xf32>
      %swap3A_75 = arith.index_cast %scan3A_53 : i32 to index
      %swap3A_76 = arith.constant 48 : index
      %swap3A_77 = tpu.vector_load %arg12[%swap3A_75, %swap3A_76] {strides = array<i32>} : memref<80x128xf32, #tpu.memory_space<vmem>>, vector<1x16xf32>,
      %swap3A_78 = vector.shape_cast %swap3A_77 : vector<1x16xf32> to vector<16xf32>
      %swap3A_79 = vector.shape_cast %broadcast_in_dim3A_74 : vector<16xf32> to vector<1x16xf32>
      tpu.vector_store %arg12[%swap3A_75, %swap3A_76], %swap3A_79 {strides = array<i32>} : memref<80x128xf32, #tpu.memory_space<vmem>>, vector<1x16xf32>,
      %broadcast_in_dim3A_80 = arith.constant 1.000000e+00 : f32
      %broadcast_in_dim3A_81 = vector.broadcast %broadcast_in_dim3A_80 : f32 to vector<16xf32>
      %swap3A_82 = arith.index_cast %scan3A_53 : i32 to index
      %swap3A_83 = arith.constant 64 : index
      %swap3A_84 = tpu.vector_load %arg12[%swap3A_82, %swap3A_83] {strides = array<i32>} : memref<80x128xf32, #tpu.memory_space<vmem>>, vector<1x16xf32>,
      %swap3A_85 = vector.shape_cast %swap3A_84 : vector<1x16xf32> to vector<16xf32>
      %swap3A_86 = vector.shape_cast %broadcast_in_dim3A_81 : vector<16xf32> to vector<1x16xf32>
      tpu.vector_store %arg12[%swap3A_82, %swap3A_83], %swap3A_86 {strides = array<i32>} : memref<80x128xf32, #tpu.memory_space<vmem>>, vector<1x16xf32>,
      %broadcast_in_dim3A_87 = arith.constant 1.000000e+00 : f32
      %broadcast_in_dim3A_88 = vector.broadcast %broadcast_in_dim3A_87 : f32 to vector<16xf32>
      %swap3A_89 = arith.index_cast %scan3A_53 : i32 to index
      %swap3A_90 = arith.constant 80 : index
      %swap3A_91 = tpu.vector_load %arg12[%swap3A_89, %swap3A_90] {strides = array<i32>} : memref<80x128xf32, #tpu.memory_space<vmem>>, vector<1x16xf32>,
      %swap3A_92 = vector.shape_cast %swap3A_91 : vector<1x16xf32> to vector<16xf32>
      %swap3A_93 = vector.shape_cast %broadcast_in_dim3A_88 : vector<16xf32> to vector<1x16xf32>
      tpu.vector_store %arg12[%swap3A_89, %swap3A_90], %swap3A_93 {strides = array<i32>} : memref<80x128xf32, #tpu.memory_space<vmem>>, vector<1x16xf32>,
      %broadcast_in_dim3A_94 = arith.constant 1.000000e+00 : f32
      %broadcast_in_dim3A_95 = vector.broadcast %broadcast_in_dim3A_94 : f32 to vector<16xf32>
      %swap3A_96 = arith.index_cast %scan3A_53 : i32 to index
      %swap3A_97 = arith.constant 96 : index
      %swap3A_98 = tpu.vector_load %arg12[%swap3A_96, %swap3A_97] {strides = array<i32>} : memref<80x128xf32, #tpu.memory_space<vmem>>, vector<1x16xf32>,
      %swap3A_99 = vector.shape_cast %swap3A_98 : vector<1x16xf32> to vector<16xf32>
      %swap3A_100 = vector.shape_cast %broadcast_in_dim3A_95 : vector<16xf32> to vector<1x16xf32>
      tpu.vector_store %arg12[%swap3A_96, %swap3A_97], %swap3A_100 {strides = array<i32>} : memref<80x128xf32, #tpu.memory_space<vmem>>, vector<1x16xf32>,
      %broadcast_in_dim3A_101 = arith.constant 1.000000e+00 : f32
      %broadcast_in_dim3A_102 = vector.broadcast %broadcast_in_dim3A_101 : f32 to vector<16xf32>
      %swap3A_103 = arith.index_cast %scan3A_53 : i32 to index
      %swap3A_104 = arith.constant 112 : index
      %swap3A_105 = tpu.vector_load %arg12[%swap3A_103, %swap3A_104] {strides = array<i32>} : memref<80x128xf32, #tpu.memory_space<vmem>>, vector<1x16xf32>,
      %swap3A_106 = vector.shape_cast %swap3A_105 : vector<1x16xf32> to vector<16xf32>
      %swap3A_107 = vector.shape_cast %broadcast_in_dim3A_102 : vector<16xf32> to vector<1x16xf32>
      tpu.vector_store %arg12[%swap3A_103, %swap3A_104], %swap3A_107 {strides = array<i32>} : memref<80x128xf32, #tpu.memory_space<vmem>>, vector<1x16xf32>,
    }
    %scan3A_14 = arith.constant 80 : i32
    %barrier3A = arith.constant 0 : index
    tpu.barrier barrier_id(%barrier3A)
    %add3A_15 = arith.constant 0 : i32
    %add3A_16 = arith.addi %add3A_15, %add3A : i32
    %mul3A_17 = arith.constant 80 : i32
    %mul3A_18 = arith.muli %add3A_16, %mul3A_17 : i32
    %dma_start3A = tpu.memref_slice %arg2[%mul3A_18] : memref<320000xi32, #tpu.memory_space<hbm>> -> memref<80xi32, #tpu.memory_space<hbm>>
    %dma_start3A_19 = tpu.memref_slice %arg2[%mul3A_18] : memref<320000xi32, #tpu.memory_space<hbm>> -> memref<80xi32, #tpu.memory_space<hbm>>
    tpu.enqueue_dma source(%dma_start3A_19 : memref<80xi32, #tpu.memory_space<hbm>>) target(%arg4 : memref<80xi32, #tpu.memory_space<vmem>>) target_semaphore(%arg13 : memref<!tpu.dma_semaphore, #tpu.memory_space<semaphore_mem>>)
    %add3A_20 = arith.constant 32 : i32
    %add3A_21 = arith.addi %add3A_20, %add3A : i32
    %mul3A_22 = arith.constant 80 : i32
    %mul3A_23 = arith.muli %add3A_21, %mul3A_22 : i32
    %dma_start3A_24 = tpu.memref_slice %arg2[%mul3A_23] : memref<320000xi32, #tpu.memory_space<hbm>> -> memref<80xi32, #tpu.memory_space<hbm>>
    %dma_start3A_25 = tpu.memref_slice %arg2[%mul3A_23] : memref<320000xi32, #tpu.memory_space<hbm>> -> memref<80xi32, #tpu.memory_space<hbm>>
    tpu.enqueue_dma source(%dma_start3A_25 : memref<80xi32, #tpu.memory_space<hbm>>) target(%arg5 : memref<80xi32, #tpu.memory_space<vmem>>) target_semaphore(%arg14 : memref<!tpu.dma_semaphore, #tpu.memory_space<semaphore_mem>>)
    %scan3A_26 = arith.constant 0 : i32
    %scan3A_27 = arith.constant 125 : i32
    %scan3A_28 = arith.addi %scan3A_26, %scan3A_27 : i32
    %scan3A_29 = arith.constant 1 : i32
    scf.for %scan3A_53 = %scan3A_26 to %scan3A_28 step %scan3A_29  : i32 {
      %jit3A = arith.constant 8 : i32
      %eq3A = arith.constant 0 : i32
      %eq3A_54 = arith.cmpi eq, %jit3A, %eq3A : i32
      %jit3A_55 = arith.constant 1 : i32
      %select_n3A = arith.select %eq3A_54, %jit3A_55, %jit3A : i32
      %rem3A = arith.remsi %scan3A_53, %select_n3A : i32
      %ne3A = arith.constant 0 : i32
      %ne3A_56 = arith.cmpi ne, %rem3A, %ne3A : i32
      %lt3A = arith.constant 0 : i32
      %lt3A_57 = arith.cmpi slt, %rem3A, %lt3A : i32
      %lt3A_58 = arith.constant 0 : i32
      %lt3A_59 = arith.cmpi slt, %select_n3A, %lt3A_58 : i32
      %ne3A_60 = arith.xori %lt3A_57, %lt3A_59 : i1
      %and3A = arith.andi %ne3A_60, %ne3A_56 : i1
      %add3A_61 = arith.addi %rem3A, %select_n3A : i32
      %select_n3A_62 = arith.select %and3A, %add3A_61, %rem3A : i32
      %eq3A_63 = arith.constant 0 : i32
      %eq3A_64 = arith.cmpi eq, %select_n3A_62, %eq3A_63 : i32
      %convert_element_type3A = arith.extui %eq3A_64 : i1 to i32
      %cond3A = arith.constant 0 : i32
      %cond3A_65 = arith.cmpi ne, %convert_element_type3A, %cond3A : i32
      scf.if %cond3A_65 {
        %mul3A_213 = arith.constant 32 : i32
        %mul3A_214 = arith.muli %scan3A_53, %mul3A_213 : i32
        %add3A_215 = arith.addi %mul3A_214, %add3A : i32
        %mul3A_216 = arith.constant 80 : i32
        %mul3A_217 = arith.muli %add3A_215, %mul3A_216 : i32
        %dma_wait3A_218 = tpu.memref_slice %arg2[%mul3A_217] : memref<320000xi32, #tpu.memory_space<hbm>> -> memref<80xi32, #tpu.memory_space<hbm>>
        %dma_wait3A_219 = tpu.memref_slice %arg2[%mul3A_217] : memref<320000xi32, #tpu.memory_space<hbm>> -> memref<80xi32, #tpu.memory_space<hbm>>
        tpu.wait_dma2 semaphore(%arg13 : memref<!tpu.dma_semaphore, #tpu.memory_space<semaphore_mem>>) src(%dma_wait3A_219 : memref<80xi32, #tpu.memory_space<hbm>>) dst(%arg4 : memref<80xi32, #tpu.memory_space<vmem>>)
        %ge3A = arith.constant 6 : i32
        %ge3A_220 = arith.cmpi sge, %scan3A_53, %ge3A : i32
        %convert_element_type3A_221 = arith.extui %ge3A_220 : i1 to i32
        %cond3A_222 = arith.constant 0 : i32
        %cond3A_223 = arith.cmpi ne, %convert_element_type3A_221, %cond3A_222 : i32
        scf.if %cond3A_223 {
          %dma_wait3A_232 = arith.constant 0 : i32
          %dma_wait3A_233 = arith.constant 0 : i32
          %dma_wait3A_234 = tpu.memref_slice %arg29[%dma_wait3A_232, %dma_wait3A_233] : memref<10240x128xf32, #tpu.memory_space<vmem_shared>> -> memref<10240x128xf32, #tpu.memory_space<vmem_shared>>
          tpu.wait_indirect_dma semaphore(%arg23 : memref<!tpu.dma_semaphore, #tpu.memory_space<semaphore_mem>>) src(%arg12 : memref<80x128xf32, #tpu.memory_space<vmem>>) dst(%dma_wait3A_234 : memref<10240x128xf32, #tpu.memory_space<vmem_shared>>)
        } else {
        }
        %lt3A_224 = arith.constant 123 : i32
        %lt3A_225 = arith.cmpi slt, %scan3A_53, %lt3A_224 : i32
        %convert_element_type3A_226 = arith.extui %lt3A_225 : i1 to i32
        %cond3A_227 = arith.constant 0 : i32
        %cond3A_228 = arith.cmpi ne, %convert_element_type3A_226, %cond3A_227 : i32
        scf.if %cond3A_228 {
          %add3A_232 = arith.constant 2 : i32
          %add3A_233 = arith.addi %scan3A_53, %add3A_232 : i32
          %mul3A_234 = arith.constant 32 : i32
          %mul3A_235 = arith.muli %add3A_233, %mul3A_234 : i32
          %add3A_236 = arith.addi %mul3A_235, %add3A : i32
          %mul3A_237 = arith.constant 80 : i32
          %mul3A_238 = arith.muli %add3A_236, %mul3A_237 : i32
          %dma_start3A_239 = tpu.memref_slice %arg2[%mul3A_238] : memref<320000xi32, #tpu.memory_space<hbm>> -> memref<80xi32, #tpu.memory_space<hbm>>
          %dma_start3A_240 = tpu.memref_slice %arg2[%mul3A_238] : memref<320000xi32, #tpu.memory_space<hbm>> -> memref<80xi32, #tpu.memory_space<hbm>>
          tpu.enqueue_dma source(%dma_start3A_240 : memref<80xi32, #tpu.memory_space<hbm>>) target(%arg6 : memref<80xi32, #tpu.memory_space<vmem>>) target_semaphore(%arg15 : memref<!tpu.dma_semaphore, #tpu.memory_space<semaphore_mem>>)
        } else {
        }
        %dma_start3A_229 = arith.constant 0 : i32
        %dma_start3A_230 = arith.constant 0 : i32
        %dma_start3A_231 = tpu.memref_slice %arg29[%dma_start3A_229, %dma_start3A_230] : memref<10240x128xf32, #tpu.memory_space<vmem_shared>> -> memref<10240x128xf32, #tpu.memory_space<vmem_shared>>
        tpu.enqueue_indirect_dma source(%arg12 : memref<80x128xf32, #tpu.memory_space<vmem>>) target(%dma_start3A_231 : memref<10240x128xf32, #tpu.memory_space<vmem_shared>>) offsets(%arg4 : memref<80xi32, #tpu.memory_space<vmem>>) semaphore(%arg21 : memref<!tpu.dma_semaphore, #tpu.memory_space<semaphore_mem>>) {add = true}
      } else {
      }
      %jit3A_66 = arith.constant 8 : i32
      %eq3A_67 = arith.constant 0 : i32
      %eq3A_68 = arith.cmpi eq, %jit3A_66, %eq3A_67 : i32
      %jit3A_69 = arith.constant 1 : i32
      %select_n3A_70 = arith.select %eq3A_68, %jit3A_69, %jit3A_66 : i32
      %rem3A_71 = arith.remsi %scan3A_53, %select_n3A_70 : i32
      %ne3A_72 = arith.constant 0 : i32
      %ne3A_73 = arith.cmpi ne, %rem3A_71, %ne3A_72 : i32
      %lt3A_74 = arith.constant 0 : i32
      %lt3A_75 = arith.cmpi slt, %rem3A_71, %lt3A_74 : i32
      %lt3A_76 = arith.constant 0 : i32
      %lt3A_77 = arith.cmpi slt, %select_n3A_70, %lt3A_76 : i32
      %ne3A_78 = arith.xori %lt3A_75, %lt3A_77 : i1
      %and3A_79 = arith.andi %ne3A_78, %ne3A_73 : i1
      %add3A_80 = arith.addi %rem3A_71, %select_n3A_70 : i32
      %select_n3A_81 = arith.select %and3A_79, %add3A_80, %rem3A_71 : i32
      %eq3A_82 = arith.constant 1 : i32
      %eq3A_83 = arith.cmpi eq, %select_n3A_81, %eq3A_82 : i32
      %convert_element_type3A_84 = arith.extui %eq3A_83 : i1 to i32
      %cond3A_85 = arith.constant 0 : i32
      %cond3A_86 = arith.cmpi ne, %convert_element_type3A_84, %cond3A_85 : i32
      scf.if %cond3A_86 {
        %mul3A_213 = arith.constant 32 : i32
        %mul3A_214 = arith.muli %scan3A_53, %mul3A_213 : i32
        %add3A_215 = arith.addi %mul3A_214, %add3A : i32
        %mul3A_216 = arith.constant 80 : i32
        %mul3A_217 = arith.muli %add3A_215, %mul3A_216 : i32
        %dma_wait3A_218 = tpu.memref_slice %arg2[%mul3A_217] : memref<320000xi32, #tpu.memory_space<hbm>> -> memref<80xi32, #tpu.memory_space<hbm>>
        %dma_wait3A_219 = tpu.memref_slice %arg2[%mul3A_217] : memref<320000xi32, #tpu.memory_space<hbm>> -> memref<80xi32, #tpu.memory_space<hbm>>
        tpu.wait_dma2 semaphore(%arg14 : memref<!tpu.dma_semaphore, #tpu.memory_space<semaphore_mem>>) src(%dma_wait3A_219 : memref<80xi32, #tpu.memory_space<hbm>>) dst(%arg5 : memref<80xi32, #tpu.memory_space<vmem>>)
        %ge3A = arith.constant 6 : i32
        %ge3A_220 = arith.cmpi sge, %scan3A_53, %ge3A : i32
        %convert_element_type3A_221 = arith.extui %ge3A_220 : i1 to i32
        %cond3A_222 = arith.constant 0 : i32
        %cond3A_223 = arith.cmpi ne, %convert_element_type3A_221, %cond3A_222 : i32
        scf.if %cond3A_223 {
          %dma_wait3A_232 = arith.constant 0 : i32
          %dma_wait3A_233 = arith.constant 0 : i32
          %dma_wait3A_234 = tpu.memref_slice %arg29[%dma_wait3A_232, %dma_wait3A_233] : memref<10240x128xf32, #tpu.memory_space<vmem_shared>> -> memref<10240x128xf32, #tpu.memory_space<vmem_shared>>
          tpu.wait_indirect_dma semaphore(%arg24 : memref<!tpu.dma_semaphore, #tpu.memory_space<semaphore_mem>>) src(%arg12 : memref<80x128xf32, #tpu.memory_space<vmem>>) dst(%dma_wait3A_234 : memref<10240x128xf32, #tpu.memory_space<vmem_shared>>)
        } else {
        }
        %lt3A_224 = arith.constant 123 : i32
        %lt3A_225 = arith.cmpi slt, %scan3A_53, %lt3A_224 : i32
        %convert_element_type3A_226 = arith.extui %lt3A_225 : i1 to i32
        %cond3A_227 = arith.constant 0 : i32
        %cond3A_228 = arith.cmpi ne, %convert_element_type3A_226, %cond3A_227 : i32
        scf.if %cond3A_228 {
          %add3A_232 = arith.constant 2 : i32
          %add3A_233 = arith.addi %scan3A_53, %add3A_232 : i32
          %mul3A_234 = arith.constant 32 : i32
          %mul3A_235 = arith.muli %add3A_233, %mul3A_234 : i32
          %add3A_236 = arith.addi %mul3A_235, %add3A : i32
          %mul3A_237 = arith.constant 80 : i32
          %mul3A_238 = arith.muli %add3A_236, %mul3A_237 : i32
          %dma_start3A_239 = tpu.memref_slice %arg2[%mul3A_238] : memref<320000xi32, #tpu.memory_space<hbm>> -> memref<80xi32, #tpu.memory_space<hbm>>
          %dma_start3A_240 = tpu.memref_slice %arg2[%mul3A_238] : memref<320000xi32, #tpu.memory_space<hbm>> -> memref<80xi32, #tpu.memory_space<hbm>>
          tpu.enqueue_dma source(%dma_start3A_240 : memref<80xi32, #tpu.memory_space<hbm>>) target(%arg7 : memref<80xi32, #tpu.memory_space<vmem>>) target_semaphore(%arg16 : memref<!tpu.dma_semaphore, #tpu.memory_space<semaphore_mem>>)
        } else {
        }
        %dma_start3A_229 = arith.constant 0 : i32
        %dma_start3A_230 = arith.constant 0 : i32
        %dma_start3A_231 = tpu.memref_slice %arg29[%dma_start3A_229, %dma_start3A_230] : memref<10240x128xf32, #tpu.memory_space<vmem_shared>> -> memref<10240x128xf32, #tpu.memory_space<vmem_shared>>
        tpu.enqueue_indirect_dma source(%arg12 : memref<80x128xf32, #tpu.memory_space<vmem>>) target(%dma_start3A_231 : memref<10240x128xf32, #tpu.memory_space<vmem_shared>>) offsets(%arg5 : memref<80xi32, #tpu.memory_space<vmem>>) semaphore(%arg22 : memref<!tpu.dma_semaphore, #tpu.memory_space<semaphore_mem>>) {add = true}
      } else {
      }
      %jit3A_87 = arith.constant 8 : i32
      %eq3A_88 = arith.constant 0 : i32
      %eq3A_89 = arith.cmpi eq, %jit3A_87, %eq3A_88 : i32
      %jit3A_90 = arith.constant 1 : i32
      %select_n3A_91 = arith.select %eq3A_89, %jit3A_90, %jit3A_87 : i32
      %rem3A_92 = arith.remsi %scan3A_53, %select_n3A_91 : i32
      %ne3A_93 = arith.constant 0 : i32
      %ne3A_94 = arith.cmpi ne, %rem3A_92, %ne3A_93 : i32
      %lt3A_95 = arith.constant 0 : i32
      %lt3A_96 = arith.cmpi slt, %rem3A_92, %lt3A_95 : i32
      %lt3A_97 = arith.constant 0 : i32
      %lt3A_98 = arith.cmpi slt, %select_n3A_91, %lt3A_97 : i32
      %ne3A_99 = arith.xori %lt3A_96, %lt3A_98 : i1
      %and3A_100 = arith.andi %ne3A_99, %ne3A_94 : i1
      %add3A_101 = arith.addi %rem3A_92, %select_n3A_91 : i32
      %select_n3A_102 = arith.select %and3A_100, %add3A_101, %rem3A_92 : i32
      %eq3A_103 = arith.constant 2 : i32
      %eq3A_104 = arith.cmpi eq, %select_n3A_102, %eq3A_103 : i32
      %convert_element_type3A_105 = arith.extui %eq3A_104 : i1 to i32
      %cond3A_106 = arith.constant 0 : i32
      %cond3A_107 = arith.cmpi ne, %convert_element_type3A_105, %cond3A_106 : i32
      scf.if %cond3A_107 {
        %mul3A_213 = arith.constant 32 : i32
        %mul3A_214 = arith.muli %scan3A_53, %mul3A_213 : i32
        %add3A_215 = arith.addi %mul3A_214, %add3A : i32
        %mul3A_216 = arith.constant 80 : i32
        %mul3A_217 = arith.muli %add3A_215, %mul3A_216 : i32
        %dma_wait3A_218 = tpu.memref_slice %arg2[%mul3A_217] : memref<320000xi32, #tpu.memory_space<hbm>> -> memref<80xi32, #tpu.memory_space<hbm>>
        %dma_wait3A_219 = tpu.memref_slice %arg2[%mul3A_217] : memref<320000xi32, #tpu.memory_space<hbm>> -> memref<80xi32, #tpu.memory_space<hbm>>
        tpu.wait_dma2 semaphore(%arg15 : memref<!tpu.dma_semaphore, #tpu.memory_space<semaphore_mem>>) src(%dma_wait3A_219 : memref<80xi32, #tpu.memory_space<hbm>>) dst(%arg6 : memref<80xi32, #tpu.memory_space<vmem>>)
        %ge3A = arith.constant 6 : i32
        %ge3A_220 = arith.cmpi sge, %scan3A_53, %ge3A : i32
        %convert_element_type3A_221 = arith.extui %ge3A_220 : i1 to i32
        %cond3A_222 = arith.constant 0 : i32
        %cond3A_223 = arith.cmpi ne, %convert_element_type3A_221, %cond3A_222 : i32
        scf.if %cond3A_223 {
          %dma_wait3A_232 = arith.constant 0 : i32
          %dma_wait3A_233 = arith.constant 0 : i32
          %dma_wait3A_234 = tpu.memref_slice %arg29[%dma_wait3A_232, %dma_wait3A_233] : memref<10240x128xf32, #tpu.memory_space<vmem_shared>> -> memref<10240x128xf32, #tpu.memory_space<vmem_shared>>
          tpu.wait_indirect_dma semaphore(%arg25 : memref<!tpu.dma_semaphore, #tpu.memory_space<semaphore_mem>>) src(%arg12 : memref<80x128xf32, #tpu.memory_space<vmem>>) dst(%dma_wait3A_234 : memref<10240x128xf32, #tpu.memory_space<vmem_shared>>)
        } else {
        }
        %lt3A_224 = arith.constant 123 : i32
        %lt3A_225 = arith.cmpi slt, %scan3A_53, %lt3A_224 : i32
        %convert_element_type3A_226 = arith.extui %lt3A_225 : i1 to i32
        %cond3A_227 = arith.constant 0 : i32
        %cond3A_228 = arith.cmpi ne, %convert_element_type3A_226, %cond3A_227 : i32
        scf.if %cond3A_228 {
          %add3A_232 = arith.constant 2 : i32
          %add3A_233 = arith.addi %scan3A_53, %add3A_232 : i32
          %mul3A_234 = arith.constant 32 : i32
          %mul3A_235 = arith.muli %add3A_233, %mul3A_234 : i32
          %add3A_236 = arith.addi %mul3A_235, %add3A : i32
          %mul3A_237 = arith.constant 80 : i32
          %mul3A_238 = arith.muli %add3A_236, %mul3A_237 : i32
          %dma_start3A_239 = tpu.memref_slice %arg2[%mul3A_238] : memref<320000xi32, #tpu.memory_space<hbm>> -> memref<80xi32, #tpu.memory_space<hbm>>
          %dma_start3A_240 = tpu.memref_slice %arg2[%mul3A_238] : memref<320000xi32, #tpu.memory_space<hbm>> -> memref<80xi32, #tpu.memory_space<hbm>>
          tpu.enqueue_dma source(%dma_start3A_240 : memref<80xi32, #tpu.memory_space<hbm>>) target(%arg8 : memref<80xi32, #tpu.memory_space<vmem>>) target_semaphore(%arg17 : memref<!tpu.dma_semaphore, #tpu.memory_space<semaphore_mem>>)
        } else {
        }
        %dma_start3A_229 = arith.constant 0 : i32
        %dma_start3A_230 = arith.constant 0 : i32
        %dma_start3A_231 = tpu.memref_slice %arg29[%dma_start3A_229, %dma_start3A_230] : memref<10240x128xf32, #tpu.memory_space<vmem_shared>> -> memref<10240x128xf32, #tpu.memory_space<vmem_shared>>
        tpu.enqueue_indirect_dma source(%arg12 : memref<80x128xf32, #tpu.memory_space<vmem>>) target(%dma_start3A_231 : memref<10240x128xf32, #tpu.memory_space<vmem_shared>>) offsets(%arg6 : memref<80xi32, #tpu.memory_space<vmem>>) semaphore(%arg23 : memref<!tpu.dma_semaphore, #tpu.memory_space<semaphore_mem>>) {add = true}
      } else {
      }
      %jit3A_108 = arith.constant 8 : i32
      %eq3A_109 = arith.constant 0 : i32
      %eq3A_110 = arith.cmpi eq, %jit3A_108, %eq3A_109 : i32
      %jit3A_111 = arith.constant 1 : i32
      %select_n3A_112 = arith.select %eq3A_110, %jit3A_111, %jit3A_108 : i32
      %rem3A_113 = arith.remsi %scan3A_53, %select_n3A_112 : i32
      %ne3A_114 = arith.constant 0 : i32
      %ne3A_115 = arith.cmpi ne, %rem3A_113, %ne3A_114 : i32
      %lt3A_116 = arith.constant 0 : i32
      %lt3A_117 = arith.cmpi slt, %rem3A_113, %lt3A_116 : i32
      %lt3A_118 = arith.constant 0 : i32
      %lt3A_119 = arith.cmpi slt, %select_n3A_112, %lt3A_118 : i32
      %ne3A_120 = arith.xori %lt3A_117, %lt3A_119 : i1
      %and3A_121 = arith.andi %ne3A_120, %ne3A_115 : i1
      %add3A_122 = arith.addi %rem3A_113, %select_n3A_112 : i32
      %select_n3A_123 = arith.select %and3A_121, %add3A_122, %rem3A_113 : i32
      %eq3A_124 = arith.constant 3 : i32
      %eq3A_125 = arith.cmpi eq, %select_n3A_123, %eq3A_124 : i32
      %convert_element_type3A_126 = arith.extui %eq3A_125 : i1 to i32
      %cond3A_127 = arith.constant 0 : i32
      %cond3A_128 = arith.cmpi ne, %convert_element_type3A_126, %cond3A_127 : i32
      scf.if %cond3A_128 {
        %mul3A_213 = arith.constant 32 : i32
        %mul3A_214 = arith.muli %scan3A_53, %mul3A_213 : i32
        %add3A_215 = arith.addi %mul3A_214, %add3A : i32
        %mul3A_216 = arith.constant 80 : i32
        %mul3A_217 = arith.muli %add3A_215, %mul3A_216 : i32
        %dma_wait3A_218 = tpu.memref_slice %arg2[%mul3A_217] : memref<320000xi32, #tpu.memory_space<hbm>> -> memref<80xi32, #tpu.memory_space<hbm>>
        %dma_wait3A_219 = tpu.memref_slice %arg2[%mul3A_217] : memref<320000xi32, #tpu.memory_space<hbm>> -> memref<80xi32, #tpu.memory_space<hbm>>
        tpu.wait_dma2 semaphore(%arg16 : memref<!tpu.dma_semaphore, #tpu.memory_space<semaphore_mem>>) src(%dma_wait3A_219 : memref<80xi32, #tpu.memory_space<hbm>>) dst(%arg7 : memref<80xi32, #tpu.memory_space<vmem>>)
        %ge3A = arith.constant 6 : i32
        %ge3A_220 = arith.cmpi sge, %scan3A_53, %ge3A : i32
        %convert_element_type3A_221 = arith.extui %ge3A_220 : i1 to i32
        %cond3A_222 = arith.constant 0 : i32
        %cond3A_223 = arith.cmpi ne, %convert_element_type3A_221, %cond3A_222 : i32
        scf.if %cond3A_223 {
          %dma_wait3A_232 = arith.constant 0 : i32
          %dma_wait3A_233 = arith.constant 0 : i32
          %dma_wait3A_234 = tpu.memref_slice %arg29[%dma_wait3A_232, %dma_wait3A_233] : memref<10240x128xf32, #tpu.memory_space<vmem_shared>> -> memref<10240x128xf32, #tpu.memory_space<vmem_shared>>
          tpu.wait_indirect_dma semaphore(%arg26 : memref<!tpu.dma_semaphore, #tpu.memory_space<semaphore_mem>>) src(%arg12 : memref<80x128xf32, #tpu.memory_space<vmem>>) dst(%dma_wait3A_234 : memref<10240x128xf32, #tpu.memory_space<vmem_shared>>)
        } else {
        }
        %lt3A_224 = arith.constant 123 : i32
        %lt3A_225 = arith.cmpi slt, %scan3A_53, %lt3A_224 : i32
        %convert_element_type3A_226 = arith.extui %lt3A_225 : i1 to i32
        %cond3A_227 = arith.constant 0 : i32
        %cond3A_228 = arith.cmpi ne, %convert_element_type3A_226, %cond3A_227 : i32
        scf.if %cond3A_228 {
          %add3A_232 = arith.constant 2 : i32
          %add3A_233 = arith.addi %scan3A_53, %add3A_232 : i32
          %mul3A_234 = arith.constant 32 : i32
          %mul3A_235 = arith.muli %add3A_233, %mul3A_234 : i32
          %add3A_236 = arith.addi %mul3A_235, %add3A : i32
          %mul3A_237 = arith.constant 80 : i32
          %mul3A_238 = arith.muli %add3A_236, %mul3A_237 : i32
          %dma_start3A_239 = tpu.memref_slice %arg2[%mul3A_238] : memref<320000xi32, #tpu.memory_space<hbm>> -> memref<80xi32, #tpu.memory_space<hbm>>
          %dma_start3A_240 = tpu.memref_slice %arg2[%mul3A_238] : memref<320000xi32, #tpu.memory_space<hbm>> -> memref<80xi32, #tpu.memory_space<hbm>>
          tpu.enqueue_dma source(%dma_start3A_240 : memref<80xi32, #tpu.memory_space<hbm>>) target(%arg9 : memref<80xi32, #tpu.memory_space<vmem>>) target_semaphore(%arg18 : memref<!tpu.dma_semaphore, #tpu.memory_space<semaphore_mem>>)
        } else {
        }
        %dma_start3A_229 = arith.constant 0 : i32
        %dma_start3A_230 = arith.constant 0 : i32
        %dma_start3A_231 = tpu.memref_slice %arg29[%dma_start3A_229, %dma_start3A_230] : memref<10240x128xf32, #tpu.memory_space<vmem_shared>> -> memref<10240x128xf32, #tpu.memory_space<vmem_shared>>
        tpu.enqueue_indirect_dma source(%arg12 : memref<80x128xf32, #tpu.memory_space<vmem>>) target(%dma_start3A_231 : memref<10240x128xf32, #tpu.memory_space<vmem_shared>>) offsets(%arg7 : memref<80xi32, #tpu.memory_space<vmem>>) semaphore(%arg24 : memref<!tpu.dma_semaphore, #tpu.memory_space<semaphore_mem>>) {add = true}
      } else {
      }
      %jit3A_129 = arith.constant 8 : i32
      %eq3A_130 = arith.constant 0 : i32
      %eq3A_131 = arith.cmpi eq, %jit3A_129, %eq3A_130 : i32
      %jit3A_132 = arith.constant 1 : i32
      %select_n3A_133 = arith.select %eq3A_131, %jit3A_132, %jit3A_129 : i32
      %rem3A_134 = arith.remsi %scan3A_53, %select_n3A_133 : i32
      %ne3A_135 = arith.constant 0 : i32
      %ne3A_136 = arith.cmpi ne, %rem3A_134, %ne3A_135 : i32
      %lt3A_137 = arith.constant 0 : i32
      %lt3A_138 = arith.cmpi slt, %rem3A_134, %lt3A_137 : i32
      %lt3A_139 = arith.constant 0 : i32
      %lt3A_140 = arith.cmpi slt, %select_n3A_133, %lt3A_139 : i32
      %ne3A_141 = arith.xori %lt3A_138, %lt3A_140 : i1
      %and3A_142 = arith.andi %ne3A_141, %ne3A_136 : i1
      %add3A_143 = arith.addi %rem3A_134, %select_n3A_133 : i32
      %select_n3A_144 = arith.select %and3A_142, %add3A_143, %rem3A_134 : i32
      %eq3A_145 = arith.constant 4 : i32
      %eq3A_146 = arith.cmpi eq, %select_n3A_144, %eq3A_145 : i32
      %convert_element_type3A_147 = arith.extui %eq3A_146 : i1 to i32
      %cond3A_148 = arith.constant 0 : i32
      %cond3A_149 = arith.cmpi ne, %convert_element_type3A_147, %cond3A_148 : i32
      scf.if %cond3A_149 {
        %mul3A_213 = arith.constant 32 : i32
        %mul3A_214 = arith.muli %scan3A_53, %mul3A_213 : i32
        %add3A_215 = arith.addi %mul3A_214, %add3A : i32
        %mul3A_216 = arith.constant 80 : i32
        %mul3A_217 = arith.muli %add3A_215, %mul3A_216 : i32
        %dma_wait3A_218 = tpu.memref_slice %arg2[%mul3A_217] : memref<320000xi32, #tpu.memory_space<hbm>> -> memref<80xi32, #tpu.memory_space<hbm>>
        %dma_wait3A_219 = tpu.memref_slice %arg2[%mul3A_217] : memref<320000xi32, #tpu.memory_space<hbm>> -> memref<80xi32, #tpu.memory_space<hbm>>
        tpu.wait_dma2 semaphore(%arg17 : memref<!tpu.dma_semaphore, #tpu.memory_space<semaphore_mem>>) src(%dma_wait3A_219 : memref<80xi32, #tpu.memory_space<hbm>>) dst(%arg8 : memref<80xi32, #tpu.memory_space<vmem>>)
        %ge3A = arith.constant 6 : i32
        %ge3A_220 = arith.cmpi sge, %scan3A_53, %ge3A : i32
        %convert_element_type3A_221 = arith.extui %ge3A_220 : i1 to i32
        %cond3A_222 = arith.constant 0 : i32
        %cond3A_223 = arith.cmpi ne, %convert_element_type3A_221, %cond3A_222 : i32
        scf.if %cond3A_223 {
          %dma_wait3A_232 = arith.constant 0 : i32
          %dma_wait3A_233 = arith.constant 0 : i32
          %dma_wait3A_234 = tpu.memref_slice %arg29[%dma_wait3A_232, %dma_wait3A_233] : memref<10240x128xf32, #tpu.memory_space<vmem_shared>> -> memref<10240x128xf32, #tpu.memory_space<vmem_shared>>
          tpu.wait_indirect_dma semaphore(%arg27 : memref<!tpu.dma_semaphore, #tpu.memory_space<semaphore_mem>>) src(%arg12 : memref<80x128xf32, #tpu.memory_space<vmem>>) dst(%dma_wait3A_234 : memref<10240x128xf32, #tpu.memory_space<vmem_shared>>)
        } else {
        }
        %lt3A_224 = arith.constant 123 : i32
        %lt3A_225 = arith.cmpi slt, %scan3A_53, %lt3A_224 : i32
        %convert_element_type3A_226 = arith.extui %lt3A_225 : i1 to i32
        %cond3A_227 = arith.constant 0 : i32
        %cond3A_228 = arith.cmpi ne, %convert_element_type3A_226, %cond3A_227 : i32
        scf.if %cond3A_228 {
          %add3A_232 = arith.constant 2 : i32
          %add3A_233 = arith.addi %scan3A_53, %add3A_232 : i32
          %mul3A_234 = arith.constant 32 : i32
          %mul3A_235 = arith.muli %add3A_233, %mul3A_234 : i32
          %add3A_236 = arith.addi %mul3A_235, %add3A : i32
          %mul3A_237 = arith.constant 80 : i32
          %mul3A_238 = arith.muli %add3A_236, %mul3A_237 : i32
          %dma_start3A_239 = tpu.memref_slice %arg2[%mul3A_238] : memref<320000xi32, #tpu.memory_space<hbm>> -> memref<80xi32, #tpu.memory_space<hbm>>
          %dma_start3A_240 = tpu.memref_slice %arg2[%mul3A_238] : memref<320000xi32, #tpu.memory_space<hbm>> -> memref<80xi32, #tpu.memory_space<hbm>>
          tpu.enqueue_dma source(%dma_start3A_240 : memref<80xi32, #tpu.memory_space<hbm>>) target(%arg10 : memref<80xi32, #tpu.memory_space<vmem>>) target_semaphore(%arg19 : memref<!tpu.dma_semaphore, #tpu.memory_space<semaphore_mem>>)
        } else {
        }
        %dma_start3A_229 = arith.constant 0 : i32
        %dma_start3A_230 = arith.constant 0 : i32
        %dma_start3A_231 = tpu.memref_slice %arg29[%dma_start3A_229, %dma_start3A_230] : memref<10240x128xf32, #tpu.memory_space<vmem_shared>> -> memref<10240x128xf32, #tpu.memory_space<vmem_shared>>
        tpu.enqueue_indirect_dma source(%arg12 : memref<80x128xf32, #tpu.memory_space<vmem>>) target(%dma_start3A_231 : memref<10240x128xf32, #tpu.memory_space<vmem_shared>>) offsets(%arg8 : memref<80xi32, #tpu.memory_space<vmem>>) semaphore(%arg25 : memref<!tpu.dma_semaphore, #tpu.memory_space<semaphore_mem>>) {add = true}
      } else {
      }
      %jit3A_150 = arith.constant 8 : i32
      %eq3A_151 = arith.constant 0 : i32
      %eq3A_152 = arith.cmpi eq, %jit3A_150, %eq3A_151 : i32
      %jit3A_153 = arith.constant 1 : i32
      %select_n3A_154 = arith.select %eq3A_152, %jit3A_153, %jit3A_150 : i32
      %rem3A_155 = arith.remsi %scan3A_53, %select_n3A_154 : i32
      %ne3A_156 = arith.constant 0 : i32
      %ne3A_157 = arith.cmpi ne, %rem3A_155, %ne3A_156 : i32
      %lt3A_158 = arith.constant 0 : i32
      %lt3A_159 = arith.cmpi slt, %rem3A_155, %lt3A_158 : i32
      %lt3A_160 = arith.constant 0 : i32
      %lt3A_161 = arith.cmpi slt, %select_n3A_154, %lt3A_160 : i32
      %ne3A_162 = arith.xori %lt3A_159, %lt3A_161 : i1
      %and3A_163 = arith.andi %ne3A_162, %ne3A_157 : i1
      %add3A_164 = arith.addi %rem3A_155, %select_n3A_154 : i32
      %select_n3A_165 = arith.select %and3A_163, %add3A_164, %rem3A_155 : i32
      %eq3A_166 = arith.constant 5 : i32
      %eq3A_167 = arith.cmpi eq, %select_n3A_165, %eq3A_166 : i32
      %convert_element_type3A_168 = arith.extui %eq3A_167 : i1 to i32
      %cond3A_169 = arith.constant 0 : i32
      %cond3A_170 = arith.cmpi ne, %convert_element_type3A_168, %cond3A_169 : i32
      scf.if %cond3A_170 {
        %mul3A_213 = arith.constant 32 : i32
        %mul3A_214 = arith.muli %scan3A_53, %mul3A_213 : i32
        %add3A_215 = arith.addi %mul3A_214, %add3A : i32
        %mul3A_216 = arith.constant 80 : i32
        %mul3A_217 = arith.muli %add3A_215, %mul3A_216 : i32
        %dma_wait3A_218 = tpu.memref_slice %arg2[%mul3A_217] : memref<320000xi32, #tpu.memory_space<hbm>> -> memref<80xi32, #tpu.memory_space<hbm>>
        %dma_wait3A_219 = tpu.memref_slice %arg2[%mul3A_217] : memref<320000xi32, #tpu.memory_space<hbm>> -> memref<80xi32, #tpu.memory_space<hbm>>
        tpu.wait_dma2 semaphore(%arg18 : memref<!tpu.dma_semaphore, #tpu.memory_space<semaphore_mem>>) src(%dma_wait3A_219 : memref<80xi32, #tpu.memory_space<hbm>>) dst(%arg9 : memref<80xi32, #tpu.memory_space<vmem>>)
        %ge3A = arith.constant 6 : i32
        %ge3A_220 = arith.cmpi sge, %scan3A_53, %ge3A : i32
        %convert_element_type3A_221 = arith.extui %ge3A_220 : i1 to i32
        %cond3A_222 = arith.constant 0 : i32
        %cond3A_223 = arith.cmpi ne, %convert_element_type3A_221, %cond3A_222 : i32
        scf.if %cond3A_223 {
          %dma_wait3A_232 = arith.constant 0 : i32
          %dma_wait3A_233 = arith.constant 0 : i32
          %dma_wait3A_234 = tpu.memref_slice %arg29[%dma_wait3A_232, %dma_wait3A_233] : memref<10240x128xf32, #tpu.memory_space<vmem_shared>> -> memref<10240x128xf32, #tpu.memory_space<vmem_shared>>
          tpu.wait_indirect_dma semaphore(%arg28 : memref<!tpu.dma_semaphore, #tpu.memory_space<semaphore_mem>>) src(%arg12 : memref<80x128xf32, #tpu.memory_space<vmem>>) dst(%dma_wait3A_234 : memref<10240x128xf32, #tpu.memory_space<vmem_shared>>)
        } else {
        }
        %lt3A_224 = arith.constant 123 : i32
        %lt3A_225 = arith.cmpi slt, %scan3A_53, %lt3A_224 : i32
        %convert_element_type3A_226 = arith.extui %lt3A_225 : i1 to i32
        %cond3A_227 = arith.constant 0 : i32
        %cond3A_228 = arith.cmpi ne, %convert_element_type3A_226, %cond3A_227 : i32
        scf.if %cond3A_228 {
          %add3A_232 = arith.constant 2 : i32
          %add3A_233 = arith.addi %scan3A_53, %add3A_232 : i32
          %mul3A_234 = arith.constant 32 : i32
          %mul3A_235 = arith.muli %add3A_233, %mul3A_234 : i32
          %add3A_236 = arith.addi %mul3A_235, %add3A : i32
          %mul3A_237 = arith.constant 80 : i32
          %mul3A_238 = arith.muli %add3A_236, %mul3A_237 : i32
          %dma_start3A_239 = tpu.memref_slice %arg2[%mul3A_238] : memref<320000xi32, #tpu.memory_space<hbm>> -> memref<80xi32, #tpu.memory_space<hbm>>
          %dma_start3A_240 = tpu.memref_slice %arg2[%mul3A_238] : memref<320000xi32, #tpu.memory_space<hbm>> -> memref<80xi32, #tpu.memory_space<hbm>>
          tpu.enqueue_dma source(%dma_start3A_240 : memref<80xi32, #tpu.memory_space<hbm>>) target(%arg11 : memref<80xi32, #tpu.memory_space<vmem>>) target_semaphore(%arg20 : memref<!tpu.dma_semaphore, #tpu.memory_space<semaphore_mem>>)
        } else {
        }
        %dma_start3A_229 = arith.constant 0 : i32
        %dma_start3A_230 = arith.constant 0 : i32
        %dma_start3A_231 = tpu.memref_slice %arg29[%dma_start3A_229, %dma_start3A_230] : memref<10240x128xf32, #tpu.memory_space<vmem_shared>> -> memref<10240x128xf32, #tpu.memory_space<vmem_shared>>
        tpu.enqueue_indirect_dma source(%arg12 : memref<80x128xf32, #tpu.memory_space<vmem>>) target(%dma_start3A_231 : memref<10240x128xf32, #tpu.memory_space<vmem_shared>>) offsets(%arg9 : memref<80xi32, #tpu.memory_space<vmem>>) semaphore(%arg26 : memref<!tpu.dma_semaphore, #tpu.memory_space<semaphore_mem>>) {add = true}
      } else {
      }
      %jit3A_171 = arith.constant 8 : i32
      %eq3A_172 = arith.constant 0 : i32
      %eq3A_173 = arith.cmpi eq, %jit3A_171, %eq3A_172 : i32
      %jit3A_174 = arith.constant 1 : i32
      %select_n3A_175 = arith.select %eq3A_173, %jit3A_174, %jit3A_171 : i32
      %rem3A_176 = arith.remsi %scan3A_53, %select_n3A_175 : i32
      %ne3A_177 = arith.constant 0 : i32
      %ne3A_178 = arith.cmpi ne, %rem3A_176, %ne3A_177 : i32
      %lt3A_179 = arith.constant 0 : i32
      %lt3A_180 = arith.cmpi slt, %rem3A_176, %lt3A_179 : i32
      %lt3A_181 = arith.constant 0 : i32
      %lt3A_182 = arith.cmpi slt, %select_n3A_175, %lt3A_181 : i32
      %ne3A_183 = arith.xori %lt3A_180, %lt3A_182 : i1
      %and3A_184 = arith.andi %ne3A_183, %ne3A_178 : i1
      %add3A_185 = arith.addi %rem3A_176, %select_n3A_175 : i32
      %select_n3A_186 = arith.select %and3A_184, %add3A_185, %rem3A_176 : i32
      %eq3A_187 = arith.constant 6 : i32
      %eq3A_188 = arith.cmpi eq, %select_n3A_186, %eq3A_187 : i32
      %convert_element_type3A_189 = arith.extui %eq3A_188 : i1 to i32
      %cond3A_190 = arith.constant 0 : i32
      %cond3A_191 = arith.cmpi ne, %convert_element_type3A_189, %cond3A_190 : i32
      scf.if %cond3A_191 {
        %mul3A_213 = arith.constant 32 : i32
        %mul3A_214 = arith.muli %scan3A_53, %mul3A_213 : i32
        %add3A_215 = arith.addi %mul3A_214, %add3A : i32
        %mul3A_216 = arith.constant 80 : i32
        %mul3A_217 = arith.muli %add3A_215, %mul3A_216 : i32
        %dma_wait3A_218 = tpu.memref_slice %arg2[%mul3A_217] : memref<320000xi32, #tpu.memory_space<hbm>> -> memref<80xi32, #tpu.memory_space<hbm>>
        %dma_wait3A_219 = tpu.memref_slice %arg2[%mul3A_217] : memref<320000xi32, #tpu.memory_space<hbm>> -> memref<80xi32, #tpu.memory_space<hbm>>
        tpu.wait_dma2 semaphore(%arg19 : memref<!tpu.dma_semaphore, #tpu.memory_space<semaphore_mem>>) src(%dma_wait3A_219 : memref<80xi32, #tpu.memory_space<hbm>>) dst(%arg10 : memref<80xi32, #tpu.memory_space<vmem>>)
        %ge3A = arith.constant 6 : i32
        %ge3A_220 = arith.cmpi sge, %scan3A_53, %ge3A : i32
        %convert_element_type3A_221 = arith.extui %ge3A_220 : i1 to i32
        %cond3A_222 = arith.constant 0 : i32
        %cond3A_223 = arith.cmpi ne, %convert_element_type3A_221, %cond3A_222 : i32
        scf.if %cond3A_223 {
          %dma_wait3A_232 = arith.constant 0 : i32
          %dma_wait3A_233 = arith.constant 0 : i32
          %dma_wait3A_234 = tpu.memref_slice %arg29[%dma_wait3A_232, %dma_wait3A_233] : memref<10240x128xf32, #tpu.memory_space<vmem_shared>> -> memref<10240x128xf32, #tpu.memory_space<vmem_shared>>
          tpu.wait_indirect_dma semaphore(%arg21 : memref<!tpu.dma_semaphore, #tpu.memory_space<semaphore_mem>>) src(%arg12 : memref<80x128xf32, #tpu.memory_space<vmem>>) dst(%dma_wait3A_234 : memref<10240x128xf32, #tpu.memory_space<vmem_shared>>)
        } else {
        }
        %lt3A_224 = arith.constant 123 : i32
        %lt3A_225 = arith.cmpi slt, %scan3A_53, %lt3A_224 : i32
        %convert_element_type3A_226 = arith.extui %lt3A_225 : i1 to i32
        %cond3A_227 = arith.constant 0 : i32
        %cond3A_228 = arith.cmpi ne, %convert_element_type3A_226, %cond3A_227 : i32
        scf.if %cond3A_228 {
          %add3A_232 = arith.constant 2 : i32
          %add3A_233 = arith.addi %scan3A_53, %add3A_232 : i32
          %mul3A_234 = arith.constant 32 : i32
          %mul3A_235 = arith.muli %add3A_233, %mul3A_234 : i32
          %add3A_236 = arith.addi %mul3A_235, %add3A : i32
          %mul3A_237 = arith.constant 80 : i32
          %mul3A_238 = arith.muli %add3A_236, %mul3A_237 : i32
          %dma_start3A_239 = tpu.memref_slice %arg2[%mul3A_238] : memref<320000xi32, #tpu.memory_space<hbm>> -> memref<80xi32, #tpu.memory_space<hbm>>
          %dma_start3A_240 = tpu.memref_slice %arg2[%mul3A_238] : memref<320000xi32, #tpu.memory_space<hbm>> -> memref<80xi32, #tpu.memory_space<hbm>>
          tpu.enqueue_dma source(%dma_start3A_240 : memref<80xi32, #tpu.memory_space<hbm>>) target(%arg4 : memref<80xi32, #tpu.memory_space<vmem>>) target_semaphore(%arg13 : memref<!tpu.dma_semaphore, #tpu.memory_space<semaphore_mem>>)
        } else {
        }
        %dma_start3A_229 = arith.constant 0 : i32
        %dma_start3A_230 = arith.constant 0 : i32
        %dma_start3A_231 = tpu.memref_slice %arg29[%dma_start3A_229, %dma_start3A_230] : memref<10240x128xf32, #tpu.memory_space<vmem_shared>> -> memref<10240x128xf32, #tpu.memory_space<vmem_shared>>
        tpu.enqueue_indirect_dma source(%arg12 : memref<80x128xf32, #tpu.memory_space<vmem>>) target(%dma_start3A_231 : memref<10240x128xf32, #tpu.memory_space<vmem_shared>>) offsets(%arg10 : memref<80xi32, #tpu.memory_space<vmem>>) semaphore(%arg27 : memref<!tpu.dma_semaphore, #tpu.memory_space<semaphore_mem>>) {add = true}
      } else {
      }
      %jit3A_192 = arith.constant 8 : i32
      %eq3A_193 = arith.constant 0 : i32
      %eq3A_194 = arith.cmpi eq, %jit3A_192, %eq3A_193 : i32
      %jit3A_195 = arith.constant 1 : i32
      %select_n3A_196 = arith.select %eq3A_194, %jit3A_195, %jit3A_192 : i32
      %rem3A_197 = arith.remsi %scan3A_53, %select_n3A_196 : i32
      %ne3A_198 = arith.constant 0 : i32
      %ne3A_199 = arith.cmpi ne, %rem3A_197, %ne3A_198 : i32
      %lt3A_200 = arith.constant 0 : i32
      %lt3A_201 = arith.cmpi slt, %rem3A_197, %lt3A_200 : i32
      %lt3A_202 = arith.constant 0 : i32
      %lt3A_203 = arith.cmpi slt, %select_n3A_196, %lt3A_202 : i32
      %ne3A_204 = arith.xori %lt3A_201, %lt3A_203 : i1
      %and3A_205 = arith.andi %ne3A_204, %ne3A_199 : i1
      %add3A_206 = arith.addi %rem3A_197, %select_n3A_196 : i32
      %select_n3A_207 = arith.select %and3A_205, %add3A_206, %rem3A_197 : i32
      %eq3A_208 = arith.constant 7 : i32
      %eq3A_209 = arith.cmpi eq, %select_n3A_207, %eq3A_208 : i32
      %convert_element_type3A_210 = arith.extui %eq3A_209 : i1 to i32
      %cond3A_211 = arith.constant 0 : i32
      %cond3A_212 = arith.cmpi ne, %convert_element_type3A_210, %cond3A_211 : i32
      scf.if %cond3A_212 {
        %mul3A_213 = arith.constant 32 : i32
        %mul3A_214 = arith.muli %scan3A_53, %mul3A_213 : i32
        %add3A_215 = arith.addi %mul3A_214, %add3A : i32
        %mul3A_216 = arith.constant 80 : i32
        %mul3A_217 = arith.muli %add3A_215, %mul3A_216 : i32
        %dma_wait3A_218 = tpu.memref_slice %arg2[%mul3A_217] : memref<320000xi32, #tpu.memory_space<hbm>> -> memref<80xi32, #tpu.memory_space<hbm>>
        %dma_wait3A_219 = tpu.memref_slice %arg2[%mul3A_217] : memref<320000xi32, #tpu.memory_space<hbm>> -> memref<80xi32, #tpu.memory_space<hbm>>
        tpu.wait_dma2 semaphore(%arg20 : memref<!tpu.dma_semaphore, #tpu.memory_space<semaphore_mem>>) src(%dma_wait3A_219 : memref<80xi32, #tpu.memory_space<hbm>>) dst(%arg11 : memref<80xi32, #tpu.memory_space<vmem>>)
        %ge3A = arith.constant 6 : i32
        %ge3A_220 = arith.cmpi sge, %scan3A_53, %ge3A : i32
        %convert_element_type3A_221 = arith.extui %ge3A_220 : i1 to i32
        %cond3A_222 = arith.constant 0 : i32
        %cond3A_223 = arith.cmpi ne, %convert_element_type3A_221, %cond3A_222 : i32
        scf.if %cond3A_223 {
          %dma_wait3A_232 = arith.constant 0 : i32
          %dma_wait3A_233 = arith.constant 0 : i32
          %dma_wait3A_234 = tpu.memref_slice %arg29[%dma_wait3A_232, %dma_wait3A_233] : memref<10240x128xf32, #tpu.memory_space<vmem_shared>> -> memref<10240x128xf32, #tpu.memory_space<vmem_shared>>
          tpu.wait_indirect_dma semaphore(%arg22 : memref<!tpu.dma_semaphore, #tpu.memory_space<semaphore_mem>>) src(%arg12 : memref<80x128xf32, #tpu.memory_space<vmem>>) dst(%dma_wait3A_234 : memref<10240x128xf32, #tpu.memory_space<vmem_shared>>)
        } else {
        }
        %lt3A_224 = arith.constant 123 : i32
        %lt3A_225 = arith.cmpi slt, %scan3A_53, %lt3A_224 : i32
        %convert_element_type3A_226 = arith.extui %lt3A_225 : i1 to i32
        %cond3A_227 = arith.constant 0 : i32
        %cond3A_228 = arith.cmpi ne, %convert_element_type3A_226, %cond3A_227 : i32
        scf.if %cond3A_228 {
          %add3A_232 = arith.constant 2 : i32
          %add3A_233 = arith.addi %scan3A_53, %add3A_232 : i32
          %mul3A_234 = arith.constant 32 : i32
          %mul3A_235 = arith.muli %add3A_233, %mul3A_234 : i32
          %add3A_236 = arith.addi %mul3A_235, %add3A : i32
          %mul3A_237 = arith.constant 80 : i32
          %mul3A_238 = arith.muli %add3A_236, %mul3A_237 : i32
          %dma_start3A_239 = tpu.memref_slice %arg2[%mul3A_238] : memref<320000xi32, #tpu.memory_space<hbm>> -> memref<80xi32, #tpu.memory_space<hbm>>
          %dma_start3A_240 = tpu.memref_slice %arg2[%mul3A_238] : memref<320000xi32, #tpu.memory_space<hbm>> -> memref<80xi32, #tpu.memory_space<hbm>>
          tpu.enqueue_dma source(%dma_start3A_240 : memref<80xi32, #tpu.memory_space<hbm>>) target(%arg5 : memref<80xi32, #tpu.memory_space<vmem>>) target_semaphore(%arg14 : memref<!tpu.dma_semaphore, #tpu.memory_space<semaphore_mem>>)
        } else {
        }
        %dma_start3A_229 = arith.constant 0 : i32
        %dma_start3A_230 = arith.constant 0 : i32
        %dma_start3A_231 = tpu.memref_slice %arg29[%dma_start3A_229, %dma_start3A_230] : memref<10240x128xf32, #tpu.memory_space<vmem_shared>> -> memref<10240x128xf32, #tpu.memory_space<vmem_shared>>
        tpu.enqueue_indirect_dma source(%arg12 : memref<80x128xf32, #tpu.memory_space<vmem>>) target(%dma_start3A_231 : memref<10240x128xf32, #tpu.memory_space<vmem_shared>>) offsets(%arg11 : memref<80xi32, #tpu.memory_space<vmem>>) semaphore(%arg28 : memref<!tpu.dma_semaphore, #tpu.memory_space<semaphore_mem>>) {add = true}
      } else {
      }
    }
    %scan3A_30 = arith.constant 125 : i32
    %dma_wait3A = arith.constant 0 : i32
    %dma_wait3A_31 = arith.constant 0 : i32
    %dma_wait3A_32 = tpu.memref_slice %arg29[%dma_wait3A, %dma_wait3A_31] : memref<10240x128xf32, #tpu.memory_space<vmem_shared>> -> memref<10240x128xf32, #tpu.memory_space<vmem_shared>>
    tpu.wait_indirect_dma semaphore(%arg28 : memref<!tpu.dma_semaphore, #tpu.memory_space<semaphore_mem>>) src(%arg12 : memref<80x128xf32, #tpu.memory_space<vmem>>) dst(%dma_wait3A_32 : memref<10240x128xf32, #tpu.memory_space<vmem_shared>>)
    %dma_wait3A_33 = arith.constant 0 : i32
    %dma_wait3A_34 = arith.constant 0 : i32
    %dma_wait3A_35 = tpu.memref_slice %arg29[%dma_wait3A_33, %dma_wait3A_34] : memref<10240x128xf32, #tpu.memory_space<vmem_shared>> -> memref<10240x128xf32, #tpu.memory_space<vmem_shared>>
    tpu.wait_indirect_dma semaphore(%arg21 : memref<!tpu.dma_semaphore, #tpu.memory_space<semaphore_mem>>) src(%arg12 : memref<80x128xf32, #tpu.memory_space<vmem>>) dst(%dma_wait3A_35 : memref<10240x128xf32, #tpu.memory_space<vmem_shared>>)
    %dma_wait3A_36 = arith.constant 0 : i32
    %dma_wait3A_37 = arith.constant 0 : i32
    %dma_wait3A_38 = tpu.memref_slice %arg29[%dma_wait3A_36, %dma_wait3A_37] : memref<10240x128xf32, #tpu.memory_space<vmem_shared>> -> memref<10240x128xf32, #tpu.memory_space<vmem_shared>>
    tpu.wait_indirect_dma semaphore(%arg22 : memref<!tpu.dma_semaphore, #tpu.memory_space<semaphore_mem>>) src(%arg12 : memref<80x128xf32, #tpu.memory_space<vmem>>) dst(%dma_wait3A_38 : memref<10240x128xf32, #tpu.memory_space<vmem_shared>>)
    %dma_wait3A_39 = arith.constant 0 : i32
    %dma_wait3A_40 = arith.constant 0 : i32
    %dma_wait3A_41 = tpu.memref_slice %arg29[%dma_wait3A_39, %dma_wait3A_40] : memref<10240x128xf32, #tpu.memory_space<vmem_shared>> -> memref<10240x128xf32, #tpu.memory_space<vmem_shared>>
    tpu.wait_indirect_dma semaphore(%arg23 : memref<!tpu.dma_semaphore, #tpu.memory_space<semaphore_mem>>) src(%arg12 : memref<80x128xf32, #tpu.memory_space<vmem>>) dst(%dma_wait3A_41 : memref<10240x128xf32, #tpu.memory_space<vmem_shared>>)
    %dma_wait3A_42 = arith.constant 0 : i32
    %dma_wait3A_43 = arith.constant 0 : i32
    %dma_wait3A_44 = tpu.memref_slice %arg29[%dma_wait3A_42, %dma_wait3A_43] : memref<10240x128xf32, #tpu.memory_space<vmem_shared>> -> memref<10240x128xf32, #tpu.memory_space<vmem_shared>>
    tpu.wait_indirect_dma semaphore(%arg24 : memref<!tpu.dma_semaphore, #tpu.memory_space<semaphore_mem>>) src(%arg12 : memref<80x128xf32, #tpu.memory_space<vmem>>) dst(%dma_wait3A_44 : memref<10240x128xf32, #tpu.memory_space<vmem_shared>>)
    %dma_wait3A_45 = arith.constant 0 : i32
    %dma_wait3A_46 = arith.constant 0 : i32
    %dma_wait3A_47 = tpu.memref_slice %arg29[%dma_wait3A_45, %dma_wait3A_46] : memref<10240x128xf32, #tpu.memory_space<vmem_shared>> -> memref<10240x128xf32, #tpu.memory_space<vmem_shared>>
    tpu.wait_indirect_dma semaphore(%arg25 : memref<!tpu.dma_semaphore, #tpu.memory_space<semaphore_mem>>) src(%arg12 : memref<80x128xf32, #tpu.memory_space<vmem>>) dst(%dma_wait3A_47 : memref<10240x128xf32, #tpu.memory_space<vmem_shared>>)
    %barrier3A_48 = arith.constant 0 : index
    tpu.barrier barrier_id(%barrier3A_48)
    %mul3A_49 = arith.constant 640 : i32
    %mul3A_50 = arith.muli %arg1, %mul3A_49 : i32
    %mul3A_51 = arith.constant 640 : i32
    %mul3A_52 = arith.muli %arg1, %mul3A_51 : i32
    "tpu.region"() ({
      %run_scoped3A = tpu.sem_alloc : memref<!tpu.dma_semaphore, #tpu.memory_space<semaphore_mem>>
      %dma_start3A_53 = arith.constant 0 : i32
      %dma_start3A_54 = tpu.memref_slice %arg3[%arg0, %mul3A_52, %dma_start3A_53] : memref<2x10240x128xf32, #tpu.memory_space<hbm>> -> memref<1x640x128xf32, #tpu.memory_space<hbm>>
      %dma_start3A_55 = tpu.memref_squeeze %dma_start3A_54 : memref<1x640x128xf32, #tpu.memory_space<hbm>> -> memref<640x128xf32, #tpu.memory_space<hbm>>
      %dma_start3A_56 = arith.constant 0 : i32
      %dma_start3A_57 = tpu.memref_slice %arg29[%mul3A_50, %dma_start3A_56] : memref<10240x128xf32, #tpu.memory_space<vmem_shared>> -> memref<640x128xf32, #tpu.memory_space<vmem_shared>>
      tpu.enqueue_dma source(%dma_start3A_57 : memref<640x128xf32, #tpu.memory_space<vmem_shared>>) target(%dma_start3A_55 : memref<640x128xf32, #tpu.memory_space<hbm>>) target_semaphore(%run_scoped3A : memref<!tpu.dma_semaphore, #tpu.memory_space<semaphore_mem>>)
      %dma_wait3A_58 = arith.constant 0 : i32
      %dma_wait3A_59 = tpu.memref_slice %arg3[%arg0, %mul3A_52, %dma_wait3A_58] : memref<2x10240x128xf32, #tpu.memory_space<hbm>> -> memref<1x640x128xf32, #tpu.memory_space<hbm>>
      %dma_wait3A_60 = tpu.memref_squeeze %dma_wait3A_59 : memref<1x640x128xf32, #tpu.memory_space<hbm>> -> memref<640x128xf32, #tpu.memory_space<hbm>>
      %dma_wait3A_61 = arith.constant 0 : i32
      %dma_wait3A_62 = tpu.memref_slice %arg29[%mul3A_50, %dma_wait3A_61] : memref<10240x128xf32, #tpu.memory_space<vmem_shared>> -> memref<640x128xf32, #tpu.memory_space<vmem_shared>>
      tpu.wait_dma2 semaphore(%run_scoped3A : memref<!tpu.dma_semaphore, #tpu.memory_space<semaphore_mem>>) src(%dma_wait3A_62 : memref<640x128xf32, #tpu.memory_space<vmem_shared>>) dst(%dma_wait3A_60 : memref<640x128xf32, #tpu.memory_space<hbm>>)
      tpu.yield
    }) : () -> ()
    return
  }
}

#map = affine_map<(d0, d1) -> (0, 0)>
#map1 = affine_map<(d0, d1) -> (0)>
#map2 = affine_map<(d0, d1) -> (0, 0, 0)>
module attributes {stable_mosaic.version = 14 : i64} {
  func.func @_agg_body(%arg0: i32, %arg1: i32, %arg2: memref<10000x128xf32, #tpu.memory_space<hbm>>, %arg3: memref<320000xi32, #tpu.memory_space<hbm>>, %arg4: memref<320000xi32, #tpu.memory_space<hbm>>, %arg5: memref<2x10240x128xf32, #tpu.memory_space<hbm>>, %arg6: memref<40xi32, #tpu.memory_space<vmem>>, %arg7: memref<40xi32, #tpu.memory_space<vmem>>, %arg8: memref<40xi32, #tpu.memory_space<vmem>>, %arg9: memref<40xi32, #tpu.memory_space<vmem>>, %arg10: memref<40xi32, #tpu.memory_space<vmem>>, %arg11: memref<40xi32, #tpu.memory_space<vmem>>, %arg12: memref<40xi32, #tpu.memory_space<vmem>>, %arg13: memref<40xi32, #tpu.memory_space<vmem>>, %arg14: memref<40xi32, #tpu.memory_space<vmem>>, %arg15: memref<40xi32, #tpu.memory_space<vmem>>, %arg16: memref<40xi32, #tpu.memory_space<vmem>>, %arg17: memref<40xi32, #tpu.memory_space<vmem>>, %arg18: memref<40xi32, #tpu.memory_space<vmem>>, %arg19: memref<40xi32, #tpu.memory_space<vmem>>, %arg20: memref<40xi32, #tpu.memory_space<vmem>>, %arg21: memref<40xi32, #tpu.memory_space<vmem>>, %arg22: memref<40x128xf32, #tpu.memory_space<vmem>>, %arg23: memref<40x128xf32, #tpu.memory_space<vmem>>, %arg24: memref<40x128xf32, #tpu.memory_space<vmem>>, %arg25: memref<40x128xf32, #tpu.memory_space<vmem>>, %arg26: memref<40x128xf32, #tpu.memory_space<vmem>>, %arg27: memref<40x128xf32, #tpu.memory_space<vmem>>, %arg28: memref<40x128xf32, #tpu.memory_space<vmem>>, %arg29: memref<40x128xf32, #tpu.memory_space<vmem>>, %arg30: memref<!tpu.dma_semaphore, #tpu.memory_space<semaphore_mem>>, %arg31: memref<!tpu.dma_semaphore, #tpu.memory_space<semaphore_mem>>, %arg32: memref<!tpu.dma_semaphore, #tpu.memory_space<semaphore_mem>>, %arg33: memref<!tpu.dma_semaphore, #tpu.memory_space<semaphore_mem>>, %arg34: memref<!tpu.dma_semaphore, #tpu.memory_space<semaphore_mem>>, %arg35: memref<!tpu.dma_semaphore, #tpu.memory_space<semaphore_mem>>, %arg36: memref<!tpu.dma_semaphore, #tpu.memory_space<semaphore_mem>>, %arg37: memref<!tpu.dma_semaphore, #tpu.memory_space<semaphore_mem>>, %arg38: memref<!tpu.dma_semaphore, #tpu.memory_space<semaphore_mem>>, %arg39: memref<!tpu.dma_semaphore, #tpu.memory_space<semaphore_mem>>, %arg40: memref<!tpu.dma_semaphore, #tpu.memory_space<semaphore_mem>>, %arg41: memref<!tpu.dma_semaphore, #tpu.memory_space<semaphore_mem>>, %arg42: memref<!tpu.dma_semaphore, #tpu.memory_space<semaphore_mem>>, %arg43: memref<!tpu.dma_semaphore, #tpu.memory_space<semaphore_mem>>, %arg44: memref<!tpu.dma_semaphore, #tpu.memory_space<semaphore_mem>>, %arg45: memref<!tpu.dma_semaphore, #tpu.memory_space<semaphore_mem>>, %arg46: memref<!tpu.dma_semaphore, #tpu.memory_space<semaphore_mem>>, %arg47: memref<!tpu.dma_semaphore, #tpu.memory_space<semaphore_mem>>, %arg48: memref<!tpu.dma_semaphore, #tpu.memory_space<semaphore_mem>>, %arg49: memref<!tpu.dma_semaphore, #tpu.memory_space<semaphore_mem>>, %arg50: memref<!tpu.dma_semaphore, #tpu.memory_space<semaphore_mem>>, %arg51: memref<!tpu.dma_semaphore, #tpu.memory_space<semaphore_mem>>, %arg52: memref<!tpu.dma_semaphore, #tpu.memory_space<semaphore_mem>>, %arg53: memref<!tpu.dma_semaphore, #tpu.memory_space<semaphore_mem>>, %arg54: memref<10240x128xf32, #tpu.memory_space<vmem_shared>>) attributes {dimension_semantics = [#tpu.dimension_semantics<core_parallel>, #tpu.dimension_semantics<subcore_parallel>], iteration_bounds = array<i64: 2, 16>, scalar_prefetch = 0 : i64, scratch_operands = 49 : i64, tpu.core_type = #tpu.core_type<sc_vector_subcore>, window_params = [{transform_indices = #map}, {transform_indices = #map1}, {transform_indices = #map1}, {transform_indices = #map2}]} {
    %mul3A = arith.constant 2 : i32
    %mul3A_0 = arith.muli %arg1, %mul3A : i32
    %add3A = arith.addi %mul3A_0, %arg0 : i32
    %scan3A = arith.constant 0 : i32
    %scan3A_1 = arith.constant 40 : i32
    %scan3A_2 = arith.addi %scan3A, %scan3A_1 : i32
    %scan3A_3 = arith.constant 1 : i32
    scf.for %scan3A_70 = %scan3A to %scan3A_2 step %scan3A_3  : i32 {
      %broadcast_in_dim3A = arith.constant 0.000000e+00 : f32
      %broadcast_in_dim3A_71 = vector.broadcast %broadcast_in_dim3A : f32 to vector<16xf32>
      %swap3A = arith.index_cast %scan3A_70 : i32 to index
      %swap3A_72 = arith.constant 0 : index
      %swap3A_73 = tpu.vector_load %arg22[%swap3A, %swap3A_72] {strides = array<i32>} : memref<40x128xf32, #tpu.memory_space<vmem>>, vector<1x16xf32>,
      %swap3A_74 = vector.shape_cast %swap3A_73 : vector<1x16xf32> to vector<16xf32>
      %swap3A_75 = vector.shape_cast %broadcast_in_dim3A_71 : vector<16xf32> to vector<1x16xf32>
      tpu.vector_store %arg22[%swap3A, %swap3A_72], %swap3A_75 {strides = array<i32>} : memref<40x128xf32, #tpu.memory_space<vmem>>, vector<1x16xf32>,
      %broadcast_in_dim3A_76 = arith.constant 0.000000e+00 : f32
      %broadcast_in_dim3A_77 = vector.broadcast %broadcast_in_dim3A_76 : f32 to vector<16xf32>
      %swap3A_78 = arith.index_cast %scan3A_70 : i32 to index
      %swap3A_79 = arith.constant 16 : index
      %swap3A_80 = tpu.vector_load %arg22[%swap3A_78, %swap3A_79] {strides = array<i32>} : memref<40x128xf32, #tpu.memory_space<vmem>>, vector<1x16xf32>,
      %swap3A_81 = vector.shape_cast %swap3A_80 : vector<1x16xf32> to vector<16xf32>
      %swap3A_82 = vector.shape_cast %broadcast_in_dim3A_77 : vector<16xf32> to vector<1x16xf32>
      tpu.vector_store %arg22[%swap3A_78, %swap3A_79], %swap3A_82 {strides = array<i32>} : memref<40x128xf32, #tpu.memory_space<vmem>>, vector<1x16xf32>,
      %broadcast_in_dim3A_83 = arith.constant 0.000000e+00 : f32
      %broadcast_in_dim3A_84 = vector.broadcast %broadcast_in_dim3A_83 : f32 to vector<16xf32>
      %swap3A_85 = arith.index_cast %scan3A_70 : i32 to index
      %swap3A_86 = arith.constant 32 : index
      %swap3A_87 = tpu.vector_load %arg22[%swap3A_85, %swap3A_86] {strides = array<i32>} : memref<40x128xf32, #tpu.memory_space<vmem>>, vector<1x16xf32>,
      %swap3A_88 = vector.shape_cast %swap3A_87 : vector<1x16xf32> to vector<16xf32>
      %swap3A_89 = vector.shape_cast %broadcast_in_dim3A_84 : vector<16xf32> to vector<1x16xf32>
      tpu.vector_store %arg22[%swap3A_85, %swap3A_86], %swap3A_89 {strides = array<i32>} : memref<40x128xf32, #tpu.memory_space<vmem>>, vector<1x16xf32>,
      %broadcast_in_dim3A_90 = arith.constant 0.000000e+00 : f32
      %broadcast_in_dim3A_91 = vector.broadcast %broadcast_in_dim3A_90 : f32 to vector<16xf32>
      %swap3A_92 = arith.index_cast %scan3A_70 : i32 to index
      %swap3A_93 = arith.constant 48 : index
      %swap3A_94 = tpu.vector_load %arg22[%swap3A_92, %swap3A_93] {strides = array<i32>} : memref<40x128xf32, #tpu.memory_space<vmem>>, vector<1x16xf32>,
      %swap3A_95 = vector.shape_cast %swap3A_94 : vector<1x16xf32> to vector<16xf32>
      %swap3A_96 = vector.shape_cast %broadcast_in_dim3A_91 : vector<16xf32> to vector<1x16xf32>
      tpu.vector_store %arg22[%swap3A_92, %swap3A_93], %swap3A_96 {strides = array<i32>} : memref<40x128xf32, #tpu.memory_space<vmem>>, vector<1x16xf32>,
      %broadcast_in_dim3A_97 = arith.constant 0.000000e+00 : f32
      %broadcast_in_dim3A_98 = vector.broadcast %broadcast_in_dim3A_97 : f32 to vector<16xf32>
      %swap3A_99 = arith.index_cast %scan3A_70 : i32 to index
      %swap3A_100 = arith.constant 64 : index
      %swap3A_101 = tpu.vector_load %arg22[%swap3A_99, %swap3A_100] {strides = array<i32>} : memref<40x128xf32, #tpu.memory_space<vmem>>, vector<1x16xf32>,
      %swap3A_102 = vector.shape_cast %swap3A_101 : vector<1x16xf32> to vector<16xf32>
      %swap3A_103 = vector.shape_cast %broadcast_in_dim3A_98 : vector<16xf32> to vector<1x16xf32>
      tpu.vector_store %arg22[%swap3A_99, %swap3A_100], %swap3A_103 {strides = array<i32>} : memref<40x128xf32, #tpu.memory_space<vmem>>, vector<1x16xf32>,
      %broadcast_in_dim3A_104 = arith.constant 0.000000e+00 : f32
      %broadcast_in_dim3A_105 = vector.broadcast %broadcast_in_dim3A_104 : f32 to vector<16xf32>
      %swap3A_106 = arith.index_cast %scan3A_70 : i32 to index
      %swap3A_107 = arith.constant 80 : index
      %swap3A_108 = tpu.vector_load %arg22[%swap3A_106, %swap3A_107] {strides = array<i32>} : memref<40x128xf32, #tpu.memory_space<vmem>>, vector<1x16xf32>,
      %swap3A_109 = vector.shape_cast %swap3A_108 : vector<1x16xf32> to vector<16xf32>
      %swap3A_110 = vector.shape_cast %broadcast_in_dim3A_105 : vector<16xf32> to vector<1x16xf32>
      tpu.vector_store %arg22[%swap3A_106, %swap3A_107], %swap3A_110 {strides = array<i32>} : memref<40x128xf32, #tpu.memory_space<vmem>>, vector<1x16xf32>,
      %broadcast_in_dim3A_111 = arith.constant 0.000000e+00 : f32
      %broadcast_in_dim3A_112 = vector.broadcast %broadcast_in_dim3A_111 : f32 to vector<16xf32>
      %swap3A_113 = arith.index_cast %scan3A_70 : i32 to index
      %swap3A_114 = arith.constant 96 : index
      %swap3A_115 = tpu.vector_load %arg22[%swap3A_113, %swap3A_114] {strides = array<i32>} : memref<40x128xf32, #tpu.memory_space<vmem>>, vector<1x16xf32>,
      %swap3A_116 = vector.shape_cast %swap3A_115 : vector<1x16xf32> to vector<16xf32>
      %swap3A_117 = vector.shape_cast %broadcast_in_dim3A_112 : vector<16xf32> to vector<1x16xf32>
      tpu.vector_store %arg22[%swap3A_113, %swap3A_114], %swap3A_117 {strides = array<i32>} : memref<40x128xf32, #tpu.memory_space<vmem>>, vector<1x16xf32>,
      %broadcast_in_dim3A_118 = arith.constant 0.000000e+00 : f32
      %broadcast_in_dim3A_119 = vector.broadcast %broadcast_in_dim3A_118 : f32 to vector<16xf32>
      %swap3A_120 = arith.index_cast %scan3A_70 : i32 to index
      %swap3A_121 = arith.constant 112 : index
      %swap3A_122 = tpu.vector_load %arg22[%swap3A_120, %swap3A_121] {strides = array<i32>} : memref<40x128xf32, #tpu.memory_space<vmem>>, vector<1x16xf32>,
      %swap3A_123 = vector.shape_cast %swap3A_122 : vector<1x16xf32> to vector<16xf32>
      %swap3A_124 = vector.shape_cast %broadcast_in_dim3A_119 : vector<16xf32> to vector<1x16xf32>
      tpu.vector_store %arg22[%swap3A_120, %swap3A_121], %swap3A_124 {strides = array<i32>} : memref<40x128xf32, #tpu.memory_space<vmem>>, vector<1x16xf32>,
    }
    %scan3A_4 = arith.constant 40 : i32
    %scan3A_5 = arith.constant 0 : i32
    %scan3A_6 = arith.constant 16 : i32
    %scan3A_7 = arith.addi %scan3A_5, %scan3A_6 : i32
    %scan3A_8 = arith.constant 1 : i32
    scf.for %scan3A_70 = %scan3A_5 to %scan3A_7 step %scan3A_8  : i32 {
      %mul3A_71 = arith.constant 640 : i32
      %mul3A_72 = arith.muli %arg1, %mul3A_71 : i32
      %mul3A_73 = arith.constant 40 : i32
      %mul3A_74 = arith.muli %scan3A_70, %mul3A_73 : i32
      %add3A_75 = arith.addi %mul3A_72, %mul3A_74 : i32
      "tpu.region"() ({
        %run_scoped3A = tpu.sem_alloc : memref<!tpu.dma_semaphore, #tpu.memory_space<semaphore_mem>>
        %dma_start3A_76 = arith.constant 0 : i32
        %dma_start3A_77 = tpu.memref_slice %arg54[%add3A_75, %dma_start3A_76] : memref<10240x128xf32, #tpu.memory_space<vmem_shared>> -> memref<40x128xf32, #tpu.memory_space<vmem_shared>>
        %dma_start3A_78 = arith.constant 0 : i32
        %dma_start3A_79 = tpu.memref_slice %arg54[%add3A_75, %dma_start3A_78] : memref<10240x128xf32, #tpu.memory_space<vmem_shared>> -> memref<40x128xf32, #tpu.memory_space<vmem_shared>>
        tpu.enqueue_dma source(%arg22 : memref<40x128xf32, #tpu.memory_space<vmem>>) target(%dma_start3A_79 : memref<40x128xf32, #tpu.memory_space<vmem_shared>>) target_semaphore(%run_scoped3A : memref<!tpu.dma_semaphore, #tpu.memory_space<semaphore_mem>>)
        %dma_wait3A_80 = arith.constant 0 : i32
        %dma_wait3A_81 = tpu.memref_slice %arg54[%add3A_75, %dma_wait3A_80] : memref<10240x128xf32, #tpu.memory_space<vmem_shared>> -> memref<40x128xf32, #tpu.memory_space<vmem_shared>>
        %dma_wait3A_82 = arith.constant 0 : i32
        %dma_wait3A_83 = tpu.memref_slice %arg54[%add3A_75, %dma_wait3A_82] : memref<10240x128xf32, #tpu.memory_space<vmem_shared>> -> memref<40x128xf32, #tpu.memory_space<vmem_shared>>
        tpu.wait_dma2 semaphore(%run_scoped3A : memref<!tpu.dma_semaphore, #tpu.memory_space<semaphore_mem>>) src(%arg22 : memref<40x128xf32, #tpu.memory_space<vmem>>) dst(%dma_wait3A_83 : memref<40x128xf32, #tpu.memory_space<vmem_shared>>)
        tpu.yield
      }) : () -> ()
    }
    %scan3A_9 = arith.constant 16 : i32
    %barrier3A = arith.constant 0 : index
    tpu.barrier barrier_id(%barrier3A)
    %add3A_10 = arith.constant 0 : i32
    %add3A_11 = arith.addi %add3A_10, %add3A : i32
    %mul3A_12 = arith.constant 40 : i32
    %mul3A_13 = arith.muli %add3A_11, %mul3A_12 : i32
    %dma_start3A = tpu.memref_slice %arg3[%mul3A_13] : memref<320000xi32, #tpu.memory_space<hbm>> -> memref<40xi32, #tpu.memory_space<hbm>>
    %dma_start3A_14 = tpu.memref_slice %arg3[%mul3A_13] : memref<320000xi32, #tpu.memory_space<hbm>> -> memref<40xi32, #tpu.memory_space<hbm>>
    tpu.enqueue_dma source(%dma_start3A_14 : memref<40xi32, #tpu.memory_space<hbm>>) target(%arg6 : memref<40xi32, #tpu.memory_space<vmem>>) target_semaphore(%arg30 : memref<!tpu.dma_semaphore, #tpu.memory_space<semaphore_mem>>)
    %dma_start3A_15 = tpu.memref_slice %arg4[%mul3A_13] : memref<320000xi32, #tpu.memory_space<hbm>> -> memref<40xi32, #tpu.memory_space<hbm>>
    %dma_start3A_16 = tpu.memref_slice %arg4[%mul3A_13] : memref<320000xi32, #tpu.memory_space<hbm>> -> memref<40xi32, #tpu.memory_space<hbm>>
    tpu.enqueue_dma source(%dma_start3A_16 : memref<40xi32, #tpu.memory_space<hbm>>) target(%arg14 : memref<40xi32, #tpu.memory_space<vmem>>) target_semaphore(%arg30 : memref<!tpu.dma_semaphore, #tpu.memory_space<semaphore_mem>>)
    %add3A_17 = arith.constant 32 : i32
    %add3A_18 = arith.addi %add3A_17, %add3A : i32
    %mul3A_19 = arith.constant 40 : i32
    %mul3A_20 = arith.muli %add3A_18, %mul3A_19 : i32
    %dma_start3A_21 = tpu.memref_slice %arg3[%mul3A_20] : memref<320000xi32, #tpu.memory_space<hbm>> -> memref<40xi32, #tpu.memory_space<hbm>>
    %dma_start3A_22 = tpu.memref_slice %arg3[%mul3A_20] : memref<320000xi32, #tpu.memory_space<hbm>> -> memref<40xi32, #tpu.memory_space<hbm>>
    tpu.enqueue_dma source(%dma_start3A_22 : memref<40xi32, #tpu.memory_space<hbm>>) target(%arg7 : memref<40xi32, #tpu.memory_space<vmem>>) target_semaphore(%arg31 : memref<!tpu.dma_semaphore, #tpu.memory_space<semaphore_mem>>)
    %dma_start3A_23 = tpu.memref_slice %arg4[%mul3A_20] : memref<320000xi32, #tpu.memory_space<hbm>> -> memref<40xi32, #tpu.memory_space<hbm>>
    %dma_start3A_24 = tpu.memref_slice %arg4[%mul3A_20] : memref<320000xi32, #tpu.memory_space<hbm>> -> memref<40xi32, #tpu.memory_space<hbm>>
    tpu.enqueue_dma source(%dma_start3A_24 : memref<40xi32, #tpu.memory_space<hbm>>) target(%arg15 : memref<40xi32, #tpu.memory_space<vmem>>) target_semaphore(%arg31 : memref<!tpu.dma_semaphore, #tpu.memory_space<semaphore_mem>>)
    %scan3A_25 = arith.constant 0 : i32
    %scan3A_26 = arith.constant 250 : i32
    %scan3A_27 = arith.addi %scan3A_25, %scan3A_26 : i32
    %scan3A_28 = arith.constant 1 : i32
    scf.for %scan3A_70 = %scan3A_25 to %scan3A_27 step %scan3A_28  : i32 {
      %jit3A = arith.constant 8 : i32
      %eq3A = arith.constant 0 : i32
      %eq3A_71 = arith.cmpi eq, %jit3A, %eq3A : i32
      %jit3A_72 = arith.constant 1 : i32
      %select_n3A = arith.select %eq3A_71, %jit3A_72, %jit3A : i32
      %rem3A = arith.remsi %scan3A_70, %select_n3A : i32
      %ne3A = arith.constant 0 : i32
      %ne3A_73 = arith.cmpi ne, %rem3A, %ne3A : i32
      %lt3A = arith.constant 0 : i32
      %lt3A_74 = arith.cmpi slt, %rem3A, %lt3A : i32
      %lt3A_75 = arith.constant 0 : i32
      %lt3A_76 = arith.cmpi slt, %select_n3A, %lt3A_75 : i32
      %ne3A_77 = arith.xori %lt3A_74, %lt3A_76 : i1
      %and3A = arith.andi %ne3A_77, %ne3A_73 : i1
      %add3A_78 = arith.addi %rem3A, %select_n3A : i32
      %select_n3A_79 = arith.select %and3A, %add3A_78, %rem3A : i32
      %eq3A_80 = arith.constant 0 : i32
      %eq3A_81 = arith.cmpi eq, %select_n3A_79, %eq3A_80 : i32
      %convert_element_type3A = arith.extui %eq3A_81 : i1 to i32
      %cond3A = arith.constant 0 : i32
      %cond3A_82 = arith.cmpi ne, %convert_element_type3A, %cond3A : i32
      scf.if %cond3A_82 {
        %mul3A_230 = arith.constant 32 : i32
        %mul3A_231 = arith.muli %scan3A_70, %mul3A_230 : i32
        %add3A_232 = arith.addi %mul3A_231, %add3A : i32
        %mul3A_233 = arith.constant 40 : i32
        %mul3A_234 = arith.muli %add3A_232, %mul3A_233 : i32
        %dma_wait3A_235 = tpu.memref_slice %arg3[%mul3A_234] : memref<320000xi32, #tpu.memory_space<hbm>> -> memref<40xi32, #tpu.memory_space<hbm>>
        %dma_wait3A_236 = tpu.memref_slice %arg3[%mul3A_234] : memref<320000xi32, #tpu.memory_space<hbm>> -> memref<40xi32, #tpu.memory_space<hbm>>
        tpu.wait_dma2 semaphore(%arg30 : memref<!tpu.dma_semaphore, #tpu.memory_space<semaphore_mem>>) src(%dma_wait3A_236 : memref<40xi32, #tpu.memory_space<hbm>>) dst(%arg6 : memref<40xi32, #tpu.memory_space<vmem>>)
        %dma_wait3A_237 = tpu.memref_slice %arg4[%mul3A_234] : memref<320000xi32, #tpu.memory_space<hbm>> -> memref<40xi32, #tpu.memory_space<hbm>>
        %dma_wait3A_238 = tpu.memref_slice %arg4[%mul3A_234] : memref<320000xi32, #tpu.memory_space<hbm>> -> memref<40xi32, #tpu.memory_space<hbm>>
        tpu.wait_dma2 semaphore(%arg30 : memref<!tpu.dma_semaphore, #tpu.memory_space<semaphore_mem>>) src(%dma_wait3A_238 : memref<40xi32, #tpu.memory_space<hbm>>) dst(%arg14 : memref<40xi32, #tpu.memory_space<vmem>>)
        %ge3A = arith.constant 6 : i32
        %ge3A_239 = arith.cmpi sge, %scan3A_70, %ge3A : i32
        %convert_element_type3A_240 = arith.extui %ge3A_239 : i1 to i32
        %cond3A_241 = arith.constant 0 : i32
        %cond3A_242 = arith.cmpi ne, %convert_element_type3A_240, %cond3A_241 : i32
        scf.if %cond3A_242 {
          %dma_wait3A_256 = arith.constant 0 : i32
          %dma_wait3A_257 = arith.constant 0 : i32
          %dma_wait3A_258 = tpu.memref_slice %arg54[%dma_wait3A_256, %dma_wait3A_257] : memref<10240x128xf32, #tpu.memory_space<vmem_shared>> -> memref<10240x128xf32, #tpu.memory_space<vmem_shared>>
          tpu.wait_indirect_dma semaphore(%arg48 : memref<!tpu.dma_semaphore, #tpu.memory_space<semaphore_mem>>) src(%arg24 : memref<40x128xf32, #tpu.memory_space<vmem>>) dst(%dma_wait3A_258 : memref<10240x128xf32, #tpu.memory_space<vmem_shared>>)
        } else {
        }
        %lt3A_243 = arith.constant 248 : i32
        %lt3A_244 = arith.cmpi slt, %scan3A_70, %lt3A_243 : i32
        %convert_element_type3A_245 = arith.extui %lt3A_244 : i1 to i32
        %cond3A_246 = arith.constant 0 : i32
        %cond3A_247 = arith.cmpi ne, %convert_element_type3A_245, %cond3A_246 : i32
        scf.if %cond3A_247 {
          %add3A_256 = arith.constant 2 : i32
          %add3A_257 = arith.addi %scan3A_70, %add3A_256 : i32
          %mul3A_258 = arith.constant 32 : i32
          %mul3A_259 = arith.muli %add3A_257, %mul3A_258 : i32
          %add3A_260 = arith.addi %mul3A_259, %add3A : i32
          %mul3A_261 = arith.constant 40 : i32
          %mul3A_262 = arith.muli %add3A_260, %mul3A_261 : i32
          %dma_start3A_263 = tpu.memref_slice %arg3[%mul3A_262] : memref<320000xi32, #tpu.memory_space<hbm>> -> memref<40xi32, #tpu.memory_space<hbm>>
          %dma_start3A_264 = tpu.memref_slice %arg3[%mul3A_262] : memref<320000xi32, #tpu.memory_space<hbm>> -> memref<40xi32, #tpu.memory_space<hbm>>
          tpu.enqueue_dma source(%dma_start3A_264 : memref<40xi32, #tpu.memory_space<hbm>>) target(%arg8 : memref<40xi32, #tpu.memory_space<vmem>>) target_semaphore(%arg32 : memref<!tpu.dma_semaphore, #tpu.memory_space<semaphore_mem>>)
          %dma_start3A_265 = tpu.memref_slice %arg4[%mul3A_262] : memref<320000xi32, #tpu.memory_space<hbm>> -> memref<40xi32, #tpu.memory_space<hbm>>
          %dma_start3A_266 = tpu.memref_slice %arg4[%mul3A_262] : memref<320000xi32, #tpu.memory_space<hbm>> -> memref<40xi32, #tpu.memory_space<hbm>>
          tpu.enqueue_dma source(%dma_start3A_266 : memref<40xi32, #tpu.memory_space<hbm>>) target(%arg16 : memref<40xi32, #tpu.memory_space<vmem>>) target_semaphore(%arg32 : memref<!tpu.dma_semaphore, #tpu.memory_space<semaphore_mem>>)
        } else {
        }
        %dma_start3A_248 = arith.constant 0 : i32
        %dma_start3A_249 = arith.constant 0 : i32
        %dma_start3A_250 = tpu.memref_slice %arg2[%dma_start3A_248, %dma_start3A_249] : memref<10000x128xf32, #tpu.memory_space<hbm>> -> memref<10000x128xf32, #tpu.memory_space<hbm>>
        tpu.enqueue_indirect_dma source(%dma_start3A_250 : memref<10000x128xf32, #tpu.memory_space<hbm>>) target(%arg22 : memref<40x128xf32, #tpu.memory_space<vmem>>) offsets(%arg6 : memref<40xi32, #tpu.memory_space<vmem>>) semaphore(%arg38 : memref<!tpu.dma_semaphore, #tpu.memory_space<semaphore_mem>>)
        %ge3A_251 = arith.constant 3 : i32
        %ge3A_252 = arith.cmpi sge, %scan3A_70, %ge3A_251 : i32
        %convert_element_type3A_253 = arith.extui %ge3A_252 : i1 to i32
        %cond3A_254 = arith.constant 0 : i32
        %cond3A_255 = arith.cmpi ne, %convert_element_type3A_253, %cond3A_254 : i32
        scf.if %cond3A_255 {
          %dma_wait3A_256 = arith.constant 0 : i32
          %dma_wait3A_257 = arith.constant 0 : i32
          %dma_wait3A_258 = tpu.memref_slice %arg2[%dma_wait3A_256, %dma_wait3A_257] : memref<10000x128xf32, #tpu.memory_space<hbm>> -> memref<10000x128xf32, #tpu.memory_space<hbm>>
          tpu.wait_indirect_dma semaphore(%arg43 : memref<!tpu.dma_semaphore, #tpu.memory_space<semaphore_mem>>) src(%dma_wait3A_258 : memref<10000x128xf32, #tpu.memory_space<hbm>>) dst(%arg27 : memref<40x128xf32, #tpu.memory_space<vmem>>)
          %dma_start3A_259 = arith.constant 0 : i32
          %dma_start3A_260 = arith.constant 0 : i32
          %dma_start3A_261 = tpu.memref_slice %arg54[%dma_start3A_259, %dma_start3A_260] : memref<10240x128xf32, #tpu.memory_space<vmem_shared>> -> memref<10240x128xf32, #tpu.memory_space<vmem_shared>>
          tpu.enqueue_indirect_dma source(%arg27 : memref<40x128xf32, #tpu.memory_space<vmem>>) target(%dma_start3A_261 : memref<10240x128xf32, #tpu.memory_space<vmem_shared>>) offsets(%arg19 : memref<40xi32, #tpu.memory_space<vmem>>) semaphore(%arg51 : memref<!tpu.dma_semaphore, #tpu.memory_space<semaphore_mem>>) {add = true}
        } else {
        }
      } else {
      }
      %jit3A_83 = arith.constant 8 : i32
      %eq3A_84 = arith.constant 0 : i32
      %eq3A_85 = arith.cmpi eq, %jit3A_83, %eq3A_84 : i32
      %jit3A_86 = arith.constant 1 : i32
      %select_n3A_87 = arith.select %eq3A_85, %jit3A_86, %jit3A_83 : i32
      %rem3A_88 = arith.remsi %scan3A_70, %select_n3A_87 : i32
      %ne3A_89 = arith.constant 0 : i32
      %ne3A_90 = arith.cmpi ne, %rem3A_88, %ne3A_89 : i32
      %lt3A_91 = arith.constant 0 : i32
      %lt3A_92 = arith.cmpi slt, %rem3A_88, %lt3A_91 : i32
      %lt3A_93 = arith.constant 0 : i32
      %lt3A_94 = arith.cmpi slt, %select_n3A_87, %lt3A_93 : i32
      %ne3A_95 = arith.xori %lt3A_92, %lt3A_94 : i1
      %and3A_96 = arith.andi %ne3A_95, %ne3A_90 : i1
      %add3A_97 = arith.addi %rem3A_88, %select_n3A_87 : i32
      %select_n3A_98 = arith.select %and3A_96, %add3A_97, %rem3A_88 : i32
      %eq3A_99 = arith.constant 1 : i32
      %eq3A_100 = arith.cmpi eq, %select_n3A_98, %eq3A_99 : i32
      %convert_element_type3A_101 = arith.extui %eq3A_100 : i1 to i32
      %cond3A_102 = arith.constant 0 : i32
      %cond3A_103 = arith.cmpi ne, %convert_element_type3A_101, %cond3A_102 : i32
      scf.if %cond3A_103 {
        %mul3A_230 = arith.constant 32 : i32
        %mul3A_231 = arith.muli %scan3A_70, %mul3A_230 : i32
        %add3A_232 = arith.addi %mul3A_231, %add3A : i32
        %mul3A_233 = arith.constant 40 : i32
        %mul3A_234 = arith.muli %add3A_232, %mul3A_233 : i32
        %dma_wait3A_235 = tpu.memref_slice %arg3[%mul3A_234] : memref<320000xi32, #tpu.memory_space<hbm>> -> memref<40xi32, #tpu.memory_space<hbm>>
        %dma_wait3A_236 = tpu.memref_slice %arg3[%mul3A_234] : memref<320000xi32, #tpu.memory_space<hbm>> -> memref<40xi32, #tpu.memory_space<hbm>>
        tpu.wait_dma2 semaphore(%arg31 : memref<!tpu.dma_semaphore, #tpu.memory_space<semaphore_mem>>) src(%dma_wait3A_236 : memref<40xi32, #tpu.memory_space<hbm>>) dst(%arg7 : memref<40xi32, #tpu.memory_space<vmem>>)
        %dma_wait3A_237 = tpu.memref_slice %arg4[%mul3A_234] : memref<320000xi32, #tpu.memory_space<hbm>> -> memref<40xi32, #tpu.memory_space<hbm>>
        %dma_wait3A_238 = tpu.memref_slice %arg4[%mul3A_234] : memref<320000xi32, #tpu.memory_space<hbm>> -> memref<40xi32, #tpu.memory_space<hbm>>
        tpu.wait_dma2 semaphore(%arg31 : memref<!tpu.dma_semaphore, #tpu.memory_space<semaphore_mem>>) src(%dma_wait3A_238 : memref<40xi32, #tpu.memory_space<hbm>>) dst(%arg15 : memref<40xi32, #tpu.memory_space<vmem>>)
        %ge3A = arith.constant 6 : i32
        %ge3A_239 = arith.cmpi sge, %scan3A_70, %ge3A : i32
        %convert_element_type3A_240 = arith.extui %ge3A_239 : i1 to i32
        %cond3A_241 = arith.constant 0 : i32
        %cond3A_242 = arith.cmpi ne, %convert_element_type3A_240, %cond3A_241 : i32
        scf.if %cond3A_242 {
          %dma_wait3A_256 = arith.constant 0 : i32
          %dma_wait3A_257 = arith.constant 0 : i32
          %dma_wait3A_258 = tpu.memref_slice %arg54[%dma_wait3A_256, %dma_wait3A_257] : memref<10240x128xf32, #tpu.memory_space<vmem_shared>> -> memref<10240x128xf32, #tpu.memory_space<vmem_shared>>
          tpu.wait_indirect_dma semaphore(%arg49 : memref<!tpu.dma_semaphore, #tpu.memory_space<semaphore_mem>>) src(%arg25 : memref<40x128xf32, #tpu.memory_space<vmem>>) dst(%dma_wait3A_258 : memref<10240x128xf32, #tpu.memory_space<vmem_shared>>)
        } else {
        }
        %lt3A_243 = arith.constant 248 : i32
        %lt3A_244 = arith.cmpi slt, %scan3A_70, %lt3A_243 : i32
        %convert_element_type3A_245 = arith.extui %lt3A_244 : i1 to i32
        %cond3A_246 = arith.constant 0 : i32
        %cond3A_247 = arith.cmpi ne, %convert_element_type3A_245, %cond3A_246 : i32
        scf.if %cond3A_247 {
          %add3A_256 = arith.constant 2 : i32
          %add3A_257 = arith.addi %scan3A_70, %add3A_256 : i32
          %mul3A_258 = arith.constant 32 : i32
          %mul3A_259 = arith.muli %add3A_257, %mul3A_258 : i32
          %add3A_260 = arith.addi %mul3A_259, %add3A : i32
          %mul3A_261 = arith.constant 40 : i32
          %mul3A_262 = arith.muli %add3A_260, %mul3A_261 : i32
          %dma_start3A_263 = tpu.memref_slice %arg3[%mul3A_262] : memref<320000xi32, #tpu.memory_space<hbm>> -> memref<40xi32, #tpu.memory_space<hbm>>
          %dma_start3A_264 = tpu.memref_slice %arg3[%mul3A_262] : memref<320000xi32, #tpu.memory_space<hbm>> -> memref<40xi32, #tpu.memory_space<hbm>>
          tpu.enqueue_dma source(%dma_start3A_264 : memref<40xi32, #tpu.memory_space<hbm>>) target(%arg9 : memref<40xi32, #tpu.memory_space<vmem>>) target_semaphore(%arg33 : memref<!tpu.dma_semaphore, #tpu.memory_space<semaphore_mem>>)
          %dma_start3A_265 = tpu.memref_slice %arg4[%mul3A_262] : memref<320000xi32, #tpu.memory_space<hbm>> -> memref<40xi32, #tpu.memory_space<hbm>>
          %dma_start3A_266 = tpu.memref_slice %arg4[%mul3A_262] : memref<320000xi32, #tpu.memory_space<hbm>> -> memref<40xi32, #tpu.memory_space<hbm>>
          tpu.enqueue_dma source(%dma_start3A_266 : memref<40xi32, #tpu.memory_space<hbm>>) target(%arg17 : memref<40xi32, #tpu.memory_space<vmem>>) target_semaphore(%arg33 : memref<!tpu.dma_semaphore, #tpu.memory_space<semaphore_mem>>)
        } else {
        }
        %dma_start3A_248 = arith.constant 0 : i32
        %dma_start3A_249 = arith.constant 0 : i32
        %dma_start3A_250 = tpu.memref_slice %arg2[%dma_start3A_248, %dma_start3A_249] : memref<10000x128xf32, #tpu.memory_space<hbm>> -> memref<10000x128xf32, #tpu.memory_space<hbm>>
        tpu.enqueue_indirect_dma source(%dma_start3A_250 : memref<10000x128xf32, #tpu.memory_space<hbm>>) target(%arg23 : memref<40x128xf32, #tpu.memory_space<vmem>>) offsets(%arg7 : memref<40xi32, #tpu.memory_space<vmem>>) semaphore(%arg39 : memref<!tpu.dma_semaphore, #tpu.memory_space<semaphore_mem>>)
        %ge3A_251 = arith.constant 3 : i32
        %ge3A_252 = arith.cmpi sge, %scan3A_70, %ge3A_251 : i32
        %convert_element_type3A_253 = arith.extui %ge3A_252 : i1 to i32
        %cond3A_254 = arith.constant 0 : i32
        %cond3A_255 = arith.cmpi ne, %convert_element_type3A_253, %cond3A_254 : i32
        scf.if %cond3A_255 {
          %dma_wait3A_256 = arith.constant 0 : i32
          %dma_wait3A_257 = arith.constant 0 : i32
          %dma_wait3A_258 = tpu.memref_slice %arg2[%dma_wait3A_256, %dma_wait3A_257] : memref<10000x128xf32, #tpu.memory_space<hbm>> -> memref<10000x128xf32, #tpu.memory_space<hbm>>
          tpu.wait_indirect_dma semaphore(%arg44 : memref<!tpu.dma_semaphore, #tpu.memory_space<semaphore_mem>>) src(%dma_wait3A_258 : memref<10000x128xf32, #tpu.memory_space<hbm>>) dst(%arg28 : memref<40x128xf32, #tpu.memory_space<vmem>>)
          %dma_start3A_259 = arith.constant 0 : i32
          %dma_start3A_260 = arith.constant 0 : i32
          %dma_start3A_261 = tpu.memref_slice %arg54[%dma_start3A_259, %dma_start3A_260] : memref<10240x128xf32, #tpu.memory_space<vmem_shared>> -> memref<10240x128xf32, #tpu.memory_space<vmem_shared>>
          tpu.enqueue_indirect_dma source(%arg28 : memref<40x128xf32, #tpu.memory_space<vmem>>) target(%dma_start3A_261 : memref<10240x128xf32, #tpu.memory_space<vmem_shared>>) offsets(%arg20 : memref<40xi32, #tpu.memory_space<vmem>>) semaphore(%arg52 : memref<!tpu.dma_semaphore, #tpu.memory_space<semaphore_mem>>) {add = true}
        } else {
        }
      } else {
      }
      %jit3A_104 = arith.constant 8 : i32
      %eq3A_105 = arith.constant 0 : i32
      %eq3A_106 = arith.cmpi eq, %jit3A_104, %eq3A_105 : i32
      %jit3A_107 = arith.constant 1 : i32
      %select_n3A_108 = arith.select %eq3A_106, %jit3A_107, %jit3A_104 : i32
      %rem3A_109 = arith.remsi %scan3A_70, %select_n3A_108 : i32
      %ne3A_110 = arith.constant 0 : i32
      %ne3A_111 = arith.cmpi ne, %rem3A_109, %ne3A_110 : i32
      %lt3A_112 = arith.constant 0 : i32
      %lt3A_113 = arith.cmpi slt, %rem3A_109, %lt3A_112 : i32
      %lt3A_114 = arith.constant 0 : i32
      %lt3A_115 = arith.cmpi slt, %select_n3A_108, %lt3A_114 : i32
      %ne3A_116 = arith.xori %lt3A_113, %lt3A_115 : i1
      %and3A_117 = arith.andi %ne3A_116, %ne3A_111 : i1
      %add3A_118 = arith.addi %rem3A_109, %select_n3A_108 : i32
      %select_n3A_119 = arith.select %and3A_117, %add3A_118, %rem3A_109 : i32
      %eq3A_120 = arith.constant 2 : i32
      %eq3A_121 = arith.cmpi eq, %select_n3A_119, %eq3A_120 : i32
      %convert_element_type3A_122 = arith.extui %eq3A_121 : i1 to i32
      %cond3A_123 = arith.constant 0 : i32
      %cond3A_124 = arith.cmpi ne, %convert_element_type3A_122, %cond3A_123 : i32
      scf.if %cond3A_124 {
        %mul3A_230 = arith.constant 32 : i32
        %mul3A_231 = arith.muli %scan3A_70, %mul3A_230 : i32
        %add3A_232 = arith.addi %mul3A_231, %add3A : i32
        %mul3A_233 = arith.constant 40 : i32
        %mul3A_234 = arith.muli %add3A_232, %mul3A_233 : i32
        %dma_wait3A_235 = tpu.memref_slice %arg3[%mul3A_234] : memref<320000xi32, #tpu.memory_space<hbm>> -> memref<40xi32, #tpu.memory_space<hbm>>
        %dma_wait3A_236 = tpu.memref_slice %arg3[%mul3A_234] : memref<320000xi32, #tpu.memory_space<hbm>> -> memref<40xi32, #tpu.memory_space<hbm>>
        tpu.wait_dma2 semaphore(%arg32 : memref<!tpu.dma_semaphore, #tpu.memory_space<semaphore_mem>>) src(%dma_wait3A_236 : memref<40xi32, #tpu.memory_space<hbm>>) dst(%arg8 : memref<40xi32, #tpu.memory_space<vmem>>)
        %dma_wait3A_237 = tpu.memref_slice %arg4[%mul3A_234] : memref<320000xi32, #tpu.memory_space<hbm>> -> memref<40xi32, #tpu.memory_space<hbm>>
        %dma_wait3A_238 = tpu.memref_slice %arg4[%mul3A_234] : memref<320000xi32, #tpu.memory_space<hbm>> -> memref<40xi32, #tpu.memory_space<hbm>>
        tpu.wait_dma2 semaphore(%arg32 : memref<!tpu.dma_semaphore, #tpu.memory_space<semaphore_mem>>) src(%dma_wait3A_238 : memref<40xi32, #tpu.memory_space<hbm>>) dst(%arg16 : memref<40xi32, #tpu.memory_space<vmem>>)
        %ge3A = arith.constant 6 : i32
        %ge3A_239 = arith.cmpi sge, %scan3A_70, %ge3A : i32
        %convert_element_type3A_240 = arith.extui %ge3A_239 : i1 to i32
        %cond3A_241 = arith.constant 0 : i32
        %cond3A_242 = arith.cmpi ne, %convert_element_type3A_240, %cond3A_241 : i32
        scf.if %cond3A_242 {
          %dma_wait3A_256 = arith.constant 0 : i32
          %dma_wait3A_257 = arith.constant 0 : i32
          %dma_wait3A_258 = tpu.memref_slice %arg54[%dma_wait3A_256, %dma_wait3A_257] : memref<10240x128xf32, #tpu.memory_space<vmem_shared>> -> memref<10240x128xf32, #tpu.memory_space<vmem_shared>>
          tpu.wait_indirect_dma semaphore(%arg50 : memref<!tpu.dma_semaphore, #tpu.memory_space<semaphore_mem>>) src(%arg26 : memref<40x128xf32, #tpu.memory_space<vmem>>) dst(%dma_wait3A_258 : memref<10240x128xf32, #tpu.memory_space<vmem_shared>>)
        } else {
        }
        %lt3A_243 = arith.constant 248 : i32
        %lt3A_244 = arith.cmpi slt, %scan3A_70, %lt3A_243 : i32
        %convert_element_type3A_245 = arith.extui %lt3A_244 : i1 to i32
        %cond3A_246 = arith.constant 0 : i32
        %cond3A_247 = arith.cmpi ne, %convert_element_type3A_245, %cond3A_246 : i32
        scf.if %cond3A_247 {
          %add3A_256 = arith.constant 2 : i32
          %add3A_257 = arith.addi %scan3A_70, %add3A_256 : i32
          %mul3A_258 = arith.constant 32 : i32
          %mul3A_259 = arith.muli %add3A_257, %mul3A_258 : i32
          %add3A_260 = arith.addi %mul3A_259, %add3A : i32
          %mul3A_261 = arith.constant 40 : i32
          %mul3A_262 = arith.muli %add3A_260, %mul3A_261 : i32
          %dma_start3A_263 = tpu.memref_slice %arg3[%mul3A_262] : memref<320000xi32, #tpu.memory_space<hbm>> -> memref<40xi32, #tpu.memory_space<hbm>>
          %dma_start3A_264 = tpu.memref_slice %arg3[%mul3A_262] : memref<320000xi32, #tpu.memory_space<hbm>> -> memref<40xi32, #tpu.memory_space<hbm>>
          tpu.enqueue_dma source(%dma_start3A_264 : memref<40xi32, #tpu.memory_space<hbm>>) target(%arg10 : memref<40xi32, #tpu.memory_space<vmem>>) target_semaphore(%arg34 : memref<!tpu.dma_semaphore, #tpu.memory_space<semaphore_mem>>)
          %dma_start3A_265 = tpu.memref_slice %arg4[%mul3A_262] : memref<320000xi32, #tpu.memory_space<hbm>> -> memref<40xi32, #tpu.memory_space<hbm>>
          %dma_start3A_266 = tpu.memref_slice %arg4[%mul3A_262] : memref<320000xi32, #tpu.memory_space<hbm>> -> memref<40xi32, #tpu.memory_space<hbm>>
          tpu.enqueue_dma source(%dma_start3A_266 : memref<40xi32, #tpu.memory_space<hbm>>) target(%arg18 : memref<40xi32, #tpu.memory_space<vmem>>) target_semaphore(%arg34 : memref<!tpu.dma_semaphore, #tpu.memory_space<semaphore_mem>>)
        } else {
        }
        %dma_start3A_248 = arith.constant 0 : i32
        %dma_start3A_249 = arith.constant 0 : i32
        %dma_start3A_250 = tpu.memref_slice %arg2[%dma_start3A_248, %dma_start3A_249] : memref<10000x128xf32, #tpu.memory_space<hbm>> -> memref<10000x128xf32, #tpu.memory_space<hbm>>
        tpu.enqueue_indirect_dma source(%dma_start3A_250 : memref<10000x128xf32, #tpu.memory_space<hbm>>) target(%arg24 : memref<40x128xf32, #tpu.memory_space<vmem>>) offsets(%arg8 : memref<40xi32, #tpu.memory_space<vmem>>) semaphore(%arg40 : memref<!tpu.dma_semaphore, #tpu.memory_space<semaphore_mem>>)
        %ge3A_251 = arith.constant 3 : i32
        %ge3A_252 = arith.cmpi sge, %scan3A_70, %ge3A_251 : i32
        %convert_element_type3A_253 = arith.extui %ge3A_252 : i1 to i32
        %cond3A_254 = arith.constant 0 : i32
        %cond3A_255 = arith.cmpi ne, %convert_element_type3A_253, %cond3A_254 : i32
        scf.if %cond3A_255 {
          %dma_wait3A_256 = arith.constant 0 : i32
          %dma_wait3A_257 = arith.constant 0 : i32
          %dma_wait3A_258 = tpu.memref_slice %arg2[%dma_wait3A_256, %dma_wait3A_257] : memref<10000x128xf32, #tpu.memory_space<hbm>> -> memref<10000x128xf32, #tpu.memory_space<hbm>>
          tpu.wait_indirect_dma semaphore(%arg45 : memref<!tpu.dma_semaphore, #tpu.memory_space<semaphore_mem>>) src(%dma_wait3A_258 : memref<10000x128xf32, #tpu.memory_space<hbm>>) dst(%arg29 : memref<40x128xf32, #tpu.memory_space<vmem>>)
          %dma_start3A_259 = arith.constant 0 : i32
          %dma_start3A_260 = arith.constant 0 : i32
          %dma_start3A_261 = tpu.memref_slice %arg54[%dma_start3A_259, %dma_start3A_260] : memref<10240x128xf32, #tpu.memory_space<vmem_shared>> -> memref<10240x128xf32, #tpu.memory_space<vmem_shared>>
          tpu.enqueue_indirect_dma source(%arg29 : memref<40x128xf32, #tpu.memory_space<vmem>>) target(%dma_start3A_261 : memref<10240x128xf32, #tpu.memory_space<vmem_shared>>) offsets(%arg21 : memref<40xi32, #tpu.memory_space<vmem>>) semaphore(%arg53 : memref<!tpu.dma_semaphore, #tpu.memory_space<semaphore_mem>>) {add = true}
        } else {
        }
      } else {
      }
      %jit3A_125 = arith.constant 8 : i32
      %eq3A_126 = arith.constant 0 : i32
      %eq3A_127 = arith.cmpi eq, %jit3A_125, %eq3A_126 : i32
      %jit3A_128 = arith.constant 1 : i32
      %select_n3A_129 = arith.select %eq3A_127, %jit3A_128, %jit3A_125 : i32
      %rem3A_130 = arith.remsi %scan3A_70, %select_n3A_129 : i32
      %ne3A_131 = arith.constant 0 : i32
      %ne3A_132 = arith.cmpi ne, %rem3A_130, %ne3A_131 : i32
      %lt3A_133 = arith.constant 0 : i32
      %lt3A_134 = arith.cmpi slt, %rem3A_130, %lt3A_133 : i32
      %lt3A_135 = arith.constant 0 : i32
      %lt3A_136 = arith.cmpi slt, %select_n3A_129, %lt3A_135 : i32
      %ne3A_137 = arith.xori %lt3A_134, %lt3A_136 : i1
      %and3A_138 = arith.andi %ne3A_137, %ne3A_132 : i1
      %add3A_139 = arith.addi %rem3A_130, %select_n3A_129 : i32
      %select_n3A_140 = arith.select %and3A_138, %add3A_139, %rem3A_130 : i32
      %eq3A_141 = arith.constant 3 : i32
      %eq3A_142 = arith.cmpi eq, %select_n3A_140, %eq3A_141 : i32
      %convert_element_type3A_143 = arith.extui %eq3A_142 : i1 to i32
      %cond3A_144 = arith.constant 0 : i32
      %cond3A_145 = arith.cmpi ne, %convert_element_type3A_143, %cond3A_144 : i32
      scf.if %cond3A_145 {
        %mul3A_230 = arith.constant 32 : i32
        %mul3A_231 = arith.muli %scan3A_70, %mul3A_230 : i32
        %add3A_232 = arith.addi %mul3A_231, %add3A : i32
        %mul3A_233 = arith.constant 40 : i32
        %mul3A_234 = arith.muli %add3A_232, %mul3A_233 : i32
        %dma_wait3A_235 = tpu.memref_slice %arg3[%mul3A_234] : memref<320000xi32, #tpu.memory_space<hbm>> -> memref<40xi32, #tpu.memory_space<hbm>>
        %dma_wait3A_236 = tpu.memref_slice %arg3[%mul3A_234] : memref<320000xi32, #tpu.memory_space<hbm>> -> memref<40xi32, #tpu.memory_space<hbm>>
        tpu.wait_dma2 semaphore(%arg33 : memref<!tpu.dma_semaphore, #tpu.memory_space<semaphore_mem>>) src(%dma_wait3A_236 : memref<40xi32, #tpu.memory_space<hbm>>) dst(%arg9 : memref<40xi32, #tpu.memory_space<vmem>>)
        %dma_wait3A_237 = tpu.memref_slice %arg4[%mul3A_234] : memref<320000xi32, #tpu.memory_space<hbm>> -> memref<40xi32, #tpu.memory_space<hbm>>
        %dma_wait3A_238 = tpu.memref_slice %arg4[%mul3A_234] : memref<320000xi32, #tpu.memory_space<hbm>> -> memref<40xi32, #tpu.memory_space<hbm>>
        tpu.wait_dma2 semaphore(%arg33 : memref<!tpu.dma_semaphore, #tpu.memory_space<semaphore_mem>>) src(%dma_wait3A_238 : memref<40xi32, #tpu.memory_space<hbm>>) dst(%arg17 : memref<40xi32, #tpu.memory_space<vmem>>)
        %ge3A = arith.constant 6 : i32
        %ge3A_239 = arith.cmpi sge, %scan3A_70, %ge3A : i32
        %convert_element_type3A_240 = arith.extui %ge3A_239 : i1 to i32
        %cond3A_241 = arith.constant 0 : i32
        %cond3A_242 = arith.cmpi ne, %convert_element_type3A_240, %cond3A_241 : i32
        scf.if %cond3A_242 {
          %dma_wait3A_256 = arith.constant 0 : i32
          %dma_wait3A_257 = arith.constant 0 : i32
          %dma_wait3A_258 = tpu.memref_slice %arg54[%dma_wait3A_256, %dma_wait3A_257] : memref<10240x128xf32, #tpu.memory_space<vmem_shared>> -> memref<10240x128xf32, #tpu.memory_space<vmem_shared>>
          tpu.wait_indirect_dma semaphore(%arg51 : memref<!tpu.dma_semaphore, #tpu.memory_space<semaphore_mem>>) src(%arg27 : memref<40x128xf32, #tpu.memory_space<vmem>>) dst(%dma_wait3A_258 : memref<10240x128xf32, #tpu.memory_space<vmem_shared>>)
        } else {
        }
        %lt3A_243 = arith.constant 248 : i32
        %lt3A_244 = arith.cmpi slt, %scan3A_70, %lt3A_243 : i32
        %convert_element_type3A_245 = arith.extui %lt3A_244 : i1 to i32
        %cond3A_246 = arith.constant 0 : i32
        %cond3A_247 = arith.cmpi ne, %convert_element_type3A_245, %cond3A_246 : i32
        scf.if %cond3A_247 {
          %add3A_256 = arith.constant 2 : i32
          %add3A_257 = arith.addi %scan3A_70, %add3A_256 : i32
          %mul3A_258 = arith.constant 32 : i32
          %mul3A_259 = arith.muli %add3A_257, %mul3A_258 : i32
          %add3A_260 = arith.addi %mul3A_259, %add3A : i32
          %mul3A_261 = arith.constant 40 : i32
          %mul3A_262 = arith.muli %add3A_260, %mul3A_261 : i32
          %dma_start3A_263 = tpu.memref_slice %arg3[%mul3A_262] : memref<320000xi32, #tpu.memory_space<hbm>> -> memref<40xi32, #tpu.memory_space<hbm>>
          %dma_start3A_264 = tpu.memref_slice %arg3[%mul3A_262] : memref<320000xi32, #tpu.memory_space<hbm>> -> memref<40xi32, #tpu.memory_space<hbm>>
          tpu.enqueue_dma source(%dma_start3A_264 : memref<40xi32, #tpu.memory_space<hbm>>) target(%arg11 : memref<40xi32, #tpu.memory_space<vmem>>) target_semaphore(%arg35 : memref<!tpu.dma_semaphore, #tpu.memory_space<semaphore_mem>>)
          %dma_start3A_265 = tpu.memref_slice %arg4[%mul3A_262] : memref<320000xi32, #tpu.memory_space<hbm>> -> memref<40xi32, #tpu.memory_space<hbm>>
          %dma_start3A_266 = tpu.memref_slice %arg4[%mul3A_262] : memref<320000xi32, #tpu.memory_space<hbm>> -> memref<40xi32, #tpu.memory_space<hbm>>
          tpu.enqueue_dma source(%dma_start3A_266 : memref<40xi32, #tpu.memory_space<hbm>>) target(%arg19 : memref<40xi32, #tpu.memory_space<vmem>>) target_semaphore(%arg35 : memref<!tpu.dma_semaphore, #tpu.memory_space<semaphore_mem>>)
        } else {
        }
        %dma_start3A_248 = arith.constant 0 : i32
        %dma_start3A_249 = arith.constant 0 : i32
        %dma_start3A_250 = tpu.memref_slice %arg2[%dma_start3A_248, %dma_start3A_249] : memref<10000x128xf32, #tpu.memory_space<hbm>> -> memref<10000x128xf32, #tpu.memory_space<hbm>>
        tpu.enqueue_indirect_dma source(%dma_start3A_250 : memref<10000x128xf32, #tpu.memory_space<hbm>>) target(%arg25 : memref<40x128xf32, #tpu.memory_space<vmem>>) offsets(%arg9 : memref<40xi32, #tpu.memory_space<vmem>>) semaphore(%arg41 : memref<!tpu.dma_semaphore, #tpu.memory_space<semaphore_mem>>)
        %ge3A_251 = arith.constant 3 : i32
        %ge3A_252 = arith.cmpi sge, %scan3A_70, %ge3A_251 : i32
        %convert_element_type3A_253 = arith.extui %ge3A_252 : i1 to i32
        %cond3A_254 = arith.constant 0 : i32
        %cond3A_255 = arith.cmpi ne, %convert_element_type3A_253, %cond3A_254 : i32
        scf.if %cond3A_255 {
          %dma_wait3A_256 = arith.constant 0 : i32
          %dma_wait3A_257 = arith.constant 0 : i32
          %dma_wait3A_258 = tpu.memref_slice %arg2[%dma_wait3A_256, %dma_wait3A_257] : memref<10000x128xf32, #tpu.memory_space<hbm>> -> memref<10000x128xf32, #tpu.memory_space<hbm>>
          tpu.wait_indirect_dma semaphore(%arg38 : memref<!tpu.dma_semaphore, #tpu.memory_space<semaphore_mem>>) src(%dma_wait3A_258 : memref<10000x128xf32, #tpu.memory_space<hbm>>) dst(%arg22 : memref<40x128xf32, #tpu.memory_space<vmem>>)
          %dma_start3A_259 = arith.constant 0 : i32
          %dma_start3A_260 = arith.constant 0 : i32
          %dma_start3A_261 = tpu.memref_slice %arg54[%dma_start3A_259, %dma_start3A_260] : memref<10240x128xf32, #tpu.memory_space<vmem_shared>> -> memref<10240x128xf32, #tpu.memory_space<vmem_shared>>
          tpu.enqueue_indirect_dma source(%arg22 : memref<40x128xf32, #tpu.memory_space<vmem>>) target(%dma_start3A_261 : memref<10240x128xf32, #tpu.memory_space<vmem_shared>>) offsets(%arg14 : memref<40xi32, #tpu.memory_space<vmem>>) semaphore(%arg46 : memref<!tpu.dma_semaphore, #tpu.memory_space<semaphore_mem>>) {add = true}
        } else {
        }
      } else {
      }
      %jit3A_146 = arith.constant 8 : i32
      %eq3A_147 = arith.constant 0 : i32
      %eq3A_148 = arith.cmpi eq, %jit3A_146, %eq3A_147 : i32
      %jit3A_149 = arith.constant 1 : i32
      %select_n3A_150 = arith.select %eq3A_148, %jit3A_149, %jit3A_146 : i32
      %rem3A_151 = arith.remsi %scan3A_70, %select_n3A_150 : i32
      %ne3A_152 = arith.constant 0 : i32
      %ne3A_153 = arith.cmpi ne, %rem3A_151, %ne3A_152 : i32
      %lt3A_154 = arith.constant 0 : i32
      %lt3A_155 = arith.cmpi slt, %rem3A_151, %lt3A_154 : i32
      %lt3A_156 = arith.constant 0 : i32
      %lt3A_157 = arith.cmpi slt, %select_n3A_150, %lt3A_156 : i32
      %ne3A_158 = arith.xori %lt3A_155, %lt3A_157 : i1
      %and3A_159 = arith.andi %ne3A_158, %ne3A_153 : i1
      %add3A_160 = arith.addi %rem3A_151, %select_n3A_150 : i32
      %select_n3A_161 = arith.select %and3A_159, %add3A_160, %rem3A_151 : i32
      %eq3A_162 = arith.constant 4 : i32
      %eq3A_163 = arith.cmpi eq, %select_n3A_161, %eq3A_162 : i32
      %convert_element_type3A_164 = arith.extui %eq3A_163 : i1 to i32
      %cond3A_165 = arith.constant 0 : i32
      %cond3A_166 = arith.cmpi ne, %convert_element_type3A_164, %cond3A_165 : i32
      scf.if %cond3A_166 {
        %mul3A_230 = arith.constant 32 : i32
        %mul3A_231 = arith.muli %scan3A_70, %mul3A_230 : i32
        %add3A_232 = arith.addi %mul3A_231, %add3A : i32
        %mul3A_233 = arith.constant 40 : i32
        %mul3A_234 = arith.muli %add3A_232, %mul3A_233 : i32
        %dma_wait3A_235 = tpu.memref_slice %arg3[%mul3A_234] : memref<320000xi32, #tpu.memory_space<hbm>> -> memref<40xi32, #tpu.memory_space<hbm>>
        %dma_wait3A_236 = tpu.memref_slice %arg3[%mul3A_234] : memref<320000xi32, #tpu.memory_space<hbm>> -> memref<40xi32, #tpu.memory_space<hbm>>
        tpu.wait_dma2 semaphore(%arg34 : memref<!tpu.dma_semaphore, #tpu.memory_space<semaphore_mem>>) src(%dma_wait3A_236 : memref<40xi32, #tpu.memory_space<hbm>>) dst(%arg10 : memref<40xi32, #tpu.memory_space<vmem>>)
        %dma_wait3A_237 = tpu.memref_slice %arg4[%mul3A_234] : memref<320000xi32, #tpu.memory_space<hbm>> -> memref<40xi32, #tpu.memory_space<hbm>>
        %dma_wait3A_238 = tpu.memref_slice %arg4[%mul3A_234] : memref<320000xi32, #tpu.memory_space<hbm>> -> memref<40xi32, #tpu.memory_space<hbm>>
        tpu.wait_dma2 semaphore(%arg34 : memref<!tpu.dma_semaphore, #tpu.memory_space<semaphore_mem>>) src(%dma_wait3A_238 : memref<40xi32, #tpu.memory_space<hbm>>) dst(%arg18 : memref<40xi32, #tpu.memory_space<vmem>>)
        %ge3A = arith.constant 6 : i32
        %ge3A_239 = arith.cmpi sge, %scan3A_70, %ge3A : i32
        %convert_element_type3A_240 = arith.extui %ge3A_239 : i1 to i32
        %cond3A_241 = arith.constant 0 : i32
        %cond3A_242 = arith.cmpi ne, %convert_element_type3A_240, %cond3A_241 : i32
        scf.if %cond3A_242 {
          %dma_wait3A_256 = arith.constant 0 : i32
          %dma_wait3A_257 = arith.constant 0 : i32
          %dma_wait3A_258 = tpu.memref_slice %arg54[%dma_wait3A_256, %dma_wait3A_257] : memref<10240x128xf32, #tpu.memory_space<vmem_shared>> -> memref<10240x128xf32, #tpu.memory_space<vmem_shared>>
          tpu.wait_indirect_dma semaphore(%arg52 : memref<!tpu.dma_semaphore, #tpu.memory_space<semaphore_mem>>) src(%arg28 : memref<40x128xf32, #tpu.memory_space<vmem>>) dst(%dma_wait3A_258 : memref<10240x128xf32, #tpu.memory_space<vmem_shared>>)
        } else {
        }
        %lt3A_243 = arith.constant 248 : i32
        %lt3A_244 = arith.cmpi slt, %scan3A_70, %lt3A_243 : i32
        %convert_element_type3A_245 = arith.extui %lt3A_244 : i1 to i32
        %cond3A_246 = arith.constant 0 : i32
        %cond3A_247 = arith.cmpi ne, %convert_element_type3A_245, %cond3A_246 : i32
        scf.if %cond3A_247 {
          %add3A_256 = arith.constant 2 : i32
          %add3A_257 = arith.addi %scan3A_70, %add3A_256 : i32
          %mul3A_258 = arith.constant 32 : i32
          %mul3A_259 = arith.muli %add3A_257, %mul3A_258 : i32
          %add3A_260 = arith.addi %mul3A_259, %add3A : i32
          %mul3A_261 = arith.constant 40 : i32
          %mul3A_262 = arith.muli %add3A_260, %mul3A_261 : i32
          %dma_start3A_263 = tpu.memref_slice %arg3[%mul3A_262] : memref<320000xi32, #tpu.memory_space<hbm>> -> memref<40xi32, #tpu.memory_space<hbm>>
          %dma_start3A_264 = tpu.memref_slice %arg3[%mul3A_262] : memref<320000xi32, #tpu.memory_space<hbm>> -> memref<40xi32, #tpu.memory_space<hbm>>
          tpu.enqueue_dma source(%dma_start3A_264 : memref<40xi32, #tpu.memory_space<hbm>>) target(%arg12 : memref<40xi32, #tpu.memory_space<vmem>>) target_semaphore(%arg36 : memref<!tpu.dma_semaphore, #tpu.memory_space<semaphore_mem>>)
          %dma_start3A_265 = tpu.memref_slice %arg4[%mul3A_262] : memref<320000xi32, #tpu.memory_space<hbm>> -> memref<40xi32, #tpu.memory_space<hbm>>
          %dma_start3A_266 = tpu.memref_slice %arg4[%mul3A_262] : memref<320000xi32, #tpu.memory_space<hbm>> -> memref<40xi32, #tpu.memory_space<hbm>>
          tpu.enqueue_dma source(%dma_start3A_266 : memref<40xi32, #tpu.memory_space<hbm>>) target(%arg20 : memref<40xi32, #tpu.memory_space<vmem>>) target_semaphore(%arg36 : memref<!tpu.dma_semaphore, #tpu.memory_space<semaphore_mem>>)
        } else {
        }
        %dma_start3A_248 = arith.constant 0 : i32
        %dma_start3A_249 = arith.constant 0 : i32
        %dma_start3A_250 = tpu.memref_slice %arg2[%dma_start3A_248, %dma_start3A_249] : memref<10000x128xf32, #tpu.memory_space<hbm>> -> memref<10000x128xf32, #tpu.memory_space<hbm>>
        tpu.enqueue_indirect_dma source(%dma_start3A_250 : memref<10000x128xf32, #tpu.memory_space<hbm>>) target(%arg26 : memref<40x128xf32, #tpu.memory_space<vmem>>) offsets(%arg10 : memref<40xi32, #tpu.memory_space<vmem>>) semaphore(%arg42 : memref<!tpu.dma_semaphore, #tpu.memory_space<semaphore_mem>>)
        %ge3A_251 = arith.constant 3 : i32
        %ge3A_252 = arith.cmpi sge, %scan3A_70, %ge3A_251 : i32
        %convert_element_type3A_253 = arith.extui %ge3A_252 : i1 to i32
        %cond3A_254 = arith.constant 0 : i32
        %cond3A_255 = arith.cmpi ne, %convert_element_type3A_253, %cond3A_254 : i32
        scf.if %cond3A_255 {
          %dma_wait3A_256 = arith.constant 0 : i32
          %dma_wait3A_257 = arith.constant 0 : i32
          %dma_wait3A_258 = tpu.memref_slice %arg2[%dma_wait3A_256, %dma_wait3A_257] : memref<10000x128xf32, #tpu.memory_space<hbm>> -> memref<10000x128xf32, #tpu.memory_space<hbm>>
          tpu.wait_indirect_dma semaphore(%arg39 : memref<!tpu.dma_semaphore, #tpu.memory_space<semaphore_mem>>) src(%dma_wait3A_258 : memref<10000x128xf32, #tpu.memory_space<hbm>>) dst(%arg23 : memref<40x128xf32, #tpu.memory_space<vmem>>)
          %dma_start3A_259 = arith.constant 0 : i32
          %dma_start3A_260 = arith.constant 0 : i32
          %dma_start3A_261 = tpu.memref_slice %arg54[%dma_start3A_259, %dma_start3A_260] : memref<10240x128xf32, #tpu.memory_space<vmem_shared>> -> memref<10240x128xf32, #tpu.memory_space<vmem_shared>>
          tpu.enqueue_indirect_dma source(%arg23 : memref<40x128xf32, #tpu.memory_space<vmem>>) target(%dma_start3A_261 : memref<10240x128xf32, #tpu.memory_space<vmem_shared>>) offsets(%arg15 : memref<40xi32, #tpu.memory_space<vmem>>) semaphore(%arg47 : memref<!tpu.dma_semaphore, #tpu.memory_space<semaphore_mem>>) {add = true}
        } else {
        }
      } else {
      }
      %jit3A_167 = arith.constant 8 : i32
      %eq3A_168 = arith.constant 0 : i32
      %eq3A_169 = arith.cmpi eq, %jit3A_167, %eq3A_168 : i32
      %jit3A_170 = arith.constant 1 : i32
      %select_n3A_171 = arith.select %eq3A_169, %jit3A_170, %jit3A_167 : i32
      %rem3A_172 = arith.remsi %scan3A_70, %select_n3A_171 : i32
      %ne3A_173 = arith.constant 0 : i32
      %ne3A_174 = arith.cmpi ne, %rem3A_172, %ne3A_173 : i32
      %lt3A_175 = arith.constant 0 : i32
      %lt3A_176 = arith.cmpi slt, %rem3A_172, %lt3A_175 : i32
      %lt3A_177 = arith.constant 0 : i32
      %lt3A_178 = arith.cmpi slt, %select_n3A_171, %lt3A_177 : i32
      %ne3A_179 = arith.xori %lt3A_176, %lt3A_178 : i1
      %and3A_180 = arith.andi %ne3A_179, %ne3A_174 : i1
      %add3A_181 = arith.addi %rem3A_172, %select_n3A_171 : i32
      %select_n3A_182 = arith.select %and3A_180, %add3A_181, %rem3A_172 : i32
      %eq3A_183 = arith.constant 5 : i32
      %eq3A_184 = arith.cmpi eq, %select_n3A_182, %eq3A_183 : i32
      %convert_element_type3A_185 = arith.extui %eq3A_184 : i1 to i32
      %cond3A_186 = arith.constant 0 : i32
      %cond3A_187 = arith.cmpi ne, %convert_element_type3A_185, %cond3A_186 : i32
      scf.if %cond3A_187 {
        %mul3A_230 = arith.constant 32 : i32
        %mul3A_231 = arith.muli %scan3A_70, %mul3A_230 : i32
        %add3A_232 = arith.addi %mul3A_231, %add3A : i32
        %mul3A_233 = arith.constant 40 : i32
        %mul3A_234 = arith.muli %add3A_232, %mul3A_233 : i32
        %dma_wait3A_235 = tpu.memref_slice %arg3[%mul3A_234] : memref<320000xi32, #tpu.memory_space<hbm>> -> memref<40xi32, #tpu.memory_space<hbm>>
        %dma_wait3A_236 = tpu.memref_slice %arg3[%mul3A_234] : memref<320000xi32, #tpu.memory_space<hbm>> -> memref<40xi32, #tpu.memory_space<hbm>>
        tpu.wait_dma2 semaphore(%arg35 : memref<!tpu.dma_semaphore, #tpu.memory_space<semaphore_mem>>) src(%dma_wait3A_236 : memref<40xi32, #tpu.memory_space<hbm>>) dst(%arg11 : memref<40xi32, #tpu.memory_space<vmem>>)
        %dma_wait3A_237 = tpu.memref_slice %arg4[%mul3A_234] : memref<320000xi32, #tpu.memory_space<hbm>> -> memref<40xi32, #tpu.memory_space<hbm>>
        %dma_wait3A_238 = tpu.memref_slice %arg4[%mul3A_234] : memref<320000xi32, #tpu.memory_space<hbm>> -> memref<40xi32, #tpu.memory_space<hbm>>
        tpu.wait_dma2 semaphore(%arg35 : memref<!tpu.dma_semaphore, #tpu.memory_space<semaphore_mem>>) src(%dma_wait3A_238 : memref<40xi32, #tpu.memory_space<hbm>>) dst(%arg19 : memref<40xi32, #tpu.memory_space<vmem>>)
        %ge3A = arith.constant 6 : i32
        %ge3A_239 = arith.cmpi sge, %scan3A_70, %ge3A : i32
        %convert_element_type3A_240 = arith.extui %ge3A_239 : i1 to i32
        %cond3A_241 = arith.constant 0 : i32
        %cond3A_242 = arith.cmpi ne, %convert_element_type3A_240, %cond3A_241 : i32
        scf.if %cond3A_242 {
          %dma_wait3A_256 = arith.constant 0 : i32
          %dma_wait3A_257 = arith.constant 0 : i32
          %dma_wait3A_258 = tpu.memref_slice %arg54[%dma_wait3A_256, %dma_wait3A_257] : memref<10240x128xf32, #tpu.memory_space<vmem_shared>> -> memref<10240x128xf32, #tpu.memory_space<vmem_shared>>
          tpu.wait_indirect_dma semaphore(%arg53 : memref<!tpu.dma_semaphore, #tpu.memory_space<semaphore_mem>>) src(%arg29 : memref<40x128xf32, #tpu.memory_space<vmem>>) dst(%dma_wait3A_258 : memref<10240x128xf32, #tpu.memory_space<vmem_shared>>)
        } else {
        }
        %lt3A_243 = arith.constant 248 : i32
        %lt3A_244 = arith.cmpi slt, %scan3A_70, %lt3A_243 : i32
        %convert_element_type3A_245 = arith.extui %lt3A_244 : i1 to i32
        %cond3A_246 = arith.constant 0 : i32
        %cond3A_247 = arith.cmpi ne, %convert_element_type3A_245, %cond3A_246 : i32
        scf.if %cond3A_247 {
          %add3A_256 = arith.constant 2 : i32
          %add3A_257 = arith.addi %scan3A_70, %add3A_256 : i32
          %mul3A_258 = arith.constant 32 : i32
          %mul3A_259 = arith.muli %add3A_257, %mul3A_258 : i32
          %add3A_260 = arith.addi %mul3A_259, %add3A : i32
          %mul3A_261 = arith.constant 40 : i32
          %mul3A_262 = arith.muli %add3A_260, %mul3A_261 : i32
          %dma_start3A_263 = tpu.memref_slice %arg3[%mul3A_262] : memref<320000xi32, #tpu.memory_space<hbm>> -> memref<40xi32, #tpu.memory_space<hbm>>
          %dma_start3A_264 = tpu.memref_slice %arg3[%mul3A_262] : memref<320000xi32, #tpu.memory_space<hbm>> -> memref<40xi32, #tpu.memory_space<hbm>>
          tpu.enqueue_dma source(%dma_start3A_264 : memref<40xi32, #tpu.memory_space<hbm>>) target(%arg13 : memref<40xi32, #tpu.memory_space<vmem>>) target_semaphore(%arg37 : memref<!tpu.dma_semaphore, #tpu.memory_space<semaphore_mem>>)
          %dma_start3A_265 = tpu.memref_slice %arg4[%mul3A_262] : memref<320000xi32, #tpu.memory_space<hbm>> -> memref<40xi32, #tpu.memory_space<hbm>>
          %dma_start3A_266 = tpu.memref_slice %arg4[%mul3A_262] : memref<320000xi32, #tpu.memory_space<hbm>> -> memref<40xi32, #tpu.memory_space<hbm>>
          tpu.enqueue_dma source(%dma_start3A_266 : memref<40xi32, #tpu.memory_space<hbm>>) target(%arg21 : memref<40xi32, #tpu.memory_space<vmem>>) target_semaphore(%arg37 : memref<!tpu.dma_semaphore, #tpu.memory_space<semaphore_mem>>)
        } else {
        }
        %dma_start3A_248 = arith.constant 0 : i32
        %dma_start3A_249 = arith.constant 0 : i32
        %dma_start3A_250 = tpu.memref_slice %arg2[%dma_start3A_248, %dma_start3A_249] : memref<10000x128xf32, #tpu.memory_space<hbm>> -> memref<10000x128xf32, #tpu.memory_space<hbm>>
        tpu.enqueue_indirect_dma source(%dma_start3A_250 : memref<10000x128xf32, #tpu.memory_space<hbm>>) target(%arg27 : memref<40x128xf32, #tpu.memory_space<vmem>>) offsets(%arg11 : memref<40xi32, #tpu.memory_space<vmem>>) semaphore(%arg43 : memref<!tpu.dma_semaphore, #tpu.memory_space<semaphore_mem>>)
        %ge3A_251 = arith.constant 3 : i32
        %ge3A_252 = arith.cmpi sge, %scan3A_70, %ge3A_251 : i32
        %convert_element_type3A_253 = arith.extui %ge3A_252 : i1 to i32
        %cond3A_254 = arith.constant 0 : i32
        %cond3A_255 = arith.cmpi ne, %convert_element_type3A_253, %cond3A_254 : i32
        scf.if %cond3A_255 {
          %dma_wait3A_256 = arith.constant 0 : i32
          %dma_wait3A_257 = arith.constant 0 : i32
          %dma_wait3A_258 = tpu.memref_slice %arg2[%dma_wait3A_256, %dma_wait3A_257] : memref<10000x128xf32, #tpu.memory_space<hbm>> -> memref<10000x128xf32, #tpu.memory_space<hbm>>
          tpu.wait_indirect_dma semaphore(%arg40 : memref<!tpu.dma_semaphore, #tpu.memory_space<semaphore_mem>>) src(%dma_wait3A_258 : memref<10000x128xf32, #tpu.memory_space<hbm>>) dst(%arg24 : memref<40x128xf32, #tpu.memory_space<vmem>>)
          %dma_start3A_259 = arith.constant 0 : i32
          %dma_start3A_260 = arith.constant 0 : i32
          %dma_start3A_261 = tpu.memref_slice %arg54[%dma_start3A_259, %dma_start3A_260] : memref<10240x128xf32, #tpu.memory_space<vmem_shared>> -> memref<10240x128xf32, #tpu.memory_space<vmem_shared>>
          tpu.enqueue_indirect_dma source(%arg24 : memref<40x128xf32, #tpu.memory_space<vmem>>) target(%dma_start3A_261 : memref<10240x128xf32, #tpu.memory_space<vmem_shared>>) offsets(%arg16 : memref<40xi32, #tpu.memory_space<vmem>>) semaphore(%arg48 : memref<!tpu.dma_semaphore, #tpu.memory_space<semaphore_mem>>) {add = true}
        } else {
        }
      } else {
      }
      %jit3A_188 = arith.constant 8 : i32
      %eq3A_189 = arith.constant 0 : i32
      %eq3A_190 = arith.cmpi eq, %jit3A_188, %eq3A_189 : i32
      %jit3A_191 = arith.constant 1 : i32
      %select_n3A_192 = arith.select %eq3A_190, %jit3A_191, %jit3A_188 : i32
      %rem3A_193 = arith.remsi %scan3A_70, %select_n3A_192 : i32
      %ne3A_194 = arith.constant 0 : i32
      %ne3A_195 = arith.cmpi ne, %rem3A_193, %ne3A_194 : i32
      %lt3A_196 = arith.constant 0 : i32
      %lt3A_197 = arith.cmpi slt, %rem3A_193, %lt3A_196 : i32
      %lt3A_198 = arith.constant 0 : i32
      %lt3A_199 = arith.cmpi slt, %select_n3A_192, %lt3A_198 : i32
      %ne3A_200 = arith.xori %lt3A_197, %lt3A_199 : i1
      %and3A_201 = arith.andi %ne3A_200, %ne3A_195 : i1
      %add3A_202 = arith.addi %rem3A_193, %select_n3A_192 : i32
      %select_n3A_203 = arith.select %and3A_201, %add3A_202, %rem3A_193 : i32
      %eq3A_204 = arith.constant 6 : i32
      %eq3A_205 = arith.cmpi eq, %select_n3A_203, %eq3A_204 : i32
      %convert_element_type3A_206 = arith.extui %eq3A_205 : i1 to i32
      %cond3A_207 = arith.constant 0 : i32
      %cond3A_208 = arith.cmpi ne, %convert_element_type3A_206, %cond3A_207 : i32
      scf.if %cond3A_208 {
        %mul3A_230 = arith.constant 32 : i32
        %mul3A_231 = arith.muli %scan3A_70, %mul3A_230 : i32
        %add3A_232 = arith.addi %mul3A_231, %add3A : i32
        %mul3A_233 = arith.constant 40 : i32
        %mul3A_234 = arith.muli %add3A_232, %mul3A_233 : i32
        %dma_wait3A_235 = tpu.memref_slice %arg3[%mul3A_234] : memref<320000xi32, #tpu.memory_space<hbm>> -> memref<40xi32, #tpu.memory_space<hbm>>
        %dma_wait3A_236 = tpu.memref_slice %arg3[%mul3A_234] : memref<320000xi32, #tpu.memory_space<hbm>> -> memref<40xi32, #tpu.memory_space<hbm>>
        tpu.wait_dma2 semaphore(%arg36 : memref<!tpu.dma_semaphore, #tpu.memory_space<semaphore_mem>>) src(%dma_wait3A_236 : memref<40xi32, #tpu.memory_space<hbm>>) dst(%arg12 : memref<40xi32, #tpu.memory_space<vmem>>)
        %dma_wait3A_237 = tpu.memref_slice %arg4[%mul3A_234] : memref<320000xi32, #tpu.memory_space<hbm>> -> memref<40xi32, #tpu.memory_space<hbm>>
        %dma_wait3A_238 = tpu.memref_slice %arg4[%mul3A_234] : memref<320000xi32, #tpu.memory_space<hbm>> -> memref<40xi32, #tpu.memory_space<hbm>>
        tpu.wait_dma2 semaphore(%arg36 : memref<!tpu.dma_semaphore, #tpu.memory_space<semaphore_mem>>) src(%dma_wait3A_238 : memref<40xi32, #tpu.memory_space<hbm>>) dst(%arg20 : memref<40xi32, #tpu.memory_space<vmem>>)
        %ge3A = arith.constant 6 : i32
        %ge3A_239 = arith.cmpi sge, %scan3A_70, %ge3A : i32
        %convert_element_type3A_240 = arith.extui %ge3A_239 : i1 to i32
        %cond3A_241 = arith.constant 0 : i32
        %cond3A_242 = arith.cmpi ne, %convert_element_type3A_240, %cond3A_241 : i32
        scf.if %cond3A_242 {
          %dma_wait3A_256 = arith.constant 0 : i32
          %dma_wait3A_257 = arith.constant 0 : i32
          %dma_wait3A_258 = tpu.memref_slice %arg54[%dma_wait3A_256, %dma_wait3A_257] : memref<10240x128xf32, #tpu.memory_space<vmem_shared>> -> memref<10240x128xf32, #tpu.memory_space<vmem_shared>>
          tpu.wait_indirect_dma semaphore(%arg46 : memref<!tpu.dma_semaphore, #tpu.memory_space<semaphore_mem>>) src(%arg22 : memref<40x128xf32, #tpu.memory_space<vmem>>) dst(%dma_wait3A_258 : memref<10240x128xf32, #tpu.memory_space<vmem_shared>>)
        } else {
        }
        %lt3A_243 = arith.constant 248 : i32
        %lt3A_244 = arith.cmpi slt, %scan3A_70, %lt3A_243 : i32
        %convert_element_type3A_245 = arith.extui %lt3A_244 : i1 to i32
        %cond3A_246 = arith.constant 0 : i32
        %cond3A_247 = arith.cmpi ne, %convert_element_type3A_245, %cond3A_246 : i32
        scf.if %cond3A_247 {
          %add3A_256 = arith.constant 2 : i32
          %add3A_257 = arith.addi %scan3A_70, %add3A_256 : i32
          %mul3A_258 = arith.constant 32 : i32
          %mul3A_259 = arith.muli %add3A_257, %mul3A_258 : i32
          %add3A_260 = arith.addi %mul3A_259, %add3A : i32
          %mul3A_261 = arith.constant 40 : i32
          %mul3A_262 = arith.muli %add3A_260, %mul3A_261 : i32
          %dma_start3A_263 = tpu.memref_slice %arg3[%mul3A_262] : memref<320000xi32, #tpu.memory_space<hbm>> -> memref<40xi32, #tpu.memory_space<hbm>>
          %dma_start3A_264 = tpu.memref_slice %arg3[%mul3A_262] : memref<320000xi32, #tpu.memory_space<hbm>> -> memref<40xi32, #tpu.memory_space<hbm>>
          tpu.enqueue_dma source(%dma_start3A_264 : memref<40xi32, #tpu.memory_space<hbm>>) target(%arg6 : memref<40xi32, #tpu.memory_space<vmem>>) target_semaphore(%arg30 : memref<!tpu.dma_semaphore, #tpu.memory_space<semaphore_mem>>)
          %dma_start3A_265 = tpu.memref_slice %arg4[%mul3A_262] : memref<320000xi32, #tpu.memory_space<hbm>> -> memref<40xi32, #tpu.memory_space<hbm>>
          %dma_start3A_266 = tpu.memref_slice %arg4[%mul3A_262] : memref<320000xi32, #tpu.memory_space<hbm>> -> memref<40xi32, #tpu.memory_space<hbm>>
          tpu.enqueue_dma source(%dma_start3A_266 : memref<40xi32, #tpu.memory_space<hbm>>) target(%arg14 : memref<40xi32, #tpu.memory_space<vmem>>) target_semaphore(%arg30 : memref<!tpu.dma_semaphore, #tpu.memory_space<semaphore_mem>>)
        } else {
        }
        %dma_start3A_248 = arith.constant 0 : i32
        %dma_start3A_249 = arith.constant 0 : i32
        %dma_start3A_250 = tpu.memref_slice %arg2[%dma_start3A_248, %dma_start3A_249] : memref<10000x128xf32, #tpu.memory_space<hbm>> -> memref<10000x128xf32, #tpu.memory_space<hbm>>
        tpu.enqueue_indirect_dma source(%dma_start3A_250 : memref<10000x128xf32, #tpu.memory_space<hbm>>) target(%arg28 : memref<40x128xf32, #tpu.memory_space<vmem>>) offsets(%arg12 : memref<40xi32, #tpu.memory_space<vmem>>) semaphore(%arg44 : memref<!tpu.dma_semaphore, #tpu.memory_space<semaphore_mem>>)
        %ge3A_251 = arith.constant 3 : i32
        %ge3A_252 = arith.cmpi sge, %scan3A_70, %ge3A_251 : i32
        %convert_element_type3A_253 = arith.extui %ge3A_252 : i1 to i32
        %cond3A_254 = arith.constant 0 : i32
        %cond3A_255 = arith.cmpi ne, %convert_element_type3A_253, %cond3A_254 : i32
        scf.if %cond3A_255 {
          %dma_wait3A_256 = arith.constant 0 : i32
          %dma_wait3A_257 = arith.constant 0 : i32
          %dma_wait3A_258 = tpu.memref_slice %arg2[%dma_wait3A_256, %dma_wait3A_257] : memref<10000x128xf32, #tpu.memory_space<hbm>> -> memref<10000x128xf32, #tpu.memory_space<hbm>>
          tpu.wait_indirect_dma semaphore(%arg41 : memref<!tpu.dma_semaphore, #tpu.memory_space<semaphore_mem>>) src(%dma_wait3A_258 : memref<10000x128xf32, #tpu.memory_space<hbm>>) dst(%arg25 : memref<40x128xf32, #tpu.memory_space<vmem>>)
          %dma_start3A_259 = arith.constant 0 : i32
          %dma_start3A_260 = arith.constant 0 : i32
          %dma_start3A_261 = tpu.memref_slice %arg54[%dma_start3A_259, %dma_start3A_260] : memref<10240x128xf32, #tpu.memory_space<vmem_shared>> -> memref<10240x128xf32, #tpu.memory_space<vmem_shared>>
          tpu.enqueue_indirect_dma source(%arg25 : memref<40x128xf32, #tpu.memory_space<vmem>>) target(%dma_start3A_261 : memref<10240x128xf32, #tpu.memory_space<vmem_shared>>) offsets(%arg17 : memref<40xi32, #tpu.memory_space<vmem>>) semaphore(%arg49 : memref<!tpu.dma_semaphore, #tpu.memory_space<semaphore_mem>>) {add = true}
        } else {
        }
      } else {
      }
      %jit3A_209 = arith.constant 8 : i32
      %eq3A_210 = arith.constant 0 : i32
      %eq3A_211 = arith.cmpi eq, %jit3A_209, %eq3A_210 : i32
      %jit3A_212 = arith.constant 1 : i32
      %select_n3A_213 = arith.select %eq3A_211, %jit3A_212, %jit3A_209 : i32
      %rem3A_214 = arith.remsi %scan3A_70, %select_n3A_213 : i32
      %ne3A_215 = arith.constant 0 : i32
      %ne3A_216 = arith.cmpi ne, %rem3A_214, %ne3A_215 : i32
      %lt3A_217 = arith.constant 0 : i32
      %lt3A_218 = arith.cmpi slt, %rem3A_214, %lt3A_217 : i32
      %lt3A_219 = arith.constant 0 : i32
      %lt3A_220 = arith.cmpi slt, %select_n3A_213, %lt3A_219 : i32
      %ne3A_221 = arith.xori %lt3A_218, %lt3A_220 : i1
      %and3A_222 = arith.andi %ne3A_221, %ne3A_216 : i1
      %add3A_223 = arith.addi %rem3A_214, %select_n3A_213 : i32
      %select_n3A_224 = arith.select %and3A_222, %add3A_223, %rem3A_214 : i32
      %eq3A_225 = arith.constant 7 : i32
      %eq3A_226 = arith.cmpi eq, %select_n3A_224, %eq3A_225 : i32
      %convert_element_type3A_227 = arith.extui %eq3A_226 : i1 to i32
      %cond3A_228 = arith.constant 0 : i32
      %cond3A_229 = arith.cmpi ne, %convert_element_type3A_227, %cond3A_228 : i32
      scf.if %cond3A_229 {
        %mul3A_230 = arith.constant 32 : i32
        %mul3A_231 = arith.muli %scan3A_70, %mul3A_230 : i32
        %add3A_232 = arith.addi %mul3A_231, %add3A : i32
        %mul3A_233 = arith.constant 40 : i32
        %mul3A_234 = arith.muli %add3A_232, %mul3A_233 : i32
        %dma_wait3A_235 = tpu.memref_slice %arg3[%mul3A_234] : memref<320000xi32, #tpu.memory_space<hbm>> -> memref<40xi32, #tpu.memory_space<hbm>>
        %dma_wait3A_236 = tpu.memref_slice %arg3[%mul3A_234] : memref<320000xi32, #tpu.memory_space<hbm>> -> memref<40xi32, #tpu.memory_space<hbm>>
        tpu.wait_dma2 semaphore(%arg37 : memref<!tpu.dma_semaphore, #tpu.memory_space<semaphore_mem>>) src(%dma_wait3A_236 : memref<40xi32, #tpu.memory_space<hbm>>) dst(%arg13 : memref<40xi32, #tpu.memory_space<vmem>>)
        %dma_wait3A_237 = tpu.memref_slice %arg4[%mul3A_234] : memref<320000xi32, #tpu.memory_space<hbm>> -> memref<40xi32, #tpu.memory_space<hbm>>
        %dma_wait3A_238 = tpu.memref_slice %arg4[%mul3A_234] : memref<320000xi32, #tpu.memory_space<hbm>> -> memref<40xi32, #tpu.memory_space<hbm>>
        tpu.wait_dma2 semaphore(%arg37 : memref<!tpu.dma_semaphore, #tpu.memory_space<semaphore_mem>>) src(%dma_wait3A_238 : memref<40xi32, #tpu.memory_space<hbm>>) dst(%arg21 : memref<40xi32, #tpu.memory_space<vmem>>)
        %ge3A = arith.constant 6 : i32
        %ge3A_239 = arith.cmpi sge, %scan3A_70, %ge3A : i32
        %convert_element_type3A_240 = arith.extui %ge3A_239 : i1 to i32
        %cond3A_241 = arith.constant 0 : i32
        %cond3A_242 = arith.cmpi ne, %convert_element_type3A_240, %cond3A_241 : i32
        scf.if %cond3A_242 {
          %dma_wait3A_256 = arith.constant 0 : i32
          %dma_wait3A_257 = arith.constant 0 : i32
          %dma_wait3A_258 = tpu.memref_slice %arg54[%dma_wait3A_256, %dma_wait3A_257] : memref<10240x128xf32, #tpu.memory_space<vmem_shared>> -> memref<10240x128xf32, #tpu.memory_space<vmem_shared>>
          tpu.wait_indirect_dma semaphore(%arg47 : memref<!tpu.dma_semaphore, #tpu.memory_space<semaphore_mem>>) src(%arg23 : memref<40x128xf32, #tpu.memory_space<vmem>>) dst(%dma_wait3A_258 : memref<10240x128xf32, #tpu.memory_space<vmem_shared>>)
        } else {
        }
        %lt3A_243 = arith.constant 248 : i32
        %lt3A_244 = arith.cmpi slt, %scan3A_70, %lt3A_243 : i32
        %convert_element_type3A_245 = arith.extui %lt3A_244 : i1 to i32
        %cond3A_246 = arith.constant 0 : i32
        %cond3A_247 = arith.cmpi ne, %convert_element_type3A_245, %cond3A_246 : i32
        scf.if %cond3A_247 {
          %add3A_256 = arith.constant 2 : i32
          %add3A_257 = arith.addi %scan3A_70, %add3A_256 : i32
          %mul3A_258 = arith.constant 32 : i32
          %mul3A_259 = arith.muli %add3A_257, %mul3A_258 : i32
          %add3A_260 = arith.addi %mul3A_259, %add3A : i32
          %mul3A_261 = arith.constant 40 : i32
          %mul3A_262 = arith.muli %add3A_260, %mul3A_261 : i32
          %dma_start3A_263 = tpu.memref_slice %arg3[%mul3A_262] : memref<320000xi32, #tpu.memory_space<hbm>> -> memref<40xi32, #tpu.memory_space<hbm>>
          %dma_start3A_264 = tpu.memref_slice %arg3[%mul3A_262] : memref<320000xi32, #tpu.memory_space<hbm>> -> memref<40xi32, #tpu.memory_space<hbm>>
          tpu.enqueue_dma source(%dma_start3A_264 : memref<40xi32, #tpu.memory_space<hbm>>) target(%arg7 : memref<40xi32, #tpu.memory_space<vmem>>) target_semaphore(%arg31 : memref<!tpu.dma_semaphore, #tpu.memory_space<semaphore_mem>>)
          %dma_start3A_265 = tpu.memref_slice %arg4[%mul3A_262] : memref<320000xi32, #tpu.memory_space<hbm>> -> memref<40xi32, #tpu.memory_space<hbm>>
          %dma_start3A_266 = tpu.memref_slice %arg4[%mul3A_262] : memref<320000xi32, #tpu.memory_space<hbm>> -> memref<40xi32, #tpu.memory_space<hbm>>
          tpu.enqueue_dma source(%dma_start3A_266 : memref<40xi32, #tpu.memory_space<hbm>>) target(%arg15 : memref<40xi32, #tpu.memory_space<vmem>>) target_semaphore(%arg31 : memref<!tpu.dma_semaphore, #tpu.memory_space<semaphore_mem>>)
        } else {
        }
        %dma_start3A_248 = arith.constant 0 : i32
        %dma_start3A_249 = arith.constant 0 : i32
        %dma_start3A_250 = tpu.memref_slice %arg2[%dma_start3A_248, %dma_start3A_249] : memref<10000x128xf32, #tpu.memory_space<hbm>> -> memref<10000x128xf32, #tpu.memory_space<hbm>>
        tpu.enqueue_indirect_dma source(%dma_start3A_250 : memref<10000x128xf32, #tpu.memory_space<hbm>>) target(%arg29 : memref<40x128xf32, #tpu.memory_space<vmem>>) offsets(%arg13 : memref<40xi32, #tpu.memory_space<vmem>>) semaphore(%arg45 : memref<!tpu.dma_semaphore, #tpu.memory_space<semaphore_mem>>)
        %ge3A_251 = arith.constant 3 : i32
        %ge3A_252 = arith.cmpi sge, %scan3A_70, %ge3A_251 : i32
        %convert_element_type3A_253 = arith.extui %ge3A_252 : i1 to i32
        %cond3A_254 = arith.constant 0 : i32
        %cond3A_255 = arith.cmpi ne, %convert_element_type3A_253, %cond3A_254 : i32
        scf.if %cond3A_255 {
          %dma_wait3A_256 = arith.constant 0 : i32
          %dma_wait3A_257 = arith.constant 0 : i32
          %dma_wait3A_258 = tpu.memref_slice %arg2[%dma_wait3A_256, %dma_wait3A_257] : memref<10000x128xf32, #tpu.memory_space<hbm>> -> memref<10000x128xf32, #tpu.memory_space<hbm>>
          tpu.wait_indirect_dma semaphore(%arg42 : memref<!tpu.dma_semaphore, #tpu.memory_space<semaphore_mem>>) src(%dma_wait3A_258 : memref<10000x128xf32, #tpu.memory_space<hbm>>) dst(%arg26 : memref<40x128xf32, #tpu.memory_space<vmem>>)
          %dma_start3A_259 = arith.constant 0 : i32
          %dma_start3A_260 = arith.constant 0 : i32
          %dma_start3A_261 = tpu.memref_slice %arg54[%dma_start3A_259, %dma_start3A_260] : memref<10240x128xf32, #tpu.memory_space<vmem_shared>> -> memref<10240x128xf32, #tpu.memory_space<vmem_shared>>
          tpu.enqueue_indirect_dma source(%arg26 : memref<40x128xf32, #tpu.memory_space<vmem>>) target(%dma_start3A_261 : memref<10240x128xf32, #tpu.memory_space<vmem_shared>>) offsets(%arg18 : memref<40xi32, #tpu.memory_space<vmem>>) semaphore(%arg50 : memref<!tpu.dma_semaphore, #tpu.memory_space<semaphore_mem>>) {add = true}
        } else {
        }
      } else {
      }
    }
    %scan3A_29 = arith.constant 250 : i32
    %dma_wait3A = arith.constant 0 : i32
    %dma_wait3A_30 = arith.constant 0 : i32
    %dma_wait3A_31 = tpu.memref_slice %arg2[%dma_wait3A, %dma_wait3A_30] : memref<10000x128xf32, #tpu.memory_space<hbm>> -> memref<10000x128xf32, #tpu.memory_space<hbm>>
    tpu.wait_indirect_dma semaphore(%arg45 : memref<!tpu.dma_semaphore, #tpu.memory_space<semaphore_mem>>) src(%dma_wait3A_31 : memref<10000x128xf32, #tpu.memory_space<hbm>>) dst(%arg29 : memref<40x128xf32, #tpu.memory_space<vmem>>)
    %dma_start3A_32 = arith.constant 0 : i32
    %dma_start3A_33 = arith.constant 0 : i32
    %dma_start3A_34 = tpu.memref_slice %arg54[%dma_start3A_32, %dma_start3A_33] : memref<10240x128xf32, #tpu.memory_space<vmem_shared>> -> memref<10240x128xf32, #tpu.memory_space<vmem_shared>>
    tpu.enqueue_indirect_dma source(%arg29 : memref<40x128xf32, #tpu.memory_space<vmem>>) target(%dma_start3A_34 : memref<10240x128xf32, #tpu.memory_space<vmem_shared>>) offsets(%arg21 : memref<40xi32, #tpu.memory_space<vmem>>) semaphore(%arg53 : memref<!tpu.dma_semaphore, #tpu.memory_space<semaphore_mem>>) {add = true}
    %dma_wait3A_35 = arith.constant 0 : i32
    %dma_wait3A_36 = arith.constant 0 : i32
    %dma_wait3A_37 = tpu.memref_slice %arg2[%dma_wait3A_35, %dma_wait3A_36] : memref<10000x128xf32, #tpu.memory_space<hbm>> -> memref<10000x128xf32, #tpu.memory_space<hbm>>
    tpu.wait_indirect_dma semaphore(%arg38 : memref<!tpu.dma_semaphore, #tpu.memory_space<semaphore_mem>>) src(%dma_wait3A_37 : memref<10000x128xf32, #tpu.memory_space<hbm>>) dst(%arg22 : memref<40x128xf32, #tpu.memory_space<vmem>>)
    %dma_start3A_38 = arith.constant 0 : i32
    %dma_start3A_39 = arith.constant 0 : i32
    %dma_start3A_40 = tpu.memref_slice %arg54[%dma_start3A_38, %dma_start3A_39] : memref<10240x128xf32, #tpu.memory_space<vmem_shared>> -> memref<10240x128xf32, #tpu.memory_space<vmem_shared>>
    tpu.enqueue_indirect_dma source(%arg22 : memref<40x128xf32, #tpu.memory_space<vmem>>) target(%dma_start3A_40 : memref<10240x128xf32, #tpu.memory_space<vmem_shared>>) offsets(%arg14 : memref<40xi32, #tpu.memory_space<vmem>>) semaphore(%arg46 : memref<!tpu.dma_semaphore, #tpu.memory_space<semaphore_mem>>) {add = true}
    %dma_wait3A_41 = arith.constant 0 : i32
    %dma_wait3A_42 = arith.constant 0 : i32
    %dma_wait3A_43 = tpu.memref_slice %arg2[%dma_wait3A_41, %dma_wait3A_42] : memref<10000x128xf32, #tpu.memory_space<hbm>> -> memref<10000x128xf32, #tpu.memory_space<hbm>>
    tpu.wait_indirect_dma semaphore(%arg39 : memref<!tpu.dma_semaphore, #tpu.memory_space<semaphore_mem>>) src(%dma_wait3A_43 : memref<10000x128xf32, #tpu.memory_space<hbm>>) dst(%arg23 : memref<40x128xf32, #tpu.memory_space<vmem>>)
    %dma_start3A_44 = arith.constant 0 : i32
    %dma_start3A_45 = arith.constant 0 : i32
    %dma_start3A_46 = tpu.memref_slice %arg54[%dma_start3A_44, %dma_start3A_45] : memref<10240x128xf32, #tpu.memory_space<vmem_shared>> -> memref<10240x128xf32, #tpu.memory_space<vmem_shared>>
    tpu.enqueue_indirect_dma source(%arg23 : memref<40x128xf32, #tpu.memory_space<vmem>>) target(%dma_start3A_46 : memref<10240x128xf32, #tpu.memory_space<vmem_shared>>) offsets(%arg15 : memref<40xi32, #tpu.memory_space<vmem>>) semaphore(%arg47 : memref<!tpu.dma_semaphore, #tpu.memory_space<semaphore_mem>>) {add = true}
    %dma_wait3A_47 = arith.constant 0 : i32
    %dma_wait3A_48 = arith.constant 0 : i32
    %dma_wait3A_49 = tpu.memref_slice %arg54[%dma_wait3A_47, %dma_wait3A_48] : memref<10240x128xf32, #tpu.memory_space<vmem_shared>> -> memref<10240x128xf32, #tpu.memory_space<vmem_shared>>
    tpu.wait_indirect_dma semaphore(%arg50 : memref<!tpu.dma_semaphore, #tpu.memory_space<semaphore_mem>>) src(%arg26 : memref<40x128xf32, #tpu.memory_space<vmem>>) dst(%dma_wait3A_49 : memref<10240x128xf32, #tpu.memory_space<vmem_shared>>)
    %dma_wait3A_50 = arith.constant 0 : i32
    %dma_wait3A_51 = arith.constant 0 : i32
    %dma_wait3A_52 = tpu.memref_slice %arg54[%dma_wait3A_50, %dma_wait3A_51] : memref<10240x128xf32, #tpu.memory_space<vmem_shared>> -> memref<10240x128xf32, #tpu.memory_space<vmem_shared>>
    tpu.wait_indirect_dma semaphore(%arg51 : memref<!tpu.dma_semaphore, #tpu.memory_space<semaphore_mem>>) src(%arg27 : memref<40x128xf32, #tpu.memory_space<vmem>>) dst(%dma_wait3A_52 : memref<10240x128xf32, #tpu.memory_space<vmem_shared>>)
    %dma_wait3A_53 = arith.constant 0 : i32
    %dma_wait3A_54 = arith.constant 0 : i32
    %dma_wait3A_55 = tpu.memref_slice %arg54[%dma_wait3A_53, %dma_wait3A_54] : memref<10240x128xf32, #tpu.memory_space<vmem_shared>> -> memref<10240x128xf32, #tpu.memory_space<vmem_shared>>
    tpu.wait_indirect_dma semaphore(%arg52 : memref<!tpu.dma_semaphore, #tpu.memory_space<semaphore_mem>>) src(%arg28 : memref<40x128xf32, #tpu.memory_space<vmem>>) dst(%dma_wait3A_55 : memref<10240x128xf32, #tpu.memory_space<vmem_shared>>)
    %dma_wait3A_56 = arith.constant 0 : i32
    %dma_wait3A_57 = arith.constant 0 : i32
    %dma_wait3A_58 = tpu.memref_slice %arg54[%dma_wait3A_56, %dma_wait3A_57] : memref<10240x128xf32, #tpu.memory_space<vmem_shared>> -> memref<10240x128xf32, #tpu.memory_space<vmem_shared>>
    tpu.wait_indirect_dma semaphore(%arg53 : memref<!tpu.dma_semaphore, #tpu.memory_space<semaphore_mem>>) src(%arg29 : memref<40x128xf32, #tpu.memory_space<vmem>>) dst(%dma_wait3A_58 : memref<10240x128xf32, #tpu.memory_space<vmem_shared>>)
    %dma_wait3A_59 = arith.constant 0 : i32
    %dma_wait3A_60 = arith.constant 0 : i32
    %dma_wait3A_61 = tpu.memref_slice %arg54[%dma_wait3A_59, %dma_wait3A_60] : memref<10240x128xf32, #tpu.memory_space<vmem_shared>> -> memref<10240x128xf32, #tpu.memory_space<vmem_shared>>
    tpu.wait_indirect_dma semaphore(%arg46 : memref<!tpu.dma_semaphore, #tpu.memory_space<semaphore_mem>>) src(%arg22 : memref<40x128xf32, #tpu.memory_space<vmem>>) dst(%dma_wait3A_61 : memref<10240x128xf32, #tpu.memory_space<vmem_shared>>)
    %dma_wait3A_62 = arith.constant 0 : i32
    %dma_wait3A_63 = arith.constant 0 : i32
    %dma_wait3A_64 = tpu.memref_slice %arg54[%dma_wait3A_62, %dma_wait3A_63] : memref<10240x128xf32, #tpu.memory_space<vmem_shared>> -> memref<10240x128xf32, #tpu.memory_space<vmem_shared>>
    tpu.wait_indirect_dma semaphore(%arg47 : memref<!tpu.dma_semaphore, #tpu.memory_space<semaphore_mem>>) src(%arg23 : memref<40x128xf32, #tpu.memory_space<vmem>>) dst(%dma_wait3A_64 : memref<10240x128xf32, #tpu.memory_space<vmem_shared>>)
    %barrier3A_65 = arith.constant 0 : index
    tpu.barrier barrier_id(%barrier3A_65)
    %mul3A_66 = arith.constant 640 : i32
    %mul3A_67 = arith.muli %arg1, %mul3A_66 : i32
    %mul3A_68 = arith.constant 640 : i32
    %mul3A_69 = arith.muli %arg1, %mul3A_68 : i32
    "tpu.region"() ({
      %run_scoped3A = tpu.sem_alloc : memref<!tpu.dma_semaphore, #tpu.memory_space<semaphore_mem>>
      %dma_start3A_70 = arith.constant 0 : i32
      %dma_start3A_71 = tpu.memref_slice %arg5[%arg0, %mul3A_69, %dma_start3A_70] : memref<2x10240x128xf32, #tpu.memory_space<hbm>> -> memref<1x640x128xf32, #tpu.memory_space<hbm>>
      %dma_start3A_72 = tpu.memref_squeeze %dma_start3A_71 : memref<1x640x128xf32, #tpu.memory_space<hbm>> -> memref<640x128xf32, #tpu.memory_space<hbm>>
      %dma_start3A_73 = arith.constant 0 : i32
      %dma_start3A_74 = tpu.memref_slice %arg54[%mul3A_67, %dma_start3A_73] : memref<10240x128xf32, #tpu.memory_space<vmem_shared>> -> memref<640x128xf32, #tpu.memory_space<vmem_shared>>
      tpu.enqueue_dma source(%dma_start3A_74 : memref<640x128xf32, #tpu.memory_space<vmem_shared>>) target(%dma_start3A_72 : memref<640x128xf32, #tpu.memory_space<hbm>>) target_semaphore(%run_scoped3A : memref<!tpu.dma_semaphore, #tpu.memory_space<semaphore_mem>>)
      %dma_wait3A_75 = arith.constant 0 : i32
      %dma_wait3A_76 = tpu.memref_slice %arg5[%arg0, %mul3A_69, %dma_wait3A_75] : memref<2x10240x128xf32, #tpu.memory_space<hbm>> -> memref<1x640x128xf32, #tpu.memory_space<hbm>>
      %dma_wait3A_77 = tpu.memref_squeeze %dma_wait3A_76 : memref<1x640x128xf32, #tpu.memory_space<hbm>> -> memref<640x128xf32, #tpu.memory_space<hbm>>
      %dma_wait3A_78 = arith.constant 0 : i32
      %dma_wait3A_79 = tpu.memref_slice %arg54[%mul3A_67, %dma_wait3A_78] : memref<10240x128xf32, #tpu.memory_space<vmem_shared>> -> memref<640x128xf32, #tpu.memory_space<vmem_shared>>
      tpu.wait_dma2 semaphore(%run_scoped3A : memref<!tpu.dma_semaphore, #tpu.memory_space<semaphore_mem>>) src(%dma_wait3A_79 : memref<640x128xf32, #tpu.memory_space<vmem_shared>>) dst(%dma_wait3A_77 : memref<640x128xf32, #tpu.memory_space<hbm>>)
      tpu.yield
    }) : () -> ()
    return
  }
}

module attributes {stable_mosaic.version = 14 : i64} {
  func.func @_mm_body(%arg0: i32, %arg1: memref<2x1000x128xf32, #tpu.memory_space<vmem>>, %arg2: memref<128x128xf32, #tpu.memory_space<vmem>>, %arg3: memref<1000x128xf32, #tpu.memory_space<vmem>>) attributes {dimension_semantics = [#tpu.dimension_semantics<arbitrary>], iteration_bounds = array<i64: 10>, scalar_prefetch = 0 : i64, scratch_operands = 0 : i64, tpu.core_type = #tpu.core_type<tc>, window_params = [{transform_indices = @transform_0, window_bounds = array<i64: 2, 1000, 128>}, {pipeline_mode = #tpu.pipeline_mode<synchronous>, transform_indices = @transform_1, window_bounds = array<i64: 128, 128>}, {transform_indices = @transform_2, window_bounds = array<i64: 1000, 128>}]} {
    %get3A = arith.constant 0 : index
    %get3A_0 = arith.constant 0 : index
    %get3A_1 = arith.constant 0 : index
    %get3A_2 = vector.load %arg1[%get3A, %get3A_0, %get3A_1] : memref<2x1000x128xf32, #tpu.memory_space<vmem>>, vector<1x1000x128xf32>
    %get3A_3 = vector.shape_cast %get3A_2 : vector<1x1000x128xf32> to vector<1000x128xf32>
    %get3A_4 = arith.constant 1 : index
    %get3A_5 = arith.constant 0 : index
    %get3A_6 = arith.constant 0 : index
    %get3A_7 = vector.load %arg1[%get3A_4, %get3A_5, %get3A_6] : memref<2x1000x128xf32, #tpu.memory_space<vmem>>, vector<1x1000x128xf32>
    %get3A_8 = vector.shape_cast %get3A_7 : vector<1x1000x128xf32> to vector<1000x128xf32>
    %add3A = arith.addf %get3A_3, %get3A_8 : vector<1000x128xf32>
    %get3A_9 = arith.constant 0 : index
    %get3A_10 = arith.constant 0 : index
    %get3A_11 = vector.load %arg2[%get3A_9, %get3A_10] : memref<128x128xf32, #tpu.memory_space<vmem>>, vector<128x128xf32>
    %dot_general3A = arith.constant dense<0.000000e+00> : vector<1000x128xf32>
    %dot_general3A_12 = tpu.matmul %add3A, %get3A_11, %dot_general3A {dimension_numbers = #tpu.dot_dimension_numbers<[1], [1], [0], [0], [0, 0, 1, 0], [], []>, transpose_lhs_hint = false} : vector<1000x128xf32>, vector<128x128xf32>, vector<1000x128xf32> -> vector<1000x128xf32>
    %swap3A = arith.constant 0 : index
    %swap3A_13 = arith.constant 0 : index
    %swap3A_14 = vector.load %arg3[%swap3A, %swap3A_13] : memref<1000x128xf32, #tpu.memory_space<vmem>>, vector<1000x128xf32>
    tpu.vector_store %arg3[%swap3A, %swap3A_13], %dot_general3A_12 {strides = array<i32>} : memref<1000x128xf32, #tpu.memory_space<vmem>>, vector<1000x128xf32>,
    return
  }
  func.func @transform_0(%arg0: i32) -> (i32, i32, i32) {
    %c0_i32 = arith.constant 0 : i32
    %c0_i32_0 = arith.constant 0 : i32
    %c0_i32_1 = arith.constant 0 : i32
    return %c0_i32, %arg0, %c0_i32_0 : i32, i32, i32
  }
  func.func @transform_1(%arg0: i32) -> (i32, i32) {
    %c0_i32 = arith.constant 0 : i32
    %c0_i32_0 = arith.constant 0 : i32
    %c0_i32_1 = arith.constant 0 : i32
    return %c0_i32, %c0_i32_0 : i32, i32
  }
  func.func @transform_2(%arg0: i32) -> (i32, i32) {
    %c0_i32 = arith.constant 0 : i32
    %c0_i32_0 = arith.constant 0 : i32
    return %arg0, %c0_i32 : i32, i32
  }
}

module attributes {stable_mosaic.version = 14 : i64} {
  func.func @_scale_body(%arg0: i32, %arg1: memref<1000x128xf32, #tpu.memory_space<vmem>>, %arg2: memref<2x1000x128xf32, #tpu.memory_space<vmem>>, %arg3: memref<1000x128xf32, #tpu.memory_space<vmem>>) attributes {dimension_semantics = [#tpu.dimension_semantics<arbitrary>], iteration_bounds = array<i64: 10>, scalar_prefetch = 0 : i64, scratch_operands = 0 : i64, tpu.core_type = #tpu.core_type<tc>, window_params = [{transform_indices = @transform_0, window_bounds = array<i64: 1000, 128>}, {transform_indices = @transform_1, window_bounds = array<i64: 2, 1000, 128>}, {transform_indices = @transform_2, window_bounds = array<i64: 1000, 128>}]} {
    %get3A = arith.constant 0 : index
    %get3A_0 = arith.constant 0 : index
    %get3A_1 = arith.constant 0 : index
    %get3A_2 = vector.load %arg2[%get3A, %get3A_0, %get3A_1] : memref<2x1000x128xf32, #tpu.memory_space<vmem>>, vector<1x1000x1xf32>
    %get3A_3 = vector.shape_cast %get3A_2 : vector<1x1000x1xf32> to vector<1000x1xf32>
    %get3A_4 = arith.constant 1 : index
    %get3A_5 = arith.constant 0 : index
    %get3A_6 = arith.constant 0 : index
    %get3A_7 = vector.load %arg2[%get3A_4, %get3A_5, %get3A_6] : memref<2x1000x128xf32, #tpu.memory_space<vmem>>, vector<1x1000x1xf32>
    %get3A_8 = vector.shape_cast %get3A_7 : vector<1x1000x1xf32> to vector<1000x1xf32>
    %add3A = arith.addf %get3A_3, %get3A_8 : vector<1000x1xf32>
    %max3A = arith.constant 1.000000e+00 : f32
    %max3A_9 = vector.broadcast %max3A : f32 to vector<1000x1xf32>
    %max3A_10 = arith.maximumf %add3A, %max3A_9 : vector<1000x1xf32>
    %get3A_11 = arith.constant 0 : index
    %get3A_12 = arith.constant 0 : index
    %get3A_13 = vector.load %arg1[%get3A_11, %get3A_12] : memref<1000x128xf32, #tpu.memory_space<vmem>>, vector<1000x128xf32>
    %rsqrt3A = math.rsqrt %max3A_10 : vector<1000x1xf32>
    %mul3A = vector.broadcast %rsqrt3A : vector<1000x1xf32> to vector<1000x128xf32>
    %mul3A_14 = arith.mulf %get3A_13, %mul3A : vector<1000x128xf32>
    %swap3A = arith.constant 0 : index
    %swap3A_15 = arith.constant 0 : index
    %swap3A_16 = vector.load %arg3[%swap3A, %swap3A_15] : memref<1000x128xf32, #tpu.memory_space<vmem>>, vector<1000x128xf32>
    tpu.vector_store %arg3[%swap3A, %swap3A_15], %mul3A_14 {strides = array<i32>} : memref<1000x128xf32, #tpu.memory_space<vmem>>, vector<1000x128xf32>,
    return
  }
  func.func @transform_0(%arg0: i32) -> (i32, i32) {
    %c0_i32 = arith.constant 0 : i32
    %c0_i32_0 = arith.constant 0 : i32
    return %arg0, %c0_i32 : i32, i32
  }
  func.func @transform_1(%arg0: i32) -> (i32, i32, i32) {
    %c0_i32 = arith.constant 0 : i32
    %c0_i32_0 = arith.constant 0 : i32
    %c0_i32_1 = arith.constant 0 : i32
    return %c0_i32, %arg0, %c0_i32_0 : i32, i32, i32
  }
  func.func @transform_2(%arg0: i32) -> (i32, i32) {
    %c0_i32 = arith.constant 0 : i32
    %c0_i32_0 = arith.constant 0 : i32
    return %arg0, %c0_i32 : i32, i32
  }
}

</mosaic_0001>

<sc_bundles>
// kernel: kernel.6.cloned.1.call-start
scs
__scs_entry_jumppad:
0x0: {  	(pc) =	sbr.rel $0x88, $3  }
0x1: {  	(tag) =	ssettag $0x0;
	lr =	simm.s32 $0x1  }
0x2: {  	[smem:$0x3F9E] =	sst lr;
	_ =	strace $0xD0000000  }
0x3: {  	_ = 	snop  }
0x4: {  	_ = 	snop  }
0x5: {  	_ = 	snop  }
0x6: {  	_ = 	snop  }
0x7: {  	_ = 	snop  }
__scs_overlays_trampoline_lowered:
0x8: {  	[smem:$0x3FAD] =	sst s0  }
0x9: {  	[smem:$0x3FAE] =	sst s1  }
0xa: {  	[smem:$0x3FAF] =	sst s2  }
0xb: {  	[smem:$0x3FB0] =	sst s3  }
0xc: {  	[smem:$0x3FB1] =	sst s4  }
0xd: {  	[smem:$0x3FB2] =	sst s5  }
0xe: {  	[smem:$0x3FB3] =	sst s6  }
0xf: {  	[smem:$0x3FB4] =	sst s7  }
0x10: {  	[smem:$0x3FB5] =	sst s8  }
0x11: {  	[smem:$0x3FB6] =	sst s9;
	s0 =	simm.s32 @!p0 $0x0  }
0x12: {  	s1 =	sld [smem:$0x3F9C];
	s0 =	simm.s32 @p0 $0x1  }
0x13: {  	[smem:$0x3FB7] =	sst s0;
	s0 =	simm.s32 @!p1 $0x0  }
0x14: {  	s2 =	sld [smem:$0x3F9B];
	s0 =	simm.s32 @p1 $0x1  }
0x15: {  	[smem:$0x3FB8] =	sst s0;
	s0 =	simm.s32 @!p2 $0x0  }
0x16: {  	s3 =	sld [smem:$0x3FDB];
	s0 =	simm.s32 @p2 $0x1  }
0x17: {  	s4 =	simm.s32 $0x1BF5;
	[smem:$0x3FBA] =	sst s0  }
0x18: {  	s0 =	sld [smem:$0x3F9D];
	_ =	swait.ge [sflag:s4], $0x0  }
0x19: {  	s7 =	sld [smem:$0x3F9E]  }
0x1a: {  	s8 =	sadd.s32 $0xFFFFE003, lr  }
0x1b: {  	s9 =	sadd.s32 $0xFFFFFEF7, lr;
	s5 =	simm.s32 $0xFFFFFFFF;
	p2 =	slt.u32 s8, $0xFFFFF086  }
0x1c: {  	p1 =	slt.u32 s9, $0xF7A;
	s5 =	simm.s32 @!p2 $0x0  }
0x1d: {  	s5 =	simm.s32 @p1 $0x1;
	p0 =	seq.s32 s7, s2  }
0x1e: {  	s7 =	smul.u32 @!p0 $0xF7A, s2;
	p2 =	seq.s32 @!p0 s5, $0x0  }
0x1f: {  	s9 =	smul.u32 $0xF7A, s1;
	s8 =	simm.s32 @!p0 $0x1BF5;
	p2 =	por !p2, p0  }
0x20: {  	[sflag:s8] =	ssyncset.s32 @!p0 $0xFFFFF086;
	s6 =	sadd.s32 @!p0 s3, s7;
	s7 =	simm.s32 @!p0 $0x108  }
0x21: {  	s3 =	sadd.s32 s3, s9;
	s6 =	sadd.s32 @!p0 $0x88, s6;
	s7 =	simm.s32 @p2 $0x1082  }
0x22: {  	[simem:s7], [sflag:s8] =	dma.local @!p0 [hbm:s6], $0xF7A  }
0x23: {  	s9 =	sor.u32 $0xD0000000, s2;
	s6 =	simm.s32 $0x108;
	_ =	swait.ge @!p0 [sflag:s8], $0x0  }
0x24: {  	s3 =	sadd.s32 $0x88, s3;
	s6 =	simm.s32 @!p1 $0x1082;
	[sflag:s4] =	ssyncset.s32 $0xFFFFF086  }
0x25: {  	[simem:s6], [sflag:s4] =	dma.local [hbm:s3], $0xF7A  }
0x26: {  	[smem:$0x3F9E] =	sst s1;
	(tag) =	ssettag s2;
	_ =	strace s9  }
0x27: {  	s1 =	sld [smem:$0x3FAE]  }
0x28: {  	s2 =	sld [smem:$0x3FAF]  }
0x29: {  	s4 =	sld [smem:$0x3FB1]  }
0x2a: {  	p0 =	seq.s32 s5, $0x0;
	s5 =	sld [smem:$0x3FB2]  }
0x2b: {  	s6 =	sld [smem:$0x3FB3]  }
0x2c: {  	s7 =	sld [smem:$0x3FB4]  }
0x2d: {  	s3 =	simm.s32 $0x108;
	s8 =	sld [smem:$0x3FB5]  }
0x2e: {  	s3 =	simm.s32 @!p0 $0x1082;
	s9 =	sld [smem:$0x3FB6]  }
0x2f: {  	lr =	sadd.s32 s0, s3;
	s0 =	sld [smem:$0x3FAD]  }
0x30: {  	s3 =	sld [smem:$0x3FB0]  }
0x31: {  	[smem:$0x3FB9] =	sst s10  }
0x32: {  	s10 =	sld [smem:$0x3FB7];
	_ =	sdelay $0x3  }
0x33: {  	p0 =	seq.s32 s10, $0x1;
	s10 =	sld [smem:$0x3FB9];
	_ =	sdelay $0x3  }
0x34: {  	[smem:$0x3FB9] =	sst s10  }
0x35: {  	s10 =	sld [smem:$0x3FB8];
	_ =	sdelay $0x3  }
0x36: {  	p1 =	seq.s32 s10, $0x1;
	s10 =	sld [smem:$0x3FB9];
	_ =	sdelay $0x3  }
0x37: {  	[smem:$0x3FB9] =	sst s10  }
0x38: {  	s10 =	sld [smem:$0x3FBA]  }
0x39: {  	_ = 	snop;
	(pc) =	sbr.ind lr, $3  }
0x3a: {  	_ = 	snop  }
0x3b: {  	_ = 	snop  }
0x3c: {  	p2 =	seq.s32 s10, $0x1;
	s10 =	sld [smem:$0x3FB9]  }
0x3d: {  	_ =	shalt  }
0x3e: {  	_ =	shalt  }
0x3f: {  	_ =	shalt  }
0x40: {  	_ =	shalt  }
0x41: {  	_ =	shalt  }
0x42: {  	_ =	shalt  }
0x43: {  	_ =	shalt  }
0x44: {  	_ =	shalt  }
0x45: {  	_ =	shalt  }
0x46: {  	_ =	shalt  }
0x47: {  	_ =	shalt  }
0x48: {  	_ =	shalt  }
0x49: {  	_ =	shalt  }
0x4a: {  	_ =	shalt  }
0x4b: {  	_ =	shalt  }
0x4c: {  	_ =	shalt  }
0x4d: {  	_ =	shalt  }
0x4e: {  	_ =	shalt  }
0x4f: {  	_ =	shalt  }
0x50: {  	_ =	shalt  }
0x51: {  	_ =	shalt  }
0x52: {  	_ =	shalt  }
0x53: {  	_ =	shalt  }
0x54: {  	_ =	shalt  }
0x55: {  	_ =	shalt  }
0x56: {  	_ =	shalt  }
0x57: {  	_ =	shalt  }
0x58: {  	_ =	shalt  }
0x59: {  	_ =	shalt  }
0x5a: {  	_ =	shalt  }
0x5b: {  	_ =	shalt  }
0x5c: {  	_ =	shalt  }
0x5d: {  	_ =	shalt  }
0x5e: {  	_ =	shalt  }
0x5f: {  	_ =	shalt  }
0x60: {  	_ =	shalt  }
0x61: {  	_ =	shalt  }
0x62: {  	_ =	shalt  }
0x63: {  	_ =	shalt  }
0x64: {  	_ =	shalt  }
0x65: {  	_ =	shalt  }
0x66: {  	_ =	shalt  }
0x67: {  	_ =	shalt  }
0x68: {  	_ =	shalt  }
0x69: {  	_ =	shalt  }
0x6a: {  	_ =	shalt  }
0x6b: {  	_ =	shalt  }
0x6c: {  	_ =	shalt  }
0x6d: {  	_ =	shalt  }
0x6e: {  	_ =	shalt  }
0x6f: {  	_ =	shalt  }
0x70: {  	_ =	shalt  }
0x71: {  	_ =	shalt  }
0x72: {  	_ =	shalt  }
0x73: {  	_ =	shalt  }
0x74: {  	_ =	shalt  }
0x75: {  	_ =	shalt  }
0x76: {  	_ =	shalt  }
0x77: {  	_ =	shalt  }
0x78: {  	_ =	shalt  }
0x79: {  	_ =	shalt  }
0x7a: {  	_ =	shalt  }
0x7b: {  	_ =	shalt  }
0x7c: {  	_ =	shalt  }
0x7d: {  	_ =	shalt  }
0x7e: {  	_ =	shalt  }
0x7f: {  	_ =	shalt  }
0x80: {  	_ =	shalt  }
0x81: {  	_ =	shalt  }
0x82: {  	_ =	shalt  }
0x83: {  	_ =	shalt  }
0x84: {  	_ =	shalt  }
0x85: {  	_ =	shalt  }
0x86: {  	_ =	shalt  }
0x87: {  	_ =	shalt  }
.Lfunc_end0:
.L_simem_size_0:
called_computation_lowered:
.L_overlay_start_0:
0x88: {  	s2 =	sld [smem:$0x3FD9]  }
0x89: {  	s3 =	sld [smem:$0x3FFE];
	_ =	sdelay $0x1  }
0x8a: {  	s1 =	srdreg.scid  }
0x8b: {  	s0 =	sand.u32 $0x1, s1  }
0x8c: {  	s16 =	sshll.u32 s0, $0xA;
	s2 =	sadd.s32 s3, s2  }
0x8d: {  	s2 =	sadd.s32 s2, s16  }
0x8e: {  	[smem:$0x3FC5] =	sst s2  }
0x8f: {  	_ = 	snop  }
0x90: {  	(tm) =	ssettm $0x1  }
0x91: {  	s17 =	sld [smem:$0x3FFB];
	_ =	sdelay $0x3  }
0x92: {  	_ =	strace s17  }
0x93: {  	s2 =	sld [smem:$0x3FFC];
	_ =	sdelay $0x3  }
0x94: {  	_ =	strace s2  }
0x95: {  	s2 =	sld [smem:$0x3FFD];
	_ =	sdelay $0x3  }
0x96: {  	_ =	strace s2  }
0x97: {  	_ =	strace $0x8FFFFFFF  }
0x98: {  	s18 =	sld [smem:$0x3FDB];
	_ =	sdelay $0x1  }
0x99: {  	s19 =	simm.s32 $_scs_section_size  }
0x9a: {  	s4 =	simm.s32 $_size__tile_overlayer_lowered;
	s5 =	simm.s32 $_tile_overlayer_lowered  }
0x9b: {  	s22 =	simm.s32 $0x1BFF;
	s21 =	sshll.u32 s5, $0x1;
	s2 =	sadd.s32 s19, s18  }
0x9c: {  	s6 =	simm.s32 $0x0;
	s20 =	sshll.u32 s4, $0x1;
	s4 =	sadd.s32 s21, s2  }
0x9d: {  	[timem:s6], [sflag:s22] =	dma.local [hbm:s4], s20  }
0x9e: {  	_ =	swait.ge [sflag:s22], s20  }
0x9f: {  	s3 =	ssub.s32 $0x0, s20;
	[sflag:s22] =	ssyncset.done $0x0  }
0xa0: {  	[sflag:s22] =	ssyncadd.s32 s3;
	_ =	sdelay $0x1  }
0xa1: {  	s23 =	simm.s32 $0x1B8B  }
0xa2: {  	_ =	swait.ge [sflag:s23], $0x1  }
0xa3: {  	[sflag:s23] =	ssyncset.done $0x0  }
0xa4: {  	s25 =	simm.s32 $0x1B8E;
	s24 =	sld [smem:$0x3FFE];
	[sflag:s23] =	ssyncadd.s32 $0xFFFFFFFF  }
0xa5: {  	s26 =	simm.s32 $execute0_lowered;
	[smem:$0x3FD2] =	sst s25  }
0xa6: {  	s4 =	sshll.u32 s26, $0x1;
	_ =	strace $0x80000046;
	[dreg:$0x1] =	wrdreg $0xFFFFFFFF  }
0xa7: {  	s28 =	simm.s32 $_size_execute0_lowered;
	s2 =	sadd.s32 s2, s4;
	[dreg:$0x0] =	wrdreg $0x0  }
0xa8: {  	s4 =	sshll.u32 s28, $0x1;
	[dreg:$0x2] =	wrdreg s2  }
0xa9: {  	[dreg:$0x3] =	wrdreg s4  }
0xaa: {  	[dreg:$0x4] =	wrdreg $0xC0  }
0xab: {  	_ =	task [dreg:s6], $0x5FFFF  }
0xac: {  	[dreg:$0x1] =	wrdreg $0xFFFFFFFF  }
0xad: {  	[dreg:$0x0] =	wrdreg $0x60  }
0xae: {  	[dreg:$0x2] =	wrdreg s24  }
0xaf: {  	[dreg:$0x3] =	wrdreg $0x2C000  }
0xb0: {  	[dreg:$0x4] =	wrdreg $0x9  }
0xb1: {  	_ =	task.clear_ibuf [dreg:s6], $0x5FFFF;
	_ =	strace $0x90000046  }
0xb2: {  	s29 =	simm.s32 $0x9;
	_ =	strace $0x80000048  }
0xb3: {  	_ =	swait.ge [sflag:s29], $0x1  }
0xb4: {  	[sflag:s29] =	ssyncadd.s32 $0xFFFFFFFF  }
0xb5: {  	_ =	strace $0x90000048  }
0xb6: {  	_ =	sfence  }
0xb7: {  	s30 =	sld [smem:$0x0];
	_ =	sdelay $0x2  }
0xb8: {  	s31 =	sshll.u32 s1, $0xD;
	s1 =	sshrl.u32 s1, $0x2  }
0xb9: {  	s3 =	sand.u32 $0x4000, s31;
	s1 =	sadd.s32 s1, s30  }
0xba: {  	s0 =	sor.u32 s3, s0;
	s1 =	sshll.u32 s1, $0x11  }
0xbb: {  	s0 =	sor.u32 s1, s0  }
0xbc: {  	s0 =	sadd.s32 $0x8F2B, s0  }
0xbd: {  	[sflag:s0] =	ssyncadd.remote.s32 $0x1  }
0xbe: {  	_ =	sfence.sel $0xFFFF  }
0xbf: {  	[dreg:$0x0] =	wrdreg $0xFFFFFFFF;
	(pc) =	sbr.abs _section_cstart, $3  }
0xc0: {  	[dreg:$0x1] =	wrdreg $0xFFFFFFFF  }
0xc1: {  	_ =	task.clear_ibuf [dreg:s6], $0x2FFFF;
	_ =	strace $0x9FFFFFFF  }
0xc2: {  	(tm) =	ssettm $0x7FFFFFFF  }
0xc3: {  	_ =	shalt  }
tec
execute0_lowered:
.L_overlay_start_1:
0x0: {  	(tag) =	ssettag $0x1  }
0x1: {  	s0 =	rddreg [dreg:$0x0];
	s1 =	srdreg.scid  }
0x2: {  	s2 =	rddreg [dreg:$0x1];
	s10 =	stileid.u32;
	s3 =	simm.s32 $0x0  }
0x3: {  	s28 =	simm.s32 $0x4;
	s29 =	simm.s32 $0x280;
	s30 =	simm.s32 $0x10  }
0x4: {  	s31 =	simm.s32 $0x9;
	s11 =	simm.s32 $0x7;
	s5 =	smul.u32 $0x14000, s10  }
0x5: {  	s12 =	simm.s32 $0x8;
	s1 =	sand.u32 $0x1, s1;
	s9 =	smul.u32 $0x50000, s10  }
0x6: {  	[smem:$0x7FF] =	sst s3;
	s6 =	sshll.u32 s10, $0x1;
	s19 =	smul.u32 $0x14, s10  }
0x7: {  	s14 =	sadd.s32 $0xAE00, s0;
	s4 =	smul.u32 $0x140000, s1;
	s13 =	sor.u32 s1, s6  }
0x8: {  	s10 =	simm.s32 $0x380;
	_ =	strace $0x80000047;
	s7 =	smul.u32 $0x50, s13  }
0x9: {  	s15 =	ssub.s32 $0x2, s1;
	s4 =	sadd.s32 s5, s4;
	s5 =	smul.u32 $0xA, s13  }
0xa: {  	s8 =	sshrl.u32 s15, $0x1;
	s17 =	sshrl.u32 s9, $0x2;
	s7 =	sshrl.u32 s7, $0x3  }
0xb: {  	s4 =	sshrl.u32 s4, $0x3;
	s5 =	sadd.s32 s14, s5;
	s16 =	sadd.s32 s14, s7  }
0xc: {  	s0 =	sadd.s32 s4, s0;
	[dreg:$0x3] =	wrdreg s5;
	s5 =	sadd.s32 $0x140, s16  }
0xd: {  	s4 =	ssub.s32 s15, s8;
	s0 =	sadd.s32 $0x14C00, s0;
	[dreg:$0x4] =	wrdreg s5  }
0xe: {  	s7 =	sadd.s32 s17, s2;
	s18 =	smax.u32 s4, $0x1;
	[dreg:$0x5] =	wrdreg s0  }
0xf: {  	s1 =	smul.u32 $0xA, s1;
	s20 =	sadd.s32 $0x2800, s7;
	[dreg:$0x6] =	wrdreg s18  }
0x10: {  	s6 =	simm.s32 $0x5;
	s21 =	sadd.s32 $0x5000, s7;
	[dreg:$0x7] =	wrdreg s20  }
0x11: {  	s9 =	simm.s32 $0x6;
	s22 =	sadd.s32 $0x7800, s7;
	[dreg:$0x8] =	wrdreg s21  }
0x12: {  	s13 =	simm.s32 $0x0;
	s23 =	sadd.s32 $0xA000, s7;
	[dreg:$0x9] =	wrdreg s22  }
0x13: {  	s17 =	simm.s32 $0x400;
	s24 =	sadd.s32 $0xC800, s7;
	[dreg:$0xa] =	wrdreg s23  }
0x14: {  	s8 =	simm.s32 $0x300;
	s25 =	sadd.s32 $0xF000, s7;
	[dreg:$0xb] =	wrdreg s24  }
0x15: {  	s26 =	sadd.s32 $0x11800, s7;
	s4 =	simm.s32 $0xC;
	[dreg:$0xc] =	wrdreg s25  }
0x16: {  	s0 =	sadd.s32 s19, s14;
	[dreg:$0xd] =	wrdreg s26;
	s18 =	simm.s32 $0x11  }
.Ltmp0:
0x17: {  	s19 =	simm.s32 $0x80;
	s20 =	simm.s32 $0x1;
	(pc) =	sbr.rel .LBB2_1-.Ltmp0, $4  }
0x18: {  	s21 =	simm.s32 $0x100;
	s22 =	simm.s32 $0x50;
	s23 =	simm.s32 $0x2  }
0x19: {  	s24 =	simm.s32 $0x180;
	s25 =	simm.s32 $0x3;
	s0 =	sadd.s32 s1, s0  }
0x1a: {  	s26 =	simm.s32 $0x200;
	s5 =	simm.s32 $0xD;
	s0 =	sadd.s32 $0x280, s0  }
0x1b: {  	v0 =	vimm.f32 $0.0e+00;
	v1 =	vimm.f32 $1.000000000e+00;
	s1 =	simm.s32 $0xB;
	[dreg:$0xe] =	wrdreg s0;
	s0 =	simm.s32 $0xA  }
.LBB2_22:
0x1c: {  	_ =	swait.ge [sflag:s30], $0x2800  }
0x1d: {  	[sflag:s30] =	ssyncset.done $0x0  }
0x1e: {  	[sflag:s30] =	ssyncadd.s32 $0xFFFFD800  }
0x1f: {  	_ =	swait.ge [sflag:s31], $0x2800  }
0x20: {  	[sflag:s31] =	ssyncset.done $0x0  }
0x21: {  	[sflag:s31] =	ssyncadd.s32 $0xFFFFD800  }
0x22: {  	_ =	swait.ge [sflag:s0], $0x2800  }
0x23: {  	[sflag:s0] =	ssyncset.done $0x0  }
0x24: {  	[sflag:s0] =	ssyncadd.s32 $0xFFFFD800  }
0x25: {  	_ =	swait.ge [sflag:s1], $0x2800  }
0x26: {  	[sflag:s1] =	ssyncset.done $0x0  }
0x27: {  	[sflag:s1] =	ssyncadd.s32 $0xFFFFD800  }
0x28: {  	_ =	swait.ge [sflag:s4], $0x2800  }
0x29: {  	[sflag:s4] =	ssyncset.done $0x0  }
0x2a: {  	[sflag:s4] =	ssyncadd.s32 $0xFFFFD800  }
0x2b: {  	_ =	swait.ge [sflag:s5], $0x2800  }
0x2c: {  	[sflag:s5] =	ssyncset.done $0x0  }
0x2d: {  	s14 =	stileid.u32;
	[sflag:s5] =	ssyncadd.s32 $0xFFFFD800  }
0x2e: {  	s14 =	sshll.u32 s14, $0x6;
	[bflag:$0x0] =	sbarrier.arrive $0xFFFF  }
0x2f: {  	s15 =	sshrl.u32 s7, $0x3;
	s14 =	sor.u32 $0x1C11, s14;
	s16 =	rddreg [dreg:$0x5]  }
0x30: {  	[hbm:s16], [sflag:s14] =	dma.local [spmem:s15], $0x2800  }
0x31: {  	_ =	swait.ge [sflag:s18], $0x2800  }
0x32: {  	s13 =	sadd.s32 $0x1, s13;
	s16 =	rddreg [dreg:$0x6]  }
0x33: {  	p0 =	sne.s32 s13, s16  }
.Ltmp1:
0x34: {  	_ = 	snop;
	(pc) =	sbr.rel @!p0 .LBB2_23-.Ltmp1, $3  }
0x35: {  	_ =	sdelay $0x1  }
0x36: {  	[sflag:s18] =	ssyncset.done $0x0  }
0x37: {  	[sflag:s18] =	ssyncadd.s32 $0xFFFFD800  }
.LBB2_1:
0x38: {  	s14 =	simm.s32 $0x0;
	s16 =	simm.s32 $0x200  }
.LBB2_2:
0x39: {  	p0 =	sne.s32 s16, $0x9E00;
	[tilespmem:s14+$0x470] =	vst v0  }
0x3a: {  	[tilespmem:s14+$0x400] =	vst v0  }
0x3b: {  	[tilespmem:s14+$0x410] =	vst v0  }
.Ltmp2:
0x3c: {  	[tilespmem:s14+$0x420] =	vst v0;
	(pc) =	sbr.rel @p0 .LBB2_2-.Ltmp2, $4  }
0x3d: {  	[tilespmem:s14+$0x430] =	vst v0  }
0x3e: {  	[tilespmem:s14+$0x440] =	vst v0  }
0x3f: {  	[tilespmem:s14+$0x450] =	vst v0  }
0x40: {  	[tilespmem:s14+$0x460] =	vst v0;
	s14 =	sshra.s32 s16, $0x2;
	s16 =	sadd.s32 $0x200, s16  }
0x41: {  	[tilespmem:s14+$0x470] =	vst v0  }
0x42: {  	[tilespmem:s14+$0x400] =	vst v0  }
0x43: {  	[tilespmem:s14+$0x410] =	vst v0  }
0x44: {  	[tilespmem:s14+$0x420] =	vst v0  }
0x45: {  	[tilespmem:s14+$0x430] =	vst v0  }
0x46: {  	[tilespmem:s14+$0x440] =	vst v0  }
0x47: {  	[tilespmem:s14+$0x450] =	vst v0  }
0x48: {  	[tilespmem:s14+$0x460] =	vst v0  }
0x49: {  	[spmem:s7] =	stream.linear.scatter [tilespmem:s17], [sflag:$0x11], $0x2800, $0x38;
	[tilespmem:$0x16C00] =	vst v63  }
0x4a: {  	_ =	swait.ge [sflag:s18], $0x2800  }
0x4b: {  	[sflag:s18] =	ssyncset.done $0x0  }
0x4c: {  	s16 =	rddreg [dreg:$0x7];
	[sflag:s18] =	ssyncadd.s32 $0xFFFFD800  }
0x4d: {  	[spmem:s16] =	stream.linear.scatter [tilespmem:s17], [sflag:$0x11], $0x2800, $0x38;
	[tilespmem:$0x16C00] =	vst v63  }
0x4e: {  	_ =	swait.ge [sflag:s18], $0x2800  }
0x4f: {  	[sflag:s18] =	ssyncset.done $0x0  }
0x50: {  	s15 =	rddreg [dreg:$0x8];
	[sflag:s18] =	ssyncadd.s32 $0xFFFFD800  }
0x51: {  	[spmem:s15] =	stream.linear.scatter [tilespmem:s17], [sflag:$0x11], $0x2800, $0x38;
	[tilespmem:$0x16C00] =	vst v63  }
0x52: {  	_ =	swait.ge [sflag:s18], $0x2800  }
0x53: {  	[sflag:s18] =	ssyncset.done $0x0  }
0x54: {  	s16 =	rddreg [dreg:$0x9];
	[sflag:s18] =	ssyncadd.s32 $0xFFFFD800  }
0x55: {  	[spmem:s16] =	stream.linear.scatter [tilespmem:s17], [sflag:$0x11], $0x2800, $0x38;
	[tilespmem:$0x16C00] =	vst v63  }
0x56: {  	_ =	swait.ge [sflag:s18], $0x2800  }
0x57: {  	[sflag:s18] =	ssyncset.done $0x0  }
0x58: {  	s15 =	rddreg [dreg:$0xa];
	[sflag:s18] =	ssyncadd.s32 $0xFFFFD800  }
0x59: {  	[spmem:s15] =	stream.linear.scatter [tilespmem:s17], [sflag:$0x11], $0x2800, $0x38;
	[tilespmem:$0x16C00] =	vst v63  }
0x5a: {  	_ =	swait.ge [sflag:s18], $0x2800  }
0x5b: {  	[sflag:s18] =	ssyncset.done $0x0  }
0x5c: {  	s16 =	rddreg [dreg:$0xb];
	[sflag:s18] =	ssyncadd.s32 $0xFFFFD800  }
0x5d: {  	[spmem:s16] =	stream.linear.scatter [tilespmem:s17], [sflag:$0x11], $0x2800, $0x38;
	[tilespmem:$0x16C00] =	vst v63  }
0x5e: {  	_ =	swait.ge [sflag:s18], $0x2800  }
0x5f: {  	[sflag:s18] =	ssyncset.done $0x0  }
0x60: {  	s15 =	rddreg [dreg:$0xc];
	[sflag:s18] =	ssyncadd.s32 $0xFFFFD800  }
0x61: {  	[spmem:s15] =	stream.linear.scatter [tilespmem:s17], [sflag:$0x11], $0x2800, $0x38;
	[tilespmem:$0x16C00] =	vst v63  }
0x62: {  	_ =	swait.ge [sflag:s18], $0x2800  }
0x63: {  	[sflag:s18] =	ssyncset.done $0x0  }
0x64: {  	s16 =	rddreg [dreg:$0xd];
	[sflag:s18] =	ssyncadd.s32 $0xFFFFD800  }
0x65: {  	[spmem:s16] =	stream.linear.scatter [tilespmem:s17], [sflag:$0x11], $0x2800, $0x38;
	[tilespmem:$0x16C00] =	vst v63  }
0x66: {  	_ =	swait.ge [sflag:s18], $0x2800  }
0x67: {  	[sflag:s18] =	ssyncset.done $0x0  }
0x68: {  	s14 =	simm.s32 $0x0;
	s16 =	simm.s32 $0x200;
	[sflag:s18] =	ssyncadd.s32 $0xFFFFD800  }
.LBB2_4:
0x69: {  	p0 =	sne.s32 s16, $0x9E00;
	[tilespmem:s14+$0x470] =	vst v1  }
0x6a: {  	[tilespmem:s14+$0x400] =	vst v1  }
0x6b: {  	[tilespmem:s14+$0x410] =	vst v1  }
.Ltmp3:
0x6c: {  	[tilespmem:s14+$0x420] =	vst v1;
	(pc) =	sbr.rel @p0 .LBB2_4-.Ltmp3, $4  }
0x6d: {  	[tilespmem:s14+$0x430] =	vst v1  }
0x6e: {  	[tilespmem:s14+$0x440] =	vst v1  }
0x6f: {  	[tilespmem:s14+$0x450] =	vst v1  }
0x70: {  	[tilespmem:s14+$0x460] =	vst v1;
	s14 =	sshra.s32 s16, $0x2;
	s16 =	sadd.s32 $0x200, s16  }
0x71: {  	[tilespmem:s14+$0x470] =	vst v1  }
0x72: {  	[tilespmem:s14+$0x400] =	vst v1  }
0x73: {  	[tilespmem:s14+$0x410] =	vst v1  }
0x74: {  	[tilespmem:s14+$0x420] =	vst v1  }
0x75: {  	[tilespmem:s14+$0x430] =	vst v1  }
0x76: {  	[tilespmem:s14+$0x440] =	vst v1  }
0x77: {  	[tilespmem:s14+$0x450] =	vst v1  }
0x78: {  	[tilespmem:s14+$0x460] =	vst v1  }
0x79: {  	[bflag:$0x0] =	sbarrier.arrive $0xFFFF  }
.Ltmp4:
0x7a: {  	s14 =	simm.s32 $0x0;
	s15 =	rddreg [dreg:$0x3];
	(pc) =	sbr.rel .LBB2_6-.Ltmp4, $4  }
0x7b: {  	[tilespmem:s14], [sflag:$0x1] =	stream.linear.gather [hbm4b:s15+s14], $0x50, $0x38;
	[tilespmem:$0x16C00] =	vst v63  }
0x7c: {  	s16 =	rddreg [dreg:$0x4]  }
0x7d: {  	[tilespmem:s19], [sflag:$0x2] =	stream.linear.gather [hbm4b:s16+s14], $0x50, $0x38;
	[tilespmem:$0x16C00] =	vst v63  }
0x7e: {  	s16 =	rddreg [dreg:$0xe]  }
.LBB2_20:
0x7f: {  	_ =	swait.ge [sflag:s12], $0x50  }
0x80: {  	[sflag:s12] =	ssyncset.done $0x0  }
0x81: {  	s15 =	simm.s32 @!p0 $0xA;
	[sflag:s12] =	ssyncadd.s32 $0xFFFFFFB0  }
0x82: {  	_ =	swait.ge @!p0 [sflag:s15], $0x2800  }
0x83: {  	[sflag:s15] =	ssyncset.done @!p0 $0x0  }
0x84: {  	p1 =	por p0, !p1;
	[sflag:s15] =	ssyncadd.s32 @!p0 $0xFFFFD800  }
0x85: {  	[tilespmem:s19], [sflag:$0x2] =	stream.linear.gather @p1 [hbm4b:s16+s3], $0x50, $0x38;
	[tilespmem:$0x16C00] =	vst v63  }
0x86: {  	_ = 	snop  }
0x87: {  	[spmem:s2] =	stream.indirect.scatter.add.f32 [tilespmem:s17], [sflag:$0x10], $0x80, s10, s22, $0xb8;
	[tilespmem:$0x16C00] =	vst v63  }
.LBB2_21:
0x88: {  	s14 =	sadd.s32 $0x1, s14  }
0x89: {  	p0 =	sne.s32 s14, $0x7D  }
.Ltmp5:
0x8a: {  	_ = 	snop;
	(pc) =	sbr.rel @!p0 .LBB2_22-.Ltmp5, $2  }
0x8b: {  	_ =	sdelay $0x2  }
0x8c: {  	s16 =	sadd.s32 $0x140, s16  }
.LBB2_6:
0x8d: {  	s15 =	sand.u32 $0x7, s14  }
0x8e: {  	p0 =	sgt.s32 s15, $0x3  }
.Ltmp6:
0x8f: {  	_ = 	snop;
	(pc) =	sbr.rel @p0 .LBB2_10-.Ltmp6, $1  }
0x90: {  	_ =	sdelay $0x3  }
0x91: {  	p0 =	sgt.s32 s15, $0x1  }
.Ltmp7:
0x92: {  	_ = 	snop;
	(pc) =	sbr.rel @p0 .LBB2_15-.Ltmp7, $1  }
0x93: {  	_ =	sdelay $0x3  }
0x94: {  	p0 =	seq.s32 s15, $0x0  }
.Ltmp8:
0x95: {  	_ = 	snop;
	(pc) =	sbr.rel @!p0 .LBB2_13-.Ltmp8, $1  }
0x96: {  	_ =	sdelay $0x3  }
0x97: {  	_ =	swait.ge [sflag:s20], $0x50  }
0x98: {  	p0 =	slt.u32 s14, $0x6;
	[sflag:s20] =	ssyncset.done $0x0  }
0x99: {  	s15 =	simm.s32 @!p0 $0xB;
	[sflag:s20] =	ssyncadd.s32 $0xFFFFFFB0  }
0x9a: {  	_ =	swait.ge @!p0 [sflag:s15], $0x2800  }
.Ltmp9:
0x9b: {  	p1 =	sgt.u32 @!p0 s14, $0x7A;
	[sflag:s15] =	ssyncset.done @!p0 $0x0;
	(pc) =	sbr.rel .LBB2_21-.Ltmp9, $4  }
0x9c: {  	p1 =	por p0, !p1;
	[sflag:s15] =	ssyncadd.s32 @!p0 $0xFFFFD800  }
0x9d: {  	[tilespmem:s21], [sflag:$0x3] =	stream.linear.gather @p1 [hbm4b:s16+s3], $0x50, $0x38;
	[tilespmem:$0x16C00] =	vst v63  }
0x9e: {  	_ = 	snop  }
0x9f: {  	[spmem:s2] =	stream.indirect.scatter.add.f32 [tilespmem:s17], [sflag:$0x9], $0x80, s3, s22, $0xb8;
	[tilespmem:$0x16C00] =	vst v63  }
.LBB2_10:
0xa0: {  	p0 =	sgt.s32 s15, $0x5  }
.Ltmp10:
0xa1: {  	_ = 	snop;
	(pc) =	sbr.rel @p0 .LBB2_19-.Ltmp10, $1  }
0xa2: {  	_ =	sdelay $0x3  }
0xa3: {  	p0 =	seq.s32 s15, $0x4  }
.Ltmp11:
0xa4: {  	_ = 	snop;
	(pc) =	sbr.rel @!p0 .LBB2_17-.Ltmp11, $1  }
0xa5: {  	_ =	sdelay $0x3  }
0xa6: {  	_ =	swait.ge [sflag:s6], $0x50  }
0xa7: {  	p0 =	slt.u32 s14, $0x6;
	[sflag:s6] =	ssyncset.done $0x0  }
0xa8: {  	s15 =	simm.s32 @!p0 $0xF;
	[sflag:s6] =	ssyncadd.s32 $0xFFFFFFB0  }
0xa9: {  	_ =	swait.ge @!p0 [sflag:s15], $0x2800  }
.Ltmp12:
0xaa: {  	p1 =	sgt.u32 @!p0 s14, $0x7A;
	[sflag:s15] =	ssyncset.done @!p0 $0x0;
	(pc) =	sbr.rel .LBB2_21-.Ltmp12, $4  }
0xab: {  	p1 =	por p0, !p1;
	[sflag:s15] =	ssyncadd.s32 @!p0 $0xFFFFD800  }
0xac: {  	[tilespmem:s8], [sflag:$0x7] =	stream.linear.gather @p1 [hbm4b:s16+s3], $0x50, $0x38;
	[tilespmem:$0x16C00] =	vst v63  }
0xad: {  	_ = 	snop  }
0xae: {  	[spmem:s2] =	stream.indirect.scatter.add.f32 [tilespmem:s17], [sflag:$0xD], $0x80, s26, s22, $0xb8;
	[tilespmem:$0x16C00] =	vst v63  }
.LBB2_15:
0xaf: {  	p0 =	seq.s32 s15, $0x2  }
.Ltmp13:
0xb0: {  	_ = 	snop;
	(pc) =	sbr.rel @!p0 .LBB2_16-.Ltmp13, $1  }
0xb1: {  	_ =	sdelay $0x3  }
0xb2: {  	_ =	swait.ge [sflag:s25], $0x50  }
0xb3: {  	p0 =	slt.u32 s14, $0x6;
	[sflag:s25] =	ssyncset.done $0x0  }
0xb4: {  	s15 =	simm.s32 @!p0 $0xD;
	[sflag:s25] =	ssyncadd.s32 $0xFFFFFFB0  }
0xb5: {  	_ =	swait.ge @!p0 [sflag:s15], $0x2800  }
.Ltmp14:
0xb6: {  	p1 =	sgt.u32 @!p0 s14, $0x7A;
	[sflag:s15] =	ssyncset.done @!p0 $0x0;
	(pc) =	sbr.rel .LBB2_21-.Ltmp14, $4  }
0xb7: {  	p1 =	por p0, !p1;
	[sflag:s15] =	ssyncadd.s32 @!p0 $0xFFFFD800  }
0xb8: {  	[tilespmem:s26], [sflag:$0x5] =	stream.linear.gather @p1 [hbm4b:s16+s3], $0x50, $0x38;
	[tilespmem:$0x16C00] =	vst v63  }
0xb9: {  	_ = 	snop  }
0xba: {  	[spmem:s2] =	stream.indirect.scatter.add.f32 [tilespmem:s17], [sflag:$0xB], $0x80, s21, s22, $0xb8;
	[tilespmem:$0x16C00] =	vst v63  }
.LBB2_19:
0xbb: {  	p2 =	seq.s32 s15, $0x6  }
.Ltmp15:
0xbc: {  	_ = 	snop;
	(pc) =	sbr.rel @!p2 .LBB2_20-.Ltmp15, $3  }
0xbd: {  	_ =	sdelay $0x1  }
0xbe: {  	p0 =	slt.u32 s14, $0x6  }
0xbf: {  	p1 =	sgt.u32 @!p0 s14, $0x7A  }
0xc0: {  	_ =	swait.ge [sflag:s11], $0x50  }
0xc1: {  	[sflag:s11] =	ssyncset.done $0x0  }
0xc2: {  	s15 =	simm.s32 @!p0 $0x9;
	[sflag:s11] =	ssyncadd.s32 $0xFFFFFFB0  }
0xc3: {  	_ =	swait.ge @!p0 [sflag:s15], $0x2800  }
.Ltmp16:
0xc4: {  	[sflag:s15] =	ssyncset.done @!p0 $0x0;
	(pc) =	sbr.rel .LBB2_21-.Ltmp16, $4  }
0xc5: {  	p1 =	por p0, !p1;
	[sflag:s15] =	ssyncadd.s32 @!p0 $0xFFFFD800  }
0xc6: {  	[tilespmem:s3], [sflag:$0x1] =	stream.linear.gather @p1 [hbm4b:s16+s3], $0x50, $0x38;
	[tilespmem:$0x16C00] =	vst v63  }
0xc7: {  	_ = 	snop  }
0xc8: {  	[spmem:s2] =	stream.indirect.scatter.add.f32 [tilespmem:s17], [sflag:$0xF], $0x80, s8, s22, $0xb8;
	[tilespmem:$0x16C00] =	vst v63  }
.LBB2_13:
0xc9: {  	_ =	swait.ge [sflag:s23], $0x50  }
0xca: {  	p0 =	slt.u32 s14, $0x6;
	[sflag:s23] =	ssyncset.done $0x0  }
0xcb: {  	s15 =	simm.s32 @!p0 $0xC;
	[sflag:s23] =	ssyncadd.s32 $0xFFFFFFB0  }
0xcc: {  	_ =	swait.ge @!p0 [sflag:s15], $0x2800  }
.Ltmp17:
0xcd: {  	p1 =	sgt.u32 @!p0 s14, $0x7A;
	[sflag:s15] =	ssyncset.done @!p0 $0x0;
	(pc) =	sbr.rel .LBB2_21-.Ltmp17, $4  }
0xce: {  	p1 =	por p0, !p1;
	[sflag:s15] =	ssyncadd.s32 @!p0 $0xFFFFD800  }
0xcf: {  	[tilespmem:s24], [sflag:$0x4] =	stream.linear.gather @p1 [hbm4b:s16+s3], $0x50, $0x38;
	[tilespmem:$0x16C00] =	vst v63  }
0xd0: {  	_ = 	snop  }
0xd1: {  	[spmem:s2] =	stream.indirect.scatter.add.f32 [tilespmem:s17], [sflag:$0xA], $0x80, s19, s22, $0xb8;
	[tilespmem:$0x16C00] =	vst v63  }
.LBB2_17:
0xd2: {  	_ =	swait.ge [sflag:s9], $0x50  }
0xd3: {  	p0 =	slt.u32 s14, $0x6;
	[sflag:s9] =	ssyncset.done $0x0  }
0xd4: {  	s15 =	simm.s32 @!p0 $0x10;
	[sflag:s9] =	ssyncadd.s32 $0xFFFFFFB0  }
0xd5: {  	_ =	swait.ge @!p0 [sflag:s15], $0x2800  }
.Ltmp18:
0xd6: {  	p1 =	sgt.u32 @!p0 s14, $0x7A;
	[sflag:s15] =	ssyncset.done @!p0 $0x0;
	(pc) =	sbr.rel .LBB2_21-.Ltmp18, $4  }
0xd7: {  	p1 =	por p0, !p1;
	[sflag:s15] =	ssyncadd.s32 @!p0 $0xFFFFD800  }
0xd8: {  	[tilespmem:s10], [sflag:$0x8] =	stream.linear.gather @p1 [hbm4b:s16+s3], $0x50, $0x38;
	[tilespmem:$0x16C00] =	vst v63  }
0xd9: {  	_ = 	snop  }
0xda: {  	[spmem:s2] =	stream.indirect.scatter.add.f32 [tilespmem:s17], [sflag:$0xE], $0x80, s29, s22, $0xb8;
	[tilespmem:$0x16C00] =	vst v63  }
.LBB2_16:
0xdb: {  	_ =	swait.ge [sflag:s28], $0x50  }
0xdc: {  	p0 =	slt.u32 s14, $0x6;
	[sflag:s28] =	ssyncset.done $0x0  }
0xdd: {  	s15 =	simm.s32 @!p0 $0xE;
	[sflag:s28] =	ssyncadd.s32 $0xFFFFFFB0  }
0xde: {  	_ =	swait.ge @!p0 [sflag:s15], $0x2800  }
.Ltmp19:
0xdf: {  	p1 =	sgt.u32 @!p0 s14, $0x7A;
	[sflag:s15] =	ssyncset.done @!p0 $0x0;
	(pc) =	sbr.rel .LBB2_21-.Ltmp19, $4  }
0xe0: {  	p1 =	por p0, !p1;
	[sflag:s15] =	ssyncadd.s32 @!p0 $0xFFFFD800  }
0xe1: {  	[tilespmem:s29], [sflag:$0x6] =	stream.linear.gather @p1 [hbm4b:s16+s3], $0x50, $0x38;
	[tilespmem:$0x16C00] =	vst v63  }
0xe2: {  	_ = 	snop  }
0xe3: {  	[spmem:s2] =	stream.indirect.scatter.add.f32 [tilespmem:s17], [sflag:$0xC], $0x80, s24, s22, $0xb8;
	[tilespmem:$0x16C00] =	vst v63  }
.LBB2_23:
0xe4: {  	_ =	sfence.sel $0x180000  }
0xe5: {  	[bflag:$0x0] =	sbarrier.arrive $0xFFFF  }
0xe6: {  	_ =	strace $0x90000047  }
0xe7: {  	s0 =	stileid.u32;
	[bflag:$0x2] =	sbarrier.arrive $0xFFFF  }
0xe8: {  	p0 =	sne.s32 s0, $0x0;
	s0 =	rddreg [dreg:$0x2]  }
0xe9: {  	s0 =	sadd.s32 @!p0 $0x100000, s0  }
0xea: {  	[sflag:s0] =	ssyncadd.tile.s32 @!p0 $0x1;
	_ =	shalt  }
.Lfunc_end2:
_tile_overlayer_lowered:
.L_overlay_start_2:
0xeb: {  	(tag) =	ssettag $0x2  }
0xec: {  	s0 =	rddreg [dreg:$0x0];
	s2 =	stileid.u32  }
0xed: {  	s1 =	rddreg [dreg:$0x1];
	p0 =	sne.s32 s2, $0x0  }
0xee: {  	s3 =	rddreg [dreg:$0x2];
	[bflag:$0x3] =	sbarrier.arrive $0xFFFF;
	s2 =	simm.s32 @!p0 $0x1C11  }
0xef: {  	[timem:s3], [sflag:s2] =	dma.local @!p0 [hbm:s0], s1  }
0xf0: {  	s0 =	simm.s32 @!p0 $0x11  }
0xf1: {  	_ =	swait.ge @!p0 [sflag:s0], s1  }
0xf2: {  	s1 =	ssub.s32 @!p0 $0x0, s1;
	[sflag:s0] =	ssyncset.done @!p0 $0x0  }
0xf3: {  	[sflag:s0] =	ssyncadd.s32 @!p0 s1  }
0xf4: {  	[bflag:$0x3] =	sbarrier.arrive $0xFFFF  }
0xf5: {  	_ =	shalt  }

// kernel: kernel.9.cloned.1.call-start
scs
__scs_entry_jumppad:
0x0: {  	(pc) =	sbr.rel $0x88, $3  }
0x1: {  	(tag) =	ssettag $0x0;
	lr =	simm.s32 $0x1  }
0x2: {  	[smem:$0x3F9E] =	sst lr;
	_ =	strace $0xD0000000  }
0x3: {  	_ = 	snop  }
0x4: {  	_ = 	snop  }
0x5: {  	_ = 	snop  }
0x6: {  	_ = 	snop  }
0x7: {  	_ = 	snop  }
__scs_overlays_trampoline_lowered:
0x8: {  	[smem:$0x3FAD] =	sst s0  }
0x9: {  	[smem:$0x3FAE] =	sst s1  }
0xa: {  	[smem:$0x3FAF] =	sst s2  }
0xb: {  	[smem:$0x3FB0] =	sst s3  }
0xc: {  	[smem:$0x3FB1] =	sst s4  }
0xd: {  	[smem:$0x3FB2] =	sst s5  }
0xe: {  	[smem:$0x3FB3] =	sst s6  }
0xf: {  	[smem:$0x3FB4] =	sst s7  }
0x10: {  	[smem:$0x3FB5] =	sst s8  }
0x11: {  	[smem:$0x3FB6] =	sst s9;
	s0 =	simm.s32 @!p0 $0x0  }
0x12: {  	s1 =	sld [smem:$0x3F9C];
	s0 =	simm.s32 @p0 $0x1  }
0x13: {  	[smem:$0x3FB7] =	sst s0;
	s0 =	simm.s32 @!p1 $0x0  }
0x14: {  	s2 =	sld [smem:$0x3F9B];
	s0 =	simm.s32 @p1 $0x1  }
0x15: {  	[smem:$0x3FB8] =	sst s0;
	s0 =	simm.s32 @!p2 $0x0  }
0x16: {  	s3 =	sld [smem:$0x3FDB];
	s0 =	simm.s32 @p2 $0x1  }
0x17: {  	s4 =	simm.s32 $0x1BF5;
	[smem:$0x3FBA] =	sst s0  }
0x18: {  	s0 =	sld [smem:$0x3F9D];
	_ =	swait.ge [sflag:s4], $0x0  }
0x19: {  	s7 =	sld [smem:$0x3F9E]  }
0x1a: {  	s8 =	sadd.s32 $0xFFFFE003, lr  }
0x1b: {  	s9 =	sadd.s32 $0xFFFFFEF7, lr;
	s5 =	simm.s32 $0xFFFFFFFF;
	p2 =	slt.u32 s8, $0xFFFFF086  }
0x1c: {  	p1 =	slt.u32 s9, $0xF7A;
	s5 =	simm.s32 @!p2 $0x0  }
0x1d: {  	s5 =	simm.s32 @p1 $0x1;
	p0 =	seq.s32 s7, s2  }
0x1e: {  	s7 =	smul.u32 @!p0 $0xF7A, s2;
	p2 =	seq.s32 @!p0 s5, $0x0  }
0x1f: {  	s9 =	smul.u32 $0xF7A, s1;
	s8 =	simm.s32 @!p0 $0x1BF5;
	p2 =	por !p2, p0  }
0x20: {  	[sflag:s8] =	ssyncset.s32 @!p0 $0xFFFFF086;
	s6 =	sadd.s32 @!p0 s3, s7;
	s7 =	simm.s32 @!p0 $0x108  }
0x21: {  	s3 =	sadd.s32 s3, s9;
	s6 =	sadd.s32 @!p0 $0x88, s6;
	s7 =	simm.s32 @p2 $0x1082  }
0x22: {  	[simem:s7], [sflag:s8] =	dma.local @!p0 [hbm:s6], $0xF7A  }
0x23: {  	s9 =	sor.u32 $0xD0000000, s2;
	s6 =	simm.s32 $0x108;
	_ =	swait.ge @!p0 [sflag:s8], $0x0  }
0x24: {  	s3 =	sadd.s32 $0x88, s3;
	s6 =	simm.s32 @!p1 $0x1082;
	[sflag:s4] =	ssyncset.s32 $0xFFFFF086  }
0x25: {  	[simem:s6], [sflag:s4] =	dma.local [hbm:s3], $0xF7A  }
0x26: {  	[smem:$0x3F9E] =	sst s1;
	(tag) =	ssettag s2;
	_ =	strace s9  }
0x27: {  	s1 =	sld [smem:$0x3FAE]  }
0x28: {  	s2 =	sld [smem:$0x3FAF]  }
0x29: {  	s4 =	sld [smem:$0x3FB1]  }
0x2a: {  	p0 =	seq.s32 s5, $0x0;
	s5 =	sld [smem:$0x3FB2]  }
0x2b: {  	s6 =	sld [smem:$0x3FB3]  }
0x2c: {  	s7 =	sld [smem:$0x3FB4]  }
0x2d: {  	s3 =	simm.s32 $0x108;
	s8 =	sld [smem:$0x3FB5]  }
0x2e: {  	s3 =	simm.s32 @!p0 $0x1082;
	s9 =	sld [smem:$0x3FB6]  }
0x2f: {  	lr =	sadd.s32 s0, s3;
	s0 =	sld [smem:$0x3FAD]  }
0x30: {  	s3 =	sld [smem:$0x3FB0]  }
0x31: {  	[smem:$0x3FB9] =	sst s10  }
0x32: {  	s10 =	sld [smem:$0x3FB7];
	_ =	sdelay $0x3  }
0x33: {  	p0 =	seq.s32 s10, $0x1;
	s10 =	sld [smem:$0x3FB9];
	_ =	sdelay $0x3  }
0x34: {  	[smem:$0x3FB9] =	sst s10  }
0x35: {  	s10 =	sld [smem:$0x3FB8];
	_ =	sdelay $0x3  }
0x36: {  	p1 =	seq.s32 s10, $0x1;
	s10 =	sld [smem:$0x3FB9];
	_ =	sdelay $0x3  }
0x37: {  	[smem:$0x3FB9] =	sst s10  }
0x38: {  	s10 =	sld [smem:$0x3FBA]  }
0x39: {  	_ = 	snop;
	(pc) =	sbr.ind lr, $3  }
0x3a: {  	_ = 	snop  }
0x3b: {  	_ = 	snop  }
0x3c: {  	p2 =	seq.s32 s10, $0x1;
	s10 =	sld [smem:$0x3FB9]  }
0x3d: {  	_ =	shalt  }
0x3e: {  	_ =	shalt  }
0x3f: {  	_ =	shalt  }
0x40: {  	_ =	shalt  }
0x41: {  	_ =	shalt  }
0x42: {  	_ =	shalt  }
0x43: {  	_ =	shalt  }
0x44: {  	_ =	shalt  }
0x45: {  	_ =	shalt  }
0x46: {  	_ =	shalt  }
0x47: {  	_ =	shalt  }
0x48: {  	_ =	shalt  }
0x49: {  	_ =	shalt  }
0x4a: {  	_ =	shalt  }
0x4b: {  	_ =	shalt  }
0x4c: {  	_ =	shalt  }
0x4d: {  	_ =	shalt  }
0x4e: {  	_ =	shalt  }
0x4f: {  	_ =	shalt  }
0x50: {  	_ =	shalt  }
0x51: {  	_ =	shalt  }
0x52: {  	_ =	shalt  }
0x53: {  	_ =	shalt  }
0x54: {  	_ =	shalt  }
0x55: {  	_ =	shalt  }
0x56: {  	_ =	shalt  }
0x57: {  	_ =	shalt  }
0x58: {  	_ =	shalt  }
0x59: {  	_ =	shalt  }
0x5a: {  	_ =	shalt  }
0x5b: {  	_ =	shalt  }
0x5c: {  	_ =	shalt  }
0x5d: {  	_ =	shalt  }
0x5e: {  	_ =	shalt  }
0x5f: {  	_ =	shalt  }
0x60: {  	_ =	shalt  }
0x61: {  	_ =	shalt  }
0x62: {  	_ =	shalt  }
0x63: {  	_ =	shalt  }
0x64: {  	_ =	shalt  }
0x65: {  	_ =	shalt  }
0x66: {  	_ =	shalt  }
0x67: {  	_ =	shalt  }
0x68: {  	_ =	shalt  }
0x69: {  	_ =	shalt  }
0x6a: {  	_ =	shalt  }
0x6b: {  	_ =	shalt  }
0x6c: {  	_ =	shalt  }
0x6d: {  	_ =	shalt  }
0x6e: {  	_ =	shalt  }
0x6f: {  	_ =	shalt  }
0x70: {  	_ =	shalt  }
0x71: {  	_ =	shalt  }
0x72: {  	_ =	shalt  }
0x73: {  	_ =	shalt  }
0x74: {  	_ =	shalt  }
0x75: {  	_ =	shalt  }
0x76: {  	_ =	shalt  }
0x77: {  	_ =	shalt  }
0x78: {  	_ =	shalt  }
0x79: {  	_ =	shalt  }
0x7a: {  	_ =	shalt  }
0x7b: {  	_ =	shalt  }
0x7c: {  	_ =	shalt  }
0x7d: {  	_ =	shalt  }
0x7e: {  	_ =	shalt  }
0x7f: {  	_ =	shalt  }
0x80: {  	_ =	shalt  }
0x81: {  	_ =	shalt  }
0x82: {  	_ =	shalt  }
0x83: {  	_ =	shalt  }
0x84: {  	_ =	shalt  }
0x85: {  	_ =	shalt  }
0x86: {  	_ =	shalt  }
0x87: {  	_ =	shalt  }
.Lfunc_end0:
.L_simem_size_0:
called_computation.1_lowered:
.L_overlay_start_0:
0x88: {  	s2 =	sld [smem:$0x3FD9]  }
0x89: {  	s3 =	sld [smem:$0x3FFE];
	_ =	sdelay $0x1  }
0x8a: {  	s1 =	srdreg.scid  }
0x8b: {  	s0 =	sand.u32 $0x1, s1  }
0x8c: {  	s17 =	sshll.u32 s0, $0xA;
	s2 =	sadd.s32 s3, s2  }
0x8d: {  	s2 =	sadd.s32 s2, s17  }
0x8e: {  	[smem:$0x3FC5] =	sst s2  }
0x8f: {  	_ = 	snop  }
0x90: {  	s2 =	sld [smem:$0x3FD0];
	(tm) =	ssettm $0x1  }
0x91: {  	s18 =	sld [smem:$0x3FFB];
	_ =	sdelay $0x3  }
0x92: {  	_ =	strace s18  }
0x93: {  	s3 =	sld [smem:$0x3FFC];
	_ =	sdelay $0x3  }
0x94: {  	_ =	strace s3  }
0x95: {  	s3 =	sld [smem:$0x3FFD];
	_ =	sdelay $0x3  }
0x96: {  	_ =	strace s3  }
0x97: {  	_ =	strace $0x8FFFFFFF  }
0x98: {  	s19 =	sld [smem:$0x3FDB];
	_ =	sdelay $0x1  }
0x99: {  	s4 =	simm.s32 $_scs_section_size  }
0x9a: {  	s5 =	simm.s32 $_size__tile_overlayer_lowered;
	s6 =	simm.s32 $_tile_overlayer_lowered  }
0x9b: {  	s22 =	simm.s32 $0x1BFF;
	s21 =	sshll.u32 s6, $0x1;
	s3 =	sadd.s32 s4, s19  }
0x9c: {  	s7 =	simm.s32 $0x0;
	s20 =	sshll.u32 s5, $0x1;
	s5 =	sadd.s32 s21, s3  }
0x9d: {  	[timem:s7], [sflag:s22] =	dma.local [hbm:s5], s20  }
0x9e: {  	_ =	swait.ge [sflag:s22], s20  }
0x9f: {  	s4 =	ssub.s32 $0x0, s20;
	[sflag:s22] =	ssyncset.done $0x0  }
0xa0: {  	[sflag:s22] =	ssyncadd.s32 s4;
	_ =	sdelay $0x1  }
0xa1: {  	s23 =	simm.s32 $0x1B8B  }
0xa2: {  	_ =	swait.ge [sflag:s23], $0x1  }
0xa3: {  	[sflag:s23] =	ssyncset.done $0x0  }
0xa4: {  	s25 =	simm.s32 $0x1B8E;
	s24 =	sld [smem:$0x3FFE];
	[sflag:s23] =	ssyncadd.s32 $0xFFFFFFFF  }
0xa5: {  	s26 =	simm.s32 $execute0_lowered;
	[smem:$0x3FD2] =	sst s25  }
0xa6: {  	s5 =	sshll.u32 s26, $0x1;
	_ =	strace $0x80000049;
	[dreg:$0x1] =	wrdreg $0xFFFFFFFF  }
0xa7: {  	s28 =	simm.s32 $_size_execute0_lowered;
	s3 =	sadd.s32 s3, s5;
	[dreg:$0x0] =	wrdreg $0x0  }
0xa8: {  	s5 =	sshll.u32 s28, $0x1;
	[dreg:$0x2] =	wrdreg s3  }
0xa9: {  	[dreg:$0x3] =	wrdreg s5  }
0xaa: {  	[dreg:$0x4] =	wrdreg $0xC0  }
0xab: {  	_ =	task [dreg:s7], $0x5FFFF  }
0xac: {  	[dreg:$0x1] =	wrdreg $0xFFFFFFFF  }
0xad: {  	[dreg:$0x0] =	wrdreg $0x60  }
0xae: {  	[dreg:$0x2] =	wrdreg s2  }
0xaf: {  	[dreg:$0x3] =	wrdreg s24  }
0xb0: {  	[dreg:$0x4] =	wrdreg $0xA8000  }
0xb1: {  	[dreg:$0x5] =	wrdreg $0x9  }
0xb2: {  	_ =	task.clear_ibuf [dreg:s7], $0x6FFFF;
	_ =	strace $0x90000049  }
0xb3: {  	s29 =	simm.s32 $0x9;
	_ =	strace $0x8000004B  }
0xb4: {  	_ =	swait.ge [sflag:s29], $0x1  }
0xb5: {  	[sflag:s29] =	ssyncadd.s32 $0xFFFFFFFF  }
0xb6: {  	_ =	strace $0x9000004B  }
0xb7: {  	_ =	sfence  }
0xb8: {  	s30 =	sld [smem:$0x0];
	_ =	sdelay $0x2  }
0xb9: {  	s31 =	sshll.u32 s1, $0xD;
	s1 =	sshrl.u32 s1, $0x2  }
0xba: {  	s3 =	sand.u32 $0x4000, s31;
	s1 =	sadd.s32 s1, s30  }
0xbb: {  	s0 =	sor.u32 s3, s0;
	s1 =	sshll.u32 s1, $0x11  }
0xbc: {  	s0 =	sor.u32 s1, s0  }
0xbd: {  	s0 =	sadd.s32 $0x8F2B, s0  }
0xbe: {  	[sflag:s0] =	ssyncadd.remote.s32 $0x1  }
0xbf: {  	_ =	sfence.sel $0xFFFF  }
0xc0: {  	[dreg:$0x0] =	wrdreg $0xFFFFFFFF;
	(pc) =	sbr.abs _section_cstart, $3  }
0xc1: {  	[dreg:$0x1] =	wrdreg $0xFFFFFFFF  }
0xc2: {  	_ =	task.clear_ibuf [dreg:s7], $0x2FFFF;
	_ =	strace $0x9FFFFFFF  }
0xc3: {  	(tm) =	ssettm $0x7FFFFFFF  }
tec
execute0_lowered:
.L_overlay_start_1:
0x0: {  	(tag) =	ssettag $0x1  }
0x1: {  	s1 =	rddreg [dreg:$0x0]  }
0x2: {  	s0 =	rddreg [dreg:$0x1]  }
0x3: {  	s2 =	rddreg [dreg:$0x2]  }
0x4: {  	s3 =	srdreg.scid;
	s12 =	stileid.u32  }
0x5: {  	s3 =	sand.u32 $0x1, s3;
	s6 =	smul.u32 $0x14000, s12;
	s7 =	sshll.u32 s12, $0x1  }
0x6: {  	s4 =	simm.s32 $0x0;
	s5 =	smul.u32 $0x140000, s3;
	s20 =	sor.u32 s3, s7  }
0x7: {  	[smem:$0x7FF] =	sst s4;
	s8 =	sadd.s32 $0x1000, s0;
	s9 =	smul.u32 $0x28, s20  }
0x8: {  	s21 =	sadd.s32 $0xAE00, s0;
	s5 =	sadd.s32 s6, s5;
	s6 =	smul.u32 $0x5, s20  }
0x9: {  	s11 =	smul.u32 $0x50000, s12;
	_ =	strace $0x8000004A;
	s22 =	ssub.s32 $0x2, s3  }
0xa: {  	s10 =	sshrl.u32 s22, $0x1;
	s9 =	sshrl.u32 s9, $0x3;
	s23 =	sadd.s32 s8, s6  }
0xb: {  	s9 =	sadd.s32 $0xA0, s9;
	s6 =	sadd.s32 s21, s6;
	[dreg:$0x4] =	wrdreg s23  }
0xc: {  	s5 =	sshrl.u32 s5, $0x3;
	[dreg:$0x5] =	wrdreg s6;
	s24 =	sadd.s32 s8, s9  }
0xd: {  	s0 =	sadd.s32 s5, s0;
	s9 =	sadd.s32 s21, s9;
	[dreg:$0x6] =	wrdreg s24  }
0xe: {  	s5 =	ssub.s32 s22, s10;
	s0 =	sadd.s32 $0x14C00, s0;
	[dreg:$0x7] =	wrdreg s9  }
0xf: {  	s25 =	sshrl.u32 s11, $0x2;
	s26 =	smax.u32 s5, $0x1;
	[dreg:$0x8] =	wrdreg s0  }
0x10: {  	s6 =	sadd.s32 s25, s2;
	[dreg:$0xa] =	wrdreg s26  }
0x11: {  	s5 =	sadd.s32 $0x1400, s6;
	[dreg:$0x9] =	wrdreg s6  }
0x12: {  	s30 =	simm.s32 $0x800;
	s9 =	sadd.s32 $0x2800, s6;
	[dreg:$0xb] =	wrdreg s5  }
0x13: {  	s31 =	simm.s32 $0x19;
	s10 =	sadd.s32 $0x3C00, s6;
	[dreg:$0xc] =	wrdreg s9  }
0x14: {  	s28 =	simm.s32 $0x10;
	s11 =	sadd.s32 $0x5000, s6;
	[dreg:$0xd] =	wrdreg s10  }
0x15: {  	s29 =	simm.s32 $0xB;
	s13 =	sadd.s32 $0x6400, s6;
	[dreg:$0xe] =	wrdreg s11  }
0x16: {  	s16 =	smul.u32 $0xA, s12;
	s14 =	sadd.s32 $0x7800, s6;
	[dreg:$0xf] =	wrdreg s13  }
0x17: {  	s12 =	simm.s32 $0x9;
	s15 =	sadd.s32 $0x8C00, s6;
	[dreg:$0x10] =	wrdreg s14  }
0x18: {  	s3 =	smul.u32 $0x5, s3;
	s17 =	sadd.s32 $0xA000, s6;
	[dreg:$0x11] =	wrdreg s15  }
0x19: {  	s7 =	simm.s32 $0x200;
	s18 =	sadd.s32 $0xB400, s6;
	[dreg:$0x12] =	wrdreg s17  }
0x1a: {  	s20 =	sadd.s32 s16, s8;
	s19 =	sadd.s32 $0xC800, s6;
	[dreg:$0x13] =	wrdreg s18  }
0x1b: {  	s0 =	sadd.s32 s16, s21;
	s21 =	sadd.s32 $0xDC00, s6;
	[dreg:$0x14] =	wrdreg s19  }
0x1c: {  	s8 =	simm.s32 $0x180;
	s22 =	sadd.s32 $0xF000, s6;
	[dreg:$0x15] =	wrdreg s21  }
0x1d: {  	s24 =	sadd.s32 $0x10400, s6;
	s25 =	sadd.s32 $0x11800, s6;
	[dreg:$0x16] =	wrdreg s22  }
0x1e: {  	s26 =	sadd.s32 $0x12C00, s6;
	s6 =	simm.s32 $0x1;
	[dreg:$0x19] =	wrdreg s24  }
0x1f: {  	s16 =	simm.s32 $0xA;
	s5 =	sadd.s32 s3, s20;
	[dreg:$0x1a] =	wrdreg s25  }
0x20: {  	s0 =	sadd.s32 s3, s0;
	[dreg:$0x1b] =	wrdreg s26;
	s9 =	simm.s32 $0x28  }
0x21: {  	s11 =	simm.s32 $0xE;
	s14 =	simm.s32 $0x2;
	s18 =	simm.s32 $0xF  }
.Ltmp0:
0x22: {  	s21 =	simm.s32 $0x3;
	s24 =	simm.s32 $0x9400;
	(pc) =	sbr.rel .LBB2_1-.Ltmp0, $4  }
0x23: {  	s25 =	simm.s32 $0x4;
	s19 =	simm.s32 $0x5;
	s15 =	simm.s32 $0x6  }
0x24: {  	s10 =	simm.s32 $0x7;
	s22 =	simm.s32 $0x8;
	s23 =	sadd.s32 $0x140, s5  }
0x25: {  	s3 =	simm.s32 $0x0;
	s0 =	sadd.s32 $0x140, s0;
	[dreg:$0x17] =	wrdreg s23  }
0x26: {  	v0 =	vimm.f32 $0.0e+00;
	[dreg:$0x18] =	wrdreg s0;
	s23 =	simm.s32 $0xC;
	s0 =	simm.s32 $0xD  }
.LBB2_44:
0x27: {  	_ =	swait.ge [sflag:s28], $0x1400  }
0x28: {  	[sflag:s28] =	ssyncset.done $0x0  }
0x29: {  	s5 =	simm.s32 $0x780;
	[sflag:s28] =	ssyncadd.s32 $0xFFFFEC00  }
0x2a: {  	[spmem:s2] =	stream.indirect.scatter.add.f32 [tilespmem:s24], [sflag:$0x18], $0x80, s5, s9, $0xb8;
	[tilespmem:$0x1E800] =	vst v63  }
0x2b: {  	_ =	swait.ge [sflag:s12], $0x1400  }
0x2c: {  	[sflag:s12] =	ssyncset.done $0x0  }
0x2d: {  	s17 =	simm.s32 $0x400;
	[sflag:s12] =	ssyncadd.s32 $0xFFFFEC00  }
0x2e: {  	[spmem:s2] =	stream.indirect.scatter.add.f32 [tilespmem:s30], [sflag:$0x11], $0x80, s17, s9, $0xb8;
	[tilespmem:$0x1E800] =	vst v63  }
0x2f: {  	_ =	swait.ge [sflag:s16], $0x1400  }
0x30: {  	s20 =	simm.s32 $0x480;
	[sflag:s16] =	ssyncset.done $0x0  }
0x31: {  	s13 =	simm.s32 $0x1C00;
	s26 =	simm.s32 $0x15;
	[sflag:s16] =	ssyncadd.s32 $0xFFFFEC00  }
0x32: {  	[spmem:s2] =	stream.indirect.scatter.add.f32 [tilespmem:s13], [sflag:$0x12], $0x80, s20, s9, $0xb8;
	[tilespmem:$0x1E800] =	vst v63  }
0x33: {  	_ =	swait.ge [sflag:s26], $0x1400  }
0x34: {  	[sflag:s26] =	ssyncset.done $0x0  }
0x35: {  	s13 =	simm.s32 $0x16;
	[sflag:s26] =	ssyncadd.s32 $0xFFFFEC00  }
0x36: {  	_ =	swait.ge [sflag:s13], $0x1400  }
0x37: {  	[sflag:s13] =	ssyncset.done $0x0  }
0x38: {  	s17 =	simm.s32 $0x17;
	[sflag:s13] =	ssyncadd.s32 $0xFFFFEC00  }
0x39: {  	_ =	swait.ge [sflag:s17], $0x1400  }
0x3a: {  	[sflag:s17] =	ssyncset.done $0x0  }
0x3b: {  	s20 =	simm.s32 $0x18;
	[sflag:s17] =	ssyncadd.s32 $0xFFFFEC00  }
0x3c: {  	_ =	swait.ge [sflag:s20], $0x1400  }
0x3d: {  	[sflag:s20] =	ssyncset.done $0x0  }
0x3e: {  	s26 =	simm.s32 $0x11;
	[sflag:s20] =	ssyncadd.s32 $0xFFFFEC00  }
0x3f: {  	_ =	swait.ge [sflag:s26], $0x1400  }
0x40: {  	[sflag:s26] =	ssyncset.done $0x0  }
0x41: {  	s13 =	simm.s32 $0x12;
	[sflag:s26] =	ssyncadd.s32 $0xFFFFEC00  }
0x42: {  	_ =	swait.ge [sflag:s13], $0x1400  }
0x43: {  	[sflag:s13] =	ssyncset.done $0x0  }
0x44: {  	[sflag:s13] =	ssyncadd.s32 $0xFFFFEC00  }
0x45: {  	s17 =	stileid.u32;
	[bflag:$0x0] =	sbarrier.arrive $0xFFFF  }
0x46: {  	s5 =	sshll.u32 s17, $0x6;
	s20 =	rddreg [dreg:$0x9]  }
0x47: {  	s5 =	sor.u32 $0x1C19, s5;
	s13 =	sshrl.u32 s20, $0x3;
	s20 =	rddreg [dreg:$0x8]  }
0x48: {  	[hbm:s20], [sflag:s5] =	dma.local [spmem:s13], $0x2800  }
0x49: {  	_ =	swait.ge [sflag:s31], $0x2800  }
0x4a: {  	s3 =	sadd.s32 $0x1, s3;
	s26 =	rddreg [dreg:$0xa]  }
0x4b: {  	p0 =	sne.s32 s3, s26  }
.Ltmp1:
0x4c: {  	_ = 	snop;
	(pc) =	sbr.rel @!p0 .LBB2_45-.Ltmp1, $3  }
0x4d: {  	_ =	sdelay $0x1  }
0x4e: {  	[sflag:s31] =	ssyncset.done $0x0  }
0x4f: {  	[sflag:s31] =	ssyncadd.s32 $0xFFFFD800  }
.LBB2_1:
0x50: {  	s5 =	simm.s32 $0x0;
	s13 =	simm.s32 $0x200  }
.LBB2_2:
0x51: {  	p0 =	sne.s32 s13, $0x4E00;
	[tilespmem:s5+$0x870] =	vst v0  }
0x52: {  	[tilespmem:s5+$0x800] =	vst v0  }
0x53: {  	[tilespmem:s5+$0x810] =	vst v0  }
.Ltmp2:
0x54: {  	[tilespmem:s5+$0x820] =	vst v0;
	(pc) =	sbr.rel @p0 .LBB2_2-.Ltmp2, $4  }
0x55: {  	[tilespmem:s5+$0x830] =	vst v0  }
0x56: {  	[tilespmem:s5+$0x840] =	vst v0  }
0x57: {  	[tilespmem:s5+$0x850] =	vst v0  }
0x58: {  	[tilespmem:s5+$0x860] =	vst v0;
	s5 =	sshra.s32 s13, $0x2;
	s13 =	sadd.s32 $0x200, s13  }
0x59: {  	[tilespmem:s5+$0x870] =	vst v0  }
0x5a: {  	[tilespmem:s5+$0x800] =	vst v0  }
0x5b: {  	[tilespmem:s5+$0x810] =	vst v0  }
0x5c: {  	[tilespmem:s5+$0x820] =	vst v0  }
0x5d: {  	[tilespmem:s5+$0x830] =	vst v0  }
0x5e: {  	[tilespmem:s5+$0x840] =	vst v0  }
0x5f: {  	[tilespmem:s5+$0x850] =	vst v0  }
0x60: {  	[tilespmem:s5+$0x860] =	vst v0;
	s17 =	rddreg [dreg:$0x9]  }
0x61: {  	[spmem:s17] =	stream.linear.scatter [tilespmem:s30], [sflag:$0x19], $0x1400, $0x38;
	[tilespmem:$0x1E800] =	vst v63  }
0x62: {  	_ =	swait.ge [sflag:s31], $0x1400  }
0x63: {  	[sflag:s31] =	ssyncset.done $0x0  }
0x64: {  	s20 =	rddreg [dreg:$0xb];
	[sflag:s31] =	ssyncadd.s32 $0xFFFFEC00  }
0x65: {  	[spmem:s20] =	stream.linear.scatter [tilespmem:s30], [sflag:$0x19], $0x1400, $0x38;
	[tilespmem:$0x1E800] =	vst v63  }
0x66: {  	_ =	swait.ge [sflag:s31], $0x1400  }
0x67: {  	[sflag:s31] =	ssyncset.done $0x0  }
0x68: {  	s26 =	rddreg [dreg:$0xc];
	[sflag:s31] =	ssyncadd.s32 $0xFFFFEC00  }
0x69: {  	[spmem:s26] =	stream.linear.scatter [tilespmem:s30], [sflag:$0x19], $0x1400, $0x38;
	[tilespmem:$0x1E800] =	vst v63  }
0x6a: {  	_ =	swait.ge [sflag:s31], $0x1400  }
0x6b: {  	[sflag:s31] =	ssyncset.done $0x0  }
0x6c: {  	s13 =	rddreg [dreg:$0xd];
	[sflag:s31] =	ssyncadd.s32 $0xFFFFEC00  }
0x6d: {  	[spmem:s13] =	stream.linear.scatter [tilespmem:s30], [sflag:$0x19], $0x1400, $0x38;
	[tilespmem:$0x1E800] =	vst v63  }
0x6e: {  	_ =	swait.ge [sflag:s31], $0x1400  }
0x6f: {  	[sflag:s31] =	ssyncset.done $0x0  }
0x70: {  	s17 =	rddreg [dreg:$0xe];
	[sflag:s31] =	ssyncadd.s32 $0xFFFFEC00  }
0x71: {  	[spmem:s17] =	stream.linear.scatter [tilespmem:s30], [sflag:$0x19], $0x1400, $0x38;
	[tilespmem:$0x1E800] =	vst v63  }
0x72: {  	_ =	swait.ge [sflag:s31], $0x1400  }
0x73: {  	[sflag:s31] =	ssyncset.done $0x0  }
0x74: {  	s20 =	rddreg [dreg:$0xf];
	[sflag:s31] =	ssyncadd.s32 $0xFFFFEC00  }
0x75: {  	[spmem:s20] =	stream.linear.scatter [tilespmem:s30], [sflag:$0x19], $0x1400, $0x38;
	[tilespmem:$0x1E800] =	vst v63  }
0x76: {  	_ =	swait.ge [sflag:s31], $0x1400  }
0x77: {  	[sflag:s31] =	ssyncset.done $0x0  }
0x78: {  	s26 =	rddreg [dreg:$0x10];
	[sflag:s31] =	ssyncadd.s32 $0xFFFFEC00  }
0x79: {  	[spmem:s26] =	stream.linear.scatter [tilespmem:s30], [sflag:$0x19], $0x1400, $0x38;
	[tilespmem:$0x1E800] =	vst v63  }
0x7a: {  	_ =	swait.ge [sflag:s31], $0x1400  }
0x7b: {  	[sflag:s31] =	ssyncset.done $0x0  }
0x7c: {  	s13 =	rddreg [dreg:$0x11];
	[sflag:s31] =	ssyncadd.s32 $0xFFFFEC00  }
0x7d: {  	[spmem:s13] =	stream.linear.scatter [tilespmem:s30], [sflag:$0x19], $0x1400, $0x38;
	[tilespmem:$0x1E800] =	vst v63  }
0x7e: {  	_ =	swait.ge [sflag:s31], $0x1400  }
0x7f: {  	[sflag:s31] =	ssyncset.done $0x0  }
0x80: {  	s17 =	rddreg [dreg:$0x12];
	[sflag:s31] =	ssyncadd.s32 $0xFFFFEC00  }
0x81: {  	[spmem:s17] =	stream.linear.scatter [tilespmem:s30], [sflag:$0x19], $0x1400, $0x38;
	[tilespmem:$0x1E800] =	vst v63  }
0x82: {  	_ =	swait.ge [sflag:s31], $0x1400  }
0x83: {  	[sflag:s31] =	ssyncset.done $0x0  }
0x84: {  	s20 =	rddreg [dreg:$0x13];
	[sflag:s31] =	ssyncadd.s32 $0xFFFFEC00  }
0x85: {  	[spmem:s20] =	stream.linear.scatter [tilespmem:s30], [sflag:$0x19], $0x1400, $0x38;
	[tilespmem:$0x1E800] =	vst v63  }
0x86: {  	_ =	swait.ge [sflag:s31], $0x1400  }
0x87: {  	[sflag:s31] =	ssyncset.done $0x0  }
0x88: {  	s26 =	rddreg [dreg:$0x14];
	[sflag:s31] =	ssyncadd.s32 $0xFFFFEC00  }
0x89: {  	[spmem:s26] =	stream.linear.scatter [tilespmem:s30], [sflag:$0x19], $0x1400, $0x38;
	[tilespmem:$0x1E800] =	vst v63  }
0x8a: {  	_ =	swait.ge [sflag:s31], $0x1400  }
0x8b: {  	[sflag:s31] =	ssyncset.done $0x0  }
0x8c: {  	s13 =	rddreg [dreg:$0x15];
	[sflag:s31] =	ssyncadd.s32 $0xFFFFEC00  }
0x8d: {  	[spmem:s13] =	stream.linear.scatter [tilespmem:s30], [sflag:$0x19], $0x1400, $0x38;
	[tilespmem:$0x1E800] =	vst v63  }
0x8e: {  	_ =	swait.ge [sflag:s31], $0x1400  }
0x8f: {  	[sflag:s31] =	ssyncset.done $0x0  }
0x90: {  	s17 =	rddreg [dreg:$0x16];
	[sflag:s31] =	ssyncadd.s32 $0xFFFFEC00  }
0x91: {  	[spmem:s17] =	stream.linear.scatter [tilespmem:s30], [sflag:$0x19], $0x1400, $0x38;
	[tilespmem:$0x1E800] =	vst v63  }
0x92: {  	_ =	swait.ge [sflag:s31], $0x1400  }
0x93: {  	[sflag:s31] =	ssyncset.done $0x0  }
0x94: {  	s20 =	rddreg [dreg:$0x19];
	[sflag:s31] =	ssyncadd.s32 $0xFFFFEC00  }
0x95: {  	[spmem:s20] =	stream.linear.scatter [tilespmem:s30], [sflag:$0x19], $0x1400, $0x38;
	[tilespmem:$0x1E800] =	vst v63  }
0x96: {  	_ =	swait.ge [sflag:s31], $0x1400  }
0x97: {  	[sflag:s31] =	ssyncset.done $0x0  }
0x98: {  	s26 =	rddreg [dreg:$0x1a];
	[sflag:s31] =	ssyncadd.s32 $0xFFFFEC00  }
0x99: {  	[spmem:s26] =	stream.linear.scatter [tilespmem:s30], [sflag:$0x19], $0x1400, $0x38;
	[tilespmem:$0x1E800] =	vst v63  }
0x9a: {  	_ =	swait.ge [sflag:s31], $0x1400  }
0x9b: {  	[sflag:s31] =	ssyncset.done $0x0  }
0x9c: {  	s13 =	rddreg [dreg:$0x1b];
	[sflag:s31] =	ssyncadd.s32 $0xFFFFEC00  }
0x9d: {  	[spmem:s13] =	stream.linear.scatter [tilespmem:s30], [sflag:$0x19], $0x1400, $0x38;
	[tilespmem:$0x1E800] =	vst v63  }
0x9e: {  	_ =	swait.ge [sflag:s31], $0x1400  }
0x9f: {  	[sflag:s31] =	ssyncset.done $0x0  }
0xa0: {  	[sflag:s31] =	ssyncadd.s32 $0xFFFFEC00  }
0xa1: {  	[bflag:$0x0] =	sbarrier.arrive $0xFFFF  }
0xa2: {  	s13 =	rddreg [dreg:$0x4]  }
0xa3: {  	s5 =	simm.s32 $0x0;
	s17 =	rddreg [dreg:$0x5]  }
0xa4: {  	[tilespmem:s5], [sflag:$0x1] =	stream.linear.gather [hbm4b:s13+s5], $0x28, $0x38;
	[tilespmem:$0x1E800] =	vst v63  }
0xa5: {  	s20 =	simm.s32 $0x400;
	s26 =	rddreg [dreg:$0x6]  }
0xa6: {  	[tilespmem:s20], [sflag:$0x1] =	stream.linear.gather [hbm4b:s17+s5], $0x28, $0x38;
	[tilespmem:$0x1E800] =	vst v63  }
.Ltmp3:
0xa7: {  	s13 =	rddreg [dreg:$0x18];
	s17 =	simm.s32 $0x80;
	(pc) =	sbr.rel .LBB2_4-.Ltmp3, $4  }
0xa8: {  	[tilespmem:s17], [sflag:$0x2] =	stream.linear.gather [hbm4b:s26+s5], $0x28, $0x38;
	[tilespmem:$0x1E800] =	vst v63  }
0xa9: {  	s20 =	rddreg [dreg:$0x7];
	s26 =	simm.s32 $0x480  }
0xaa: {  	[tilespmem:s26], [sflag:$0x2] =	stream.linear.gather [hbm4b:s20+s5], $0x28, $0x38;
	[tilespmem:$0x1E800] =	vst v63  }
0xab: {  	s20 =	rddreg [dreg:$0x17]  }
.LBB2_40:
0xac: {  	s17 =	simm.s32 $0x380  }
0xad: {  	[tilespmem:s24], [sflag:$0x10] =	stream.indirect.gather [hbm4b:s1+s9], $0x80, s17, s9, $0xb8;
	[tilespmem:$0x1E800] =	vst v63  }
.LBB2_42:
0xae: {  	_ =	swait.ge [sflag:s0], $0x1400  }
0xaf: {  	[sflag:s0] =	ssyncset.done $0x0  }
0xb0: {  	s26 =	simm.s32 $0x600;
	s17 =	simm.s32 $0x5800;
	[sflag:s0] =	ssyncadd.s32 $0xFFFFEC00  }
0xb1: {  	[spmem:s2] =	stream.indirect.scatter.add.f32 [tilespmem:s17], [sflag:$0x15], $0x80, s26, s9, $0xb8;
	[tilespmem:$0x1E800] =	vst v63  }
.LBB2_43:
0xb2: {  	s5 =	sadd.s32 $0x1, s5  }
0xb3: {  	p0 =	sne.s32 s5, $0xFA  }
.Ltmp4:
0xb4: {  	_ = 	snop;
	(pc) =	sbr.rel @!p0 .LBB2_44-.Ltmp4, $2  }
0xb5: {  	_ =	sdelay $0x2  }
0xb6: {  	s20 =	sadd.s32 $0xA0, s20;
	s13 =	sadd.s32 $0xA0, s13  }
.LBB2_4:
0xb7: {  	s26 =	sand.u32 $0x7, s5  }
0xb8: {  	p0 =	sgt.s32 s26, $0x3  }
.Ltmp5:
0xb9: {  	_ = 	snop;
	(pc) =	sbr.rel @p0 .LBB2_9-.Ltmp5, $1  }
0xba: {  	_ =	sdelay $0x3  }
0xbb: {  	p0 =	sgt.s32 s26, $0x1  }
.Ltmp6:
0xbc: {  	_ = 	snop;
	(pc) =	sbr.rel @p0 .LBB2_23-.Ltmp6, $1  }
0xbd: {  	_ =	sdelay $0x3  }
0xbe: {  	p0 =	seq.s32 s26, $0x0  }
.Ltmp7:
0xbf: {  	_ = 	snop;
	(pc) =	sbr.rel @!p0 .LBB2_15-.Ltmp7, $1  }
0xc0: {  	_ =	sdelay $0x3  }
0xc1: {  	_ =	swait.ge [sflag:s6], $0x28  }
0xc2: {  	p0 =	slt.u32 s5, $0x6;
	[sflag:s6] =	ssyncset.done $0x0  }
0xc3: {  	p1 =	slt.u32 @!p0 s5, $0xF8;
	[sflag:s6] =	ssyncadd.s32 $0xFFFFFFD8  }
0xc4: {  	p1 =	por p0, p1;
	_ =	swait.ge [sflag:s6], $0x28  }
.Ltmp8:
0xc5: {  	[sflag:s6] =	ssyncset.done $0x0;
	(pc) =	sbr.rel @!p1 .LBB2_8-.Ltmp8, $4  }
0xc6: {  	s26 =	simm.s32 @!p0 $0x13;
	[sflag:s6] =	ssyncadd.s32 $0xFFFFFFD8  }
0xc7: {  	_ =	swait.ge @!p0 [sflag:s26], $0x1400  }
0xc8: {  	[sflag:s26] =	ssyncset.done @!p0 $0x0  }
0xc9: {  	[sflag:s26] =	ssyncadd.s32 @!p0 $0xFFFFEC00  }
0xca: {  	s26 =	simm.s32 $0x100;
	p0 =	slt.u32 s5, $0x3  }
0xcb: {  	[tilespmem:s26], [sflag:$0x3] =	stream.linear.gather [hbm4b:s20+s4], $0x28, $0x38;
	[tilespmem:$0x1E800] =	vst v63  }
.Ltmp9:
0xcc: {  	_ = 	snop;
	(pc) =	sbr.rel @p0 .LBB2_43-.Ltmp9, $4  }
.Ltmp10:
0xcd: {  	s17 =	simm.s32 $0x500;
	(pc) =	sbr.rel @!p0 .LBB2_14-.Ltmp10, $4  }
0xce: {  	[tilespmem:s17], [sflag:$0x3] =	stream.linear.gather [hbm4b:s13+s4], $0x28, $0x38;
	[tilespmem:$0x1E800] =	vst v63  }
0xcf: {  	_ = 	snop  }
0xd0: {  	[tilespmem:s30], [sflag:$0x9] =	stream.indirect.gather [hbm4b:s1+s9], $0x80, s4, s9, $0xb8;
	[tilespmem:$0x1E800] =	vst v63  }
0xd1: {  	_ = 	snop  }
.LBB2_9:
0xd2: {  	p0 =	sgt.s32 s26, $0x5  }
.Ltmp11:
0xd3: {  	_ = 	snop;
	(pc) =	sbr.rel @p0 .LBB2_38-.Ltmp11, $1  }
0xd4: {  	_ =	sdelay $0x3  }
0xd5: {  	p0 =	seq.s32 s26, $0x4  }
.Ltmp12:
0xd6: {  	_ = 	snop;
	(pc) =	sbr.rel @!p0 .LBB2_30-.Ltmp12, $1  }
0xd7: {  	_ =	sdelay $0x3  }
0xd8: {  	_ =	swait.ge [sflag:s19], $0x28  }
0xd9: {  	p0 =	slt.u32 s5, $0x6;
	[sflag:s19] =	ssyncset.done $0x0  }
0xda: {  	p1 =	slt.u32 @!p0 s5, $0xF8;
	[sflag:s19] =	ssyncadd.s32 $0xFFFFFFD8  }
0xdb: {  	p1 =	por p0, p1;
	_ =	swait.ge [sflag:s19], $0x28  }
.Ltmp13:
0xdc: {  	[sflag:s19] =	ssyncset.done $0x0;
	(pc) =	sbr.rel @!p1 .LBB2_12-.Ltmp13, $4  }
0xdd: {  	s26 =	simm.s32 @!p0 $0x17;
	[sflag:s19] =	ssyncadd.s32 $0xFFFFFFD8  }
0xde: {  	_ =	swait.ge @!p0 [sflag:s26], $0x1400  }
0xdf: {  	[sflag:s26] =	ssyncset.done @!p0 $0x0  }
0xe0: {  	[sflag:s26] =	ssyncadd.s32 @!p0 $0xFFFFEC00  }
0xe1: {  	s17 =	simm.s32 $0x300;
	p0 =	slt.u32 s5, $0x3  }
0xe2: {  	[tilespmem:s17], [sflag:$0x7] =	stream.linear.gather [hbm4b:s20+s4], $0x28, $0x38;
	[tilespmem:$0x1E800] =	vst v63  }
.Ltmp14:
0xe3: {  	_ = 	snop;
	(pc) =	sbr.rel @p0 .LBB2_43-.Ltmp14, $4  }
.Ltmp15:
0xe4: {  	s26 =	simm.s32 $0x700;
	(pc) =	sbr.rel @!p0 .LBB2_29-.Ltmp15, $4  }
0xe5: {  	[tilespmem:s26], [sflag:$0x7] =	stream.linear.gather [hbm4b:s13+s4], $0x28, $0x38;
	[tilespmem:$0x1E800] =	vst v63  }
0xe6: {  	s26 =	simm.s32 $0x5800  }
0xe7: {  	[tilespmem:s26], [sflag:$0xD] =	stream.indirect.gather [hbm4b:s1+s9], $0x80, s7, s9, $0xb8;
	[tilespmem:$0x1E800] =	vst v63  }
0xe8: {  	_ = 	snop  }
.LBB2_23:
0xe9: {  	p0 =	seq.s32 s26, $0x2  }
.Ltmp16:
0xea: {  	_ = 	snop;
	(pc) =	sbr.rel @!p0 .LBB2_24-.Ltmp16, $1  }
0xeb: {  	_ =	sdelay $0x3  }
0xec: {  	_ =	swait.ge [sflag:s21], $0x28  }
0xed: {  	p0 =	slt.u32 s5, $0x6;
	[sflag:s21] =	ssyncset.done $0x0  }
0xee: {  	p1 =	slt.u32 @!p0 s5, $0xF8;
	[sflag:s21] =	ssyncadd.s32 $0xFFFFFFD8  }
0xef: {  	p1 =	por p0, p1;
	_ =	swait.ge [sflag:s21], $0x28  }
.Ltmp17:
0xf0: {  	[sflag:s21] =	ssyncset.done $0x0;
	(pc) =	sbr.rel @!p1 .LBB2_20-.Ltmp17, $4  }
0xf1: {  	s26 =	simm.s32 @!p0 $0x15;
	[sflag:s21] =	ssyncadd.s32 $0xFFFFFFD8  }
0xf2: {  	_ =	swait.ge @!p0 [sflag:s26], $0x1400  }
0xf3: {  	[sflag:s26] =	ssyncset.done @!p0 $0x0  }
0xf4: {  	[sflag:s26] =	ssyncadd.s32 @!p0 $0xFFFFEC00  }
0xf5: {  	[tilespmem:s7], [sflag:$0x5] =	stream.linear.gather [hbm4b:s20+s4], $0x28, $0x38;
	[tilespmem:$0x1E800] =	vst v63  }
0xf6: {  	p0 =	slt.u32 s5, $0x3  }
.Ltmp18:
0xf7: {  	_ = 	snop;
	(pc) =	sbr.rel @p0 .LBB2_43-.Ltmp18, $4  }
.Ltmp19:
0xf8: {  	s26 =	simm.s32 $0x600;
	(pc) =	sbr.rel @!p0 .LBB2_22-.Ltmp19, $4  }
0xf9: {  	[tilespmem:s26], [sflag:$0x5] =	stream.linear.gather [hbm4b:s13+s4], $0x28, $0x38;
	[tilespmem:$0x1E800] =	vst v63  }
0xfa: {  	s17 =	simm.s32 $0x3000;
	s26 =	simm.s32 $0x100  }
0xfb: {  	[tilespmem:s17], [sflag:$0xB] =	stream.indirect.gather [hbm4b:s1+s9], $0x80, s26, s9, $0xb8;
	[tilespmem:$0x1E800] =	vst v63  }
0xfc: {  	_ = 	snop  }
.LBB2_38:
0xfd: {  	p2 =	seq.s32 s26, $0x6  }
.Ltmp20:
0xfe: {  	_ = 	snop;
	(pc) =	sbr.rel @!p2 .LBB2_39-.Ltmp20, $3  }
0xff: {  	_ =	sdelay $0x1  }
0x100: {  	p0 =	slt.u32 s5, $0x6  }
0x101: {  	p1 =	slt.u32 @!p0 s5, $0xF8  }
0x102: {  	_ =	swait.ge [sflag:s10], $0x28  }
0x103: {  	[sflag:s10] =	ssyncset.done $0x0  }
0x104: {  	[sflag:s10] =	ssyncadd.s32 $0xFFFFFFD8  }
0x105: {  	p1 =	por p0, p1;
	_ =	swait.ge [sflag:s10], $0x28  }
.Ltmp21:
0x106: {  	[sflag:s10] =	ssyncset.done $0x0;
	(pc) =	sbr.rel @!p1 .LBB2_35-.Ltmp21, $4  }
0x107: {  	s26 =	simm.s32 @!p0 $0x11;
	[sflag:s10] =	ssyncadd.s32 $0xFFFFFFD8  }
0x108: {  	_ =	swait.ge @!p0 [sflag:s26], $0x1400  }
0x109: {  	[sflag:s26] =	ssyncset.done @!p0 $0x0  }
0x10a: {  	[sflag:s26] =	ssyncadd.s32 @!p0 $0xFFFFEC00  }
0x10b: {  	[tilespmem:s4], [sflag:$0x1] =	stream.linear.gather [hbm4b:s20+s4], $0x28, $0x38;
	[tilespmem:$0x1E800] =	vst v63  }
0x10c: {  	p0 =	slt.u32 s5, $0x3  }
.Ltmp22:
0x10d: {  	_ = 	snop;
	(pc) =	sbr.rel @p0 .LBB2_43-.Ltmp22, $4  }
.Ltmp23:
0x10e: {  	s26 =	simm.s32 $0x400;
	(pc) =	sbr.rel @!p0 .LBB2_37-.Ltmp23, $4  }
0x10f: {  	[tilespmem:s26], [sflag:$0x1] =	stream.linear.gather [hbm4b:s13+s4], $0x28, $0x38;
	[tilespmem:$0x1E800] =	vst v63  }
0x110: {  	s17 =	simm.s32 $0x300;
	s26 =	simm.s32 $0x8000  }
0x111: {  	[tilespmem:s26], [sflag:$0xF] =	stream.indirect.gather [hbm4b:s1+s9], $0x80, s17, s9, $0xb8;
	[tilespmem:$0x1E800] =	vst v63  }
0x112: {  	_ = 	snop  }
.LBB2_15:
0x113: {  	_ =	swait.ge [sflag:s14], $0x28  }
0x114: {  	p0 =	slt.u32 s5, $0x6;
	[sflag:s14] =	ssyncset.done $0x0  }
0x115: {  	p1 =	slt.u32 @!p0 s5, $0xF8;
	[sflag:s14] =	ssyncadd.s32 $0xFFFFFFD8  }
0x116: {  	p1 =	por p0, p1;
	_ =	swait.ge [sflag:s14], $0x28  }
.Ltmp24:
0x117: {  	[sflag:s14] =	ssyncset.done $0x0;
	(pc) =	sbr.rel @!p1 .LBB2_16-.Ltmp24, $4  }
0x118: {  	s26 =	simm.s32 @!p0 $0x14;
	[sflag:s14] =	ssyncadd.s32 $0xFFFFFFD8  }
0x119: {  	_ =	swait.ge @!p0 [sflag:s26], $0x1400  }
0x11a: {  	[sflag:s26] =	ssyncset.done @!p0 $0x0  }
0x11b: {  	[sflag:s26] =	ssyncadd.s32 @!p0 $0xFFFFEC00  }
0x11c: {  	[tilespmem:s8], [sflag:$0x4] =	stream.linear.gather [hbm4b:s20+s4], $0x28, $0x38;
	[tilespmem:$0x1E800] =	vst v63  }
0x11d: {  	p0 =	slt.u32 s5, $0x3  }
.Ltmp25:
0x11e: {  	_ = 	snop;
	(pc) =	sbr.rel @p0 .LBB2_43-.Ltmp25, $4  }
.Ltmp26:
0x11f: {  	s26 =	simm.s32 $0x580;
	(pc) =	sbr.rel @!p0 .LBB2_18-.Ltmp26, $4  }
0x120: {  	[tilespmem:s26], [sflag:$0x4] =	stream.linear.gather [hbm4b:s13+s4], $0x28, $0x38;
	[tilespmem:$0x1E800] =	vst v63  }
0x121: {  	s17 =	simm.s32 $0x1C00;
	s26 =	simm.s32 $0x80  }
0x122: {  	[tilespmem:s17], [sflag:$0xA] =	stream.indirect.gather [hbm4b:s1+s9], $0x80, s26, s9, $0xb8;
	[tilespmem:$0x1E800] =	vst v63  }
0x123: {  	_ = 	snop  }
.LBB2_30:
0x124: {  	_ =	swait.ge [sflag:s15], $0x28  }
0x125: {  	p0 =	slt.u32 s5, $0x6;
	[sflag:s15] =	ssyncset.done $0x0  }
0x126: {  	p1 =	slt.u32 @!p0 s5, $0xF8;
	[sflag:s15] =	ssyncadd.s32 $0xFFFFFFD8  }
0x127: {  	p1 =	por p0, p1;
	_ =	swait.ge [sflag:s15], $0x28  }
.Ltmp27:
0x128: {  	[sflag:s15] =	ssyncset.done $0x0;
	(pc) =	sbr.rel @!p1 .LBB2_31-.Ltmp27, $4  }
0x129: {  	s26 =	simm.s32 @!p0 $0x18;
	[sflag:s15] =	ssyncadd.s32 $0xFFFFFFD8  }
0x12a: {  	_ =	swait.ge @!p0 [sflag:s26], $0x1400  }
0x12b: {  	[sflag:s26] =	ssyncset.done @!p0 $0x0  }
0x12c: {  	[sflag:s26] =	ssyncadd.s32 @!p0 $0xFFFFEC00  }
0x12d: {  	s17 =	simm.s32 $0x380;
	p0 =	slt.u32 s5, $0x3  }
0x12e: {  	[tilespmem:s17], [sflag:$0x8] =	stream.linear.gather [hbm4b:s20+s4], $0x28, $0x38;
	[tilespmem:$0x1E800] =	vst v63  }
.Ltmp28:
0x12f: {  	_ = 	snop;
	(pc) =	sbr.rel @p0 .LBB2_43-.Ltmp28, $4  }
.Ltmp29:
0x130: {  	s26 =	simm.s32 $0x780;
	(pc) =	sbr.rel @!p0 .LBB2_33-.Ltmp29, $4  }
0x131: {  	[tilespmem:s26], [sflag:$0x8] =	stream.linear.gather [hbm4b:s13+s4], $0x28, $0x38;
	[tilespmem:$0x1E800] =	vst v63  }
0x132: {  	s17 =	simm.s32 $0x280;
	s26 =	simm.s32 $0x6C00  }
0x133: {  	[tilespmem:s26], [sflag:$0xE] =	stream.indirect.gather [hbm4b:s1+s9], $0x80, s17, s9, $0xb8;
	[tilespmem:$0x1E800] =	vst v63  }
0x134: {  	_ = 	snop  }
.LBB2_24:
0x135: {  	_ =	swait.ge [sflag:s25], $0x28  }
0x136: {  	p0 =	slt.u32 s5, $0x6;
	[sflag:s25] =	ssyncset.done $0x0  }
0x137: {  	p1 =	slt.u32 @!p0 s5, $0xF8;
	[sflag:s25] =	ssyncadd.s32 $0xFFFFFFD8  }
0x138: {  	p1 =	por p0, p1;
	_ =	swait.ge [sflag:s25], $0x28  }
.Ltmp30:
0x139: {  	[sflag:s25] =	ssyncset.done $0x0;
	(pc) =	sbr.rel @!p1 .LBB2_25-.Ltmp30, $4  }
0x13a: {  	s26 =	simm.s32 @!p0 $0x16;
	[sflag:s25] =	ssyncadd.s32 $0xFFFFFFD8  }
0x13b: {  	_ =	swait.ge @!p0 [sflag:s26], $0x1400  }
0x13c: {  	[sflag:s26] =	ssyncset.done @!p0 $0x0  }
0x13d: {  	[sflag:s26] =	ssyncadd.s32 @!p0 $0xFFFFEC00  }
0x13e: {  	s17 =	simm.s32 $0x280;
	p0 =	slt.u32 s5, $0x3  }
0x13f: {  	[tilespmem:s17], [sflag:$0x6] =	stream.linear.gather [hbm4b:s20+s4], $0x28, $0x38;
	[tilespmem:$0x1E800] =	vst v63  }
.Ltmp31:
0x140: {  	_ = 	snop;
	(pc) =	sbr.rel @p0 .LBB2_43-.Ltmp31, $4  }
.Ltmp32:
0x141: {  	s26 =	simm.s32 $0x680;
	(pc) =	sbr.rel @!p0 .LBB2_27-.Ltmp32, $4  }
0x142: {  	[tilespmem:s26], [sflag:$0x6] =	stream.linear.gather [hbm4b:s13+s4], $0x28, $0x38;
	[tilespmem:$0x1E800] =	vst v63  }
0x143: {  	s26 =	simm.s32 $0x4400  }
0x144: {  	[tilespmem:s26], [sflag:$0xC] =	stream.indirect.gather [hbm4b:s1+s9], $0x80, s8, s9, $0xb8;
	[tilespmem:$0x1E800] =	vst v63  }
0x145: {  	_ = 	snop  }
.LBB2_39:
0x146: {  	_ =	swait.ge [sflag:s22], $0x28  }
0x147: {  	[sflag:s22] =	ssyncset.done $0x0  }
0x148: {  	[sflag:s22] =	ssyncadd.s32 $0xFFFFFFD8  }
0x149: {  	p1 =	por p0, p1;
	_ =	swait.ge [sflag:s22], $0x28  }
.Ltmp33:
0x14a: {  	[sflag:s22] =	ssyncset.done $0x0;
	(pc) =	sbr.rel @!p1 .LBB2_40-.Ltmp33, $4  }
0x14b: {  	s26 =	simm.s32 @!p0 $0x12;
	[sflag:s22] =	ssyncadd.s32 $0xFFFFFFD8  }
0x14c: {  	_ =	swait.ge @!p0 [sflag:s26], $0x1400  }
0x14d: {  	[sflag:s26] =	ssyncset.done @!p0 $0x0  }
0x14e: {  	[sflag:s26] =	ssyncadd.s32 @!p0 $0xFFFFEC00  }
0x14f: {  	s26 =	simm.s32 $0x80;
	p0 =	slt.u32 s5, $0x3  }
0x150: {  	[tilespmem:s26], [sflag:$0x2] =	stream.linear.gather [hbm4b:s20+s4], $0x28, $0x38;
	[tilespmem:$0x1E800] =	vst v63  }
.Ltmp34:
0x151: {  	_ = 	snop;
	(pc) =	sbr.rel @p0 .LBB2_43-.Ltmp34, $4  }
.Ltmp35:
0x152: {  	s17 =	simm.s32 $0x480;
	(pc) =	sbr.rel @!p0 .LBB2_42-.Ltmp35, $4  }
0x153: {  	[tilespmem:s17], [sflag:$0x2] =	stream.linear.gather [hbm4b:s13+s4], $0x28, $0x38;
	[tilespmem:$0x1E800] =	vst v63  }
0x154: {  	s17 =	simm.s32 $0x380  }
0x155: {  	[tilespmem:s24], [sflag:$0x10] =	stream.indirect.gather [hbm4b:s1+s9], $0x80, s17, s9, $0xb8;
	[tilespmem:$0x1E800] =	vst v63  }
0x156: {  	_ = 	snop  }
.LBB2_8:
0x157: {  	[tilespmem:s30], [sflag:$0x9] =	stream.indirect.gather [hbm4b:s1+s9], $0x80, s4, s9, $0xb8;
	[tilespmem:$0x1E800] =	vst v63  }
.LBB2_14:
.Ltmp36:
0x158: {  	_ =	swait.ge [sflag:s11], $0x1400;
	(pc) =	sbr.rel .LBB2_43-.Ltmp36, $4  }
0x159: {  	[sflag:s11] =	ssyncset.done $0x0  }
0x15a: {  	s26 =	simm.s32 $0x680;
	s8 =	simm.s32 $0x6C00;
	[sflag:s11] =	ssyncadd.s32 $0xFFFFEC00  }
0x15b: {  	[spmem:s2] =	stream.indirect.scatter.add.f32 [tilespmem:s8], [sflag:$0x16], $0x80, s26, s9, $0xb8;
	[tilespmem:$0x1E800] =	vst v63  }
0x15c: {  	s8 =	simm.s32 $0x180  }
.LBB2_12:
0x15d: {  	s17 =	simm.s32 $0x5800  }
0x15e: {  	[tilespmem:s17], [sflag:$0xD] =	stream.indirect.gather [hbm4b:s1+s9], $0x80, s7, s9, $0xb8;
	[tilespmem:$0x1E800] =	vst v63  }
.LBB2_29:
.Ltmp37:
0x15f: {  	(pc) =	sbr.rel .LBB2_43-.Ltmp37, $4  }
0x160: {  	_ =	swait.ge [sflag:s16], $0x1400  }
0x161: {  	[sflag:s16] =	ssyncset.done $0x0  }
0x162: {  	s26 =	simm.s32 $0x480;
	s17 =	simm.s32 $0x1C00;
	[sflag:s16] =	ssyncadd.s32 $0xFFFFEC00  }
0x163: {  	[spmem:s2] =	stream.indirect.scatter.add.f32 [tilespmem:s17], [sflag:$0x12], $0x80, s26, s9, $0xb8;
	[tilespmem:$0x1E800] =	vst v63  }
.LBB2_20:
0x164: {  	s26 =	simm.s32 $0x100;
	s17 =	simm.s32 $0x3000  }
0x165: {  	[tilespmem:s17], [sflag:$0xB] =	stream.indirect.gather [hbm4b:s1+s9], $0x80, s26, s9, $0xb8;
	[tilespmem:$0x1E800] =	vst v63  }
.LBB2_22:
.Ltmp38:
0x166: {  	(pc) =	sbr.rel .LBB2_43-.Ltmp38, $4  }
0x167: {  	_ =	swait.ge [sflag:s28], $0x1400  }
0x168: {  	[sflag:s28] =	ssyncset.done $0x0  }
0x169: {  	s17 =	simm.s32 $0x780;
	[sflag:s28] =	ssyncadd.s32 $0xFFFFEC00  }
0x16a: {  	[spmem:s2] =	stream.indirect.scatter.add.f32 [tilespmem:s24], [sflag:$0x18], $0x80, s17, s9, $0xb8;
	[tilespmem:$0x1E800] =	vst v63  }
.LBB2_35:
0x16b: {  	s26 =	simm.s32 $0x8000;
	s17 =	simm.s32 $0x300  }
0x16c: {  	[tilespmem:s26], [sflag:$0xF] =	stream.indirect.gather [hbm4b:s1+s9], $0x80, s17, s9, $0xb8;
	[tilespmem:$0x1E800] =	vst v63  }
.LBB2_37:
.Ltmp39:
0x16d: {  	(pc) =	sbr.rel .LBB2_43-.Ltmp39, $4  }
0x16e: {  	_ =	swait.ge [sflag:s23], $0x1400  }
0x16f: {  	[sflag:s23] =	ssyncset.done $0x0  }
0x170: {  	s26 =	simm.s32 $0x580;
	s17 =	simm.s32 $0x4400;
	[sflag:s23] =	ssyncadd.s32 $0xFFFFEC00  }
0x171: {  	[spmem:s2] =	stream.indirect.scatter.add.f32 [tilespmem:s17], [sflag:$0x14], $0x80, s26, s9, $0xb8;
	[tilespmem:$0x1E800] =	vst v63  }
.LBB2_16:
0x172: {  	s26 =	simm.s32 $0x80;
	s7 =	simm.s32 $0x1C00  }
0x173: {  	[tilespmem:s7], [sflag:$0xA] =	stream.indirect.gather [hbm4b:s1+s9], $0x80, s26, s9, $0xb8;
	[tilespmem:$0x1E800] =	vst v63  }
.LBB2_18:
.Ltmp40:
0x174: {  	_ =	swait.ge [sflag:s18], $0x1400;
	(pc) =	sbr.rel .LBB2_43-.Ltmp40, $4  }
0x175: {  	[sflag:s18] =	ssyncset.done $0x0  }
0x176: {  	s26 =	simm.s32 $0x700;
	s7 =	simm.s32 $0x8000;
	[sflag:s18] =	ssyncadd.s32 $0xFFFFEC00  }
0x177: {  	[spmem:s2] =	stream.indirect.scatter.add.f32 [tilespmem:s7], [sflag:$0x17], $0x80, s26, s9, $0xb8;
	[tilespmem:$0x1E800] =	vst v63  }
0x178: {  	s7 =	simm.s32 $0x200  }
.LBB2_31:
0x179: {  	s26 =	simm.s32 $0x6C00;
	s17 =	simm.s32 $0x280  }
0x17a: {  	[tilespmem:s26], [sflag:$0xE] =	stream.indirect.gather [hbm4b:s1+s9], $0x80, s17, s9, $0xb8;
	[tilespmem:$0x1E800] =	vst v63  }
.LBB2_33:
.Ltmp41:
0x17b: {  	(pc) =	sbr.rel .LBB2_43-.Ltmp41, $4  }
0x17c: {  	_ =	swait.ge [sflag:s29], $0x1400  }
0x17d: {  	[sflag:s29] =	ssyncset.done $0x0  }
0x17e: {  	s26 =	simm.s32 $0x500;
	s17 =	simm.s32 $0x3000;
	[sflag:s29] =	ssyncadd.s32 $0xFFFFEC00  }
0x17f: {  	[spmem:s2] =	stream.indirect.scatter.add.f32 [tilespmem:s17], [sflag:$0x13], $0x80, s26, s9, $0xb8;
	[tilespmem:$0x1E800] =	vst v63  }
.LBB2_25:
0x180: {  	s17 =	simm.s32 $0x4400  }
0x181: {  	[tilespmem:s17], [sflag:$0xC] =	stream.indirect.gather [hbm4b:s1+s9], $0x80, s8, s9, $0xb8;
	[tilespmem:$0x1E800] =	vst v63  }
.LBB2_27:
.Ltmp42:
0x182: {  	(pc) =	sbr.rel .LBB2_43-.Ltmp42, $4  }
0x183: {  	_ =	swait.ge [sflag:s12], $0x1400  }
0x184: {  	[sflag:s12] =	ssyncset.done $0x0  }
0x185: {  	s26 =	simm.s32 $0x400;
	[sflag:s12] =	ssyncadd.s32 $0xFFFFEC00  }
0x186: {  	[spmem:s2] =	stream.indirect.scatter.add.f32 [tilespmem:s30], [sflag:$0x11], $0x80, s26, s9, $0xb8;
	[tilespmem:$0x1E800] =	vst v63  }
.LBB2_45:
0x187: {  	_ =	sfence.sel $0x180000  }
0x188: {  	[bflag:$0x0] =	sbarrier.arrive $0xFFFF  }
0x189: {  	_ =	strace $0x9000004A  }
0x18a: {  	s0 =	stileid.u32;
	[bflag:$0x2] =	sbarrier.arrive $0xFFFF  }
0x18b: {  	p0 =	sne.s32 s0, $0x0;
	s0 =	rddreg [dreg:$0x3]  }
0x18c: {  	s0 =	sadd.s32 @!p0 $0x100000, s0  }
0x18d: {  	[sflag:s0] =	ssyncadd.tile.s32 @!p0 $0x1;
	_ =	shalt  }
.Lfunc_end2:
_tile_overlayer_lowered:
.L_overlay_start_2:
0x18e: {  	(tag) =	ssettag $0x2  }
0x18f: {  	s0 =	rddreg [dreg:$0x0];
	s2 =	stileid.u32  }
0x190: {  	s1 =	rddreg [dreg:$0x1];
	p0 =	sne.s32 s2, $0x0  }
0x191: {  	s3 =	rddreg [dreg:$0x2];
	[bflag:$0x3] =	sbarrier.arrive $0xFFFF;
	s2 =	simm.s32 @!p0 $0x1C19  }
0x192: {  	[timem:s3], [sflag:s2] =	dma.local @!p0 [hbm:s0], s1  }
0x193: {  	s0 =	simm.s32 @!p0 $0x19  }
0x194: {  	_ =	swait.ge @!p0 [sflag:s0], s1  }
0x195: {  	s1 =	ssub.s32 @!p0 $0x0, s1;
	[sflag:s0] =	ssyncset.done @!p0 $0x0  }
0x196: {  	[sflag:s0] =	ssyncadd.s32 @!p0 s1  }
0x197: {  	[bflag:$0x3] =	sbarrier.arrive $0xFFFF  }
0x198: {  	_ =	shalt  }

</sc_bundles>
